<compile_context>
chip_gen: v7x
topology: tpu7x:2x2x1
jax: 0.10.2.dev20260603
libtpu: 0.0.44.dev20260713+nightly
codegen_flags: <defaults>
</compile_context>

<pallas_src>
import functools

import jax
import jax.numpy as jnp
from jax import lax
from jax.experimental import pallas as pl
from jax.experimental.pallas import tpu as pltpu
from jax.experimental.pallas import tpu_sc as plsc

N = 10000
D = 128
DH = D // 2
E = 320000
NC = 2
NS = 16
EPS = E // NS
C = 125
NCHUNK = EPS // C
NCHD = NCHUNK // NC
RPT = 624
TAIL = N - NS * RPT
ZB = 48
DW = 16


def _zero_fill(buf, nrows, width):
    @pl.loop(0, nrows)
    def _(r):
        @pl.loop(0, width, step=16)
        def _(j):
            buf[r, pl.ds(j, 16)] = jnp.zeros((16,), jnp.float32)


def _zero_accum(sid, zb, accum, sem):
    @pl.loop(0, RPT // ZB)
    def _(k):
        pltpu.async_copy(zb, accum.at[pl.ds(sid * RPT + k * ZB, ZB)], sem)

    @pl.when(sid == NS - 1)
    def _():
        pltpu.async_copy(zb.at[pl.ds(0, TAIL)],
                         accum.at[pl.ds(NS * RPT, TAIL)], sem)

    @pl.loop(0, RPT // ZB)
    def _(k):
        pltpu.make_async_copy(
            zb, accum.at[pl.ds(sid * RPT + k * ZB, ZB)], sem).wait()

    @pl.when(sid == NS - 1)
    def _():
        pltpu.make_async_copy(
            zb.at[pl.ds(0, TAIL)], accum.at[pl.ds(NS * RPT, TAIL)],
            sem).wait()


def _drain_accum(cid, sid, accum, out_hbm):
    pltpu.sync_copy(accum.at[pl.ds(sid * RPT, RPT)],
                    out_hbm.at[cid, pl.ds(sid * RPT, RPT)])

    @pl.when(sid == NS - 1)
    def _():
        pltpu.sync_copy(accum.at[pl.ds(NS * RPT, TAIL)],
                        out_hbm.at[cid, pl.ds(NS * RPT, TAIL)])


def _sc_degree(dstw):
    mesh = plsc.VectorSubcoreMesh(core_axis_name="c", subcore_axis_name="s")

    @functools.partial(
        pl.kernel,
        out_type=jax.ShapeDtypeStruct((NC, N, DH), jnp.float32),
        mesh=mesh,
        scratch_types=[
            pltpu.VMEM((NCHD, C), jnp.int32),
            pltpu.VMEM((C, DW), jnp.float32),
            pltpu.VMEM((ZB, DW), jnp.float32),
            pltpu.VMEM((RPT + TAIL, DW), jnp.float32),
            pltpu.VMEM((RPT + TAIL, DH), jnp.float32),
            pltpu.VMEM_SHARED((N, DW), jnp.float32),
            pltpu.SemaphoreType.DMA,
            pltpu.SemaphoreType.DMA,
            pltpu.SemaphoreType.DMA,
        ],
        compiler_params=pltpu.CompilerParams(use_tc_tiling_on_sc=False),
    )
    def deg_kernel(edge_hbm, out_hbm, idxb, onesb, zb, tmp16, tmp64, accum,
                   sem_z, sem_i, sem_s):
        cid = lax.axis_index("c")
        sid = lax.axis_index("s")
        idx_src = edge_hbm.at[1, sid, pl.ds(cid * NCHD, NCHD)]
        pltpu.async_copy(idx_src, idxb, sem_i)
        _zero_fill(zb, ZB, DW)

        @pl.loop(0, C)
        def _(r):
            onesb[r, :] = jnp.ones((16,), jnp.float32)

        _zero_accum(sid, zb, accum, sem_z)
        plsc.subcore_barrier()
        pltpu.make_async_copy(idx_src, idxb, sem_i).wait()

        KF = 16

        @pl.loop(0, NCHD // KF)
        def _(g):
            @pl.loop(0, KF)
            def _(j):
                pltpu.async_copy(onesb, accum.at[idxb.at[g * KF + j]],
                                 sem_s, add=True)

            @pl.loop(0, KF)
            def _(j):
                pltpu.make_async_copy(onesb, accum.at[idxb.at[g * KF + j]],
                                      sem_s).wait()

        plsc.subcore_barrier()
        nmine = RPT + TAIL
        pltpu.sync_copy(accum.at[pl.ds(sid * RPT, RPT)],
                        tmp16.at[pl.ds(0, RPT)])

        @pl.when(sid == NS - 1)
        def _():
            pltpu.sync_copy(accum.at[pl.ds(NS * RPT, TAIL)],
                            tmp16.at[pl.ds(RPT, TAIL)])

        @pl.loop(0, nmine)
        def _(r):
            v = tmp16[r, :]
            tmp64[r, pl.ds(0, 16)] = v
            tmp64[r, pl.ds(16, 16)] = v
            tmp64[r, pl.ds(32, 16)] = v
            tmp64[r, pl.ds(48, 16)] = v

        pltpu.sync_copy(tmp64.at[pl.ds(0, RPT)],
                        out_hbm.at[cid, pl.ds(sid * RPT, RPT)])

        @pl.when(sid == NS - 1)
        def _():
            pltpu.sync_copy(tmp64.at[pl.ds(RPT, TAIL)],
                            out_hbm.at[cid, pl.ds(NS * RPT, TAIL)])

    return deg_kernel(dstw)


def _sc_message(values, eiw):
    mesh = plsc.VectorSubcoreMesh(core_axis_name="c", subcore_axis_name="s")

    @functools.partial(
        pl.kernel,
        out_type=jax.ShapeDtypeStruct((NC, N, DH), jnp.float32),
        mesh=mesh,
        scratch_types=[
            pltpu.VMEM((NCHUNK, C), jnp.int32),
            pltpu.VMEM((NCHUNK, C), jnp.int32),
            pltpu.VMEM((C, DH), jnp.float32),
            pltpu.VMEM((C, DH), jnp.float32),
            pltpu.VMEM((C, DH), jnp.float32),
            pltpu.VMEM((C, DH), jnp.float32),
            pltpu.VMEM((ZB, DH), jnp.float32),
            pltpu.VMEM_SHARED((N, DH), jnp.float32),
            pltpu.SemaphoreType.DMA,
            pltpu.SemaphoreType.DMA,
            pltpu.SemaphoreType.DMA,
            pltpu.SemaphoreType.DMA,
            pltpu.SemaphoreType.DMA,
            pltpu.SemaphoreType.DMA,
            pltpu.SemaphoreType.DMA,
            pltpu.SemaphoreType.DMA,
            pltpu.SemaphoreType.DMA,
            pltpu.SemaphoreType.DMA,
        ],
        compiler_params=pltpu.CompilerParams(use_tc_tiling_on_sc=False),
    )
    def msg_kernel(val_hbm, edge_hbm, out_hbm, srcb, dstb, rows0,
                   rows1, rows2, rows3, zb, accum, sem_z, sem_i, sg0, sg1,
                   sg2, sg3, ss0, ss1, ss2, ss3):
        cid = lax.axis_index("c")
        sid = lax.axis_index("s")
        vals = val_hbm.at[cid]
        bufs = (rows0, rows1, rows2, rows3)
        sems = (sg0, sg1, sg2, sg3)
        ssems = (ss0, ss1, ss2, ss3)
        pltpu.async_copy(edge_hbm.at[0, sid], srcb, sem_i)
        pltpu.async_copy(edge_hbm.at[1, sid], dstb, sem_i)
        _zero_fill(zb, ZB, DH)
        _zero_accum(sid, zb, accum, sem_z)
        plsc.subcore_barrier()
        pltpu.make_async_copy(edge_hbm.at[0, sid], srcb, sem_i).wait()
        pltpu.make_async_copy(edge_hbm.at[1, sid], dstb, sem_i).wait()

        def gather(i, j):
            pltpu.async_copy(vals.at[srcb.at[i]], bufs[j], sems[j])

        def wait_g(i, j):
            pltpu.make_async_copy(vals.at[srcb.at[i]], bufs[j], sems[j]).wait()

        def scatter(i, j):
            pltpu.sync_copy(bufs[j], accum.at[dstb.at[i]], add=True)

        gather(0, 0)
        gather(1, 1)
        gather(2, 2)

        @pl.loop(0, NCHUNK // 4 - 1)
        def _(g):
            i0 = 4 * g
            for j in range(4):
                i = i0 + j
                gather(i + 3, (j + 3) % 4)
                wait_g(i, j)
                scatter(i, j)

        base = NCHUNK - 4
        gather(NCHUNK - 1, 3)
        for j in range(4):
            wait_g(base + j, j)
            scatter(base + j, j)

        plsc.subcore_barrier()
        _drain_accum(cid, sid, accum, out_hbm)

    return msg_kernel(values, eiw)


NP = N // 2
_BR = 1000


def _bd(w, c, d):
    wcd = w[DH * c:DH * (c + 1), DH * d:DH * (d + 1)]
    z = jnp.zeros((DH, DH), jnp.float32)
    return jnp.concatenate([jnp.concatenate([wcd, z], axis=1),
                            jnp.concatenate([z, wcd], axis=1)], axis=0)


def _bvec(b_ref, c):
    half = b_ref[:, DH * c:DH * (c + 1)]
    return jnp.concatenate([half, half], axis=1)


def _dis(degb_ref):
    return lax.rsqrt(1.0 + degb_ref[0] + degb_ref[1])


def _tc_hws1(degb, x, W_in, b_in, W1):
    def body(degb_ref, x_ref, win_ref, bin_ref, w1_ref, o_ref):
        dis = _dis(degb_ref)
        wc = jnp.dot(win_ref[...], w1_ref[...],
                     preferred_element_type=jnp.float32)
        bc = jnp.dot(bin_ref[...], w1_ref[...],
                     preferred_element_type=jnp.float32)
        hw = jnp.dot(x_ref[...], wc, preferred_element_type=jnp.float32) + bc
        he = hw.reshape(_BR, 2, D)[:, 0, :]
        ho = hw.reshape(_BR, 2, D)[:, 1, :]
        for d in range(NC):
            o_ref[d] = jnp.concatenate(
                [he[:, DH * d:DH * (d + 1)], ho[:, DH * d:DH * (d + 1)]],
                axis=1) * dis

    return pl.pallas_call(
        body,
        grid=(NP // _BR,),
        in_specs=[
            pl.BlockSpec((NC, _BR, D), lambda i: (0, i, 0)),
            pl.BlockSpec((2 * _BR, D), lambda i: (i, 0)),
            pl.BlockSpec((D, D), lambda i: (0, 0)),
            pl.BlockSpec((1, D), lambda i: (0, 0)),
            pl.BlockSpec((D, D), lambda i: (0, 0)),
        ],
        out_specs=pl.BlockSpec((NC, _BR, D), lambda i: (0, i, 0)),
        out_shape=jax.ShapeDtypeStruct((NC, NP, D), jnp.float32),
    )(degb, x, W_in, b_in.reshape(1, D), W1)


def _tc_mid(degb, mp, hws1, b1, W2):
    def body(degb_ref, mp_ref, hws1_ref, b1_ref, w2_ref, o_ref):
        dis = _dis(degb_ref)
        h1 = []
        for c in range(NC):
            s = mp_ref[c] + hws1_ref[c]
            h1.append(jnp.maximum(dis * s + _bvec(b1_ref, c), 0.0))
        for d in range(NC):
            acc = jnp.dot(h1[0], _bd(w2_ref[...], 0, d),
                          preferred_element_type=jnp.float32)
            acc = acc + jnp.dot(h1[1], _bd(w2_ref[...], 1, d),
                                preferred_element_type=jnp.float32)
            o_ref[d] = acc * dis

    return pl.pallas_call(
        body,
        grid=(NP // _BR,),
        in_specs=[
            pl.BlockSpec((NC, _BR, D), lambda i: (0, i, 0)),
            pl.BlockSpec((NC, _BR, D), lambda i: (0, i, 0)),
            pl.BlockSpec((NC, _BR, D), lambda i: (0, i, 0)),
            pl.BlockSpec((1, D), lambda i: (0, 0)),
            pl.BlockSpec((D, D), lambda i: (0, 0)),
        ],
        out_specs=pl.BlockSpec((NC, _BR, D), lambda i: (0, i, 0)),
        out_shape=jax.ShapeDtypeStruct((NC, NP, D), jnp.float32),
    )(degb, mp, hws1, b1.reshape(1, D), W2)


def _tc_final(degb, mp, hws2, b2):
    def body(degb_ref, mp_ref, hws2_ref, b2_ref, o_ref):
        dis = _dis(degb_ref)
        o = []
        for c in range(NC):
            s = mp_ref[c] + hws2_ref[c]
            o.append(dis * s + _bvec(b2_ref, c))
        even = jnp.concatenate([o[0][:, :DH], o[1][:, :DH]], axis=1)
        odd = jnp.concatenate([o[0][:, DH:], o[1][:, DH:]], axis=1)
        o_ref[...] = jnp.stack([even, odd], axis=1).reshape(2 * _BR, D)

    return pl.pallas_call(
        body,
        grid=(NP // _BR,),
        in_specs=[
            pl.BlockSpec((NC, _BR, D), lambda i: (0, i, 0)),
            pl.BlockSpec((NC, _BR, D), lambda i: (0, i, 0)),
            pl.BlockSpec((NC, _BR, D), lambda i: (0, i, 0)),
            pl.BlockSpec((1, D), lambda i: (0, 0)),
        ],
        out_specs=pl.BlockSpec((2 * _BR, D), lambda i: (i, 0)),
        out_shape=jax.ShapeDtypeStruct((N, D), jnp.float32),
    )(degb, mp, hws2, b2.reshape(1, D))


def kernel(x, edge_index, W_in, b_in, W1, b1, W2, b2):
    eiw = edge_index.astype(jnp.int32).reshape(2, NS, NCHUNK, C)
    degb = _sc_degree(eiw).reshape(NC, NP, D)
    hws1 = _tc_hws1(degb, x, W_in, b_in, W1)
    mp1 = _sc_message(hws1.reshape(NC, N, DH), eiw)
    hws2 = _tc_mid(degb, mp1.reshape(NC, NP, D), hws1, b1, W2)
    mp2 = _sc_message(hws2.reshape(NC, N, DH), eiw)
    return _tc_final(degb, mp2.reshape(NC, NP, D), hws2, b2)

# --- scband reference (transcript-rebuilt; emitter-appended) ---
"""Pipeline reference for scband-gcn-63513976373672 (READ-ONLY COPY).

The authoritative reference and input builder live on the scoring server;
editing this copy changes nothing except your own understanding.
"""

import jax, jax.numpy as jnp
import numpy as np

N = 10000
D_IN = 128
D_HID = 128
D_OUT = 128
E = 320000


def _uniform(key, shape, fan_in):
    s = float(np.sqrt(1.0 / fan_in))
    return jax.random.uniform(key, shape, dtype=jnp.float32, minval=-s, maxval=s)


def setup_inputs(seed: int = 0) -> dict:
    key = jax.random.key(seed)
    ks = jax.random.split(key, 9)
    x = jax.random.normal(ks[0], (N, D_IN), dtype=jnp.float32)
    edge_index = jax.random.randint(ks[1], (2, E), 0, N, dtype=jnp.int64)
    W_in = _uniform(ks[2], (D_IN, D_HID), D_IN)
    b_in = _uniform(ks[3], (D_HID,), D_IN)
    W1 = _uniform(ks[4], (D_HID, D_HID), D_HID)
    b1 = jnp.zeros((D_HID,), dtype=jnp.float32)
    W2 = _uniform(ks[5], (D_HID, D_OUT), D_HID)
    b2 = jnp.zeros((D_OUT,), dtype=jnp.float32)
    return {"x": x, "edge_index": edge_index, "W_in": W_in, "b_in": b_in,
            "W1": W1, "b1": b1, "W2": W2, "b2": b2}


def _gcn_conv(h, src, dst, deg_inv_sqrt, W, b):
    # GCNConv: h' = D^{-1/2} (A + I) D^{-1/2} (h W) + b
    hw = h @ W
    norm = deg_inv_sqrt[src] * deg_inv_sqrt[dst]
    msg = hw[src] * norm[:, None]
    out = jax.ops.segment_sum(msg, dst, num_segments=N)
    return out + b


def reference(x, edge_index, W_in, b_in, W1, b1, W2, b2):
    # per-node-type input linear (single homogeneous node type here)
    h = x @ W_in + b_in
    # to_homogeneous is identity for a single node type
    loops = jnp.arange(N, dtype=edge_index.dtype)
    src = jnp.concatenate([edge_index[0], loops])
    dst = jnp.concatenate([edge_index[1], loops])
    deg = jax.ops.segment_sum(jnp.ones_like(dst, dtype=h.dtype), dst, num_segments=N)
    deg_inv_sqrt = jnp.where(deg > 0, jax.lax.rsqrt(jnp.maximum(deg, 1e-12)), 0.0)
    # PyG GCN with num_layers=2: conv -> relu -> conv
    h = jax.nn.relu(_gcn_conv(h, src, dst, deg_inv_sqrt, W1, b1))
    h = _gcn_conv(h, src, dst, deg_inv_sqrt, W2, b2)
    return h

if __name__ == "__main__":
    import jax
    _d = setup_inputs()
    print(jax.jit(kernel)(*tuple(_d.values())))

</pallas_src>

<mosaic_0001>
#map = affine_map<(d0, d1) -> (0, 0, 0)>
#map1 = affine_map<(d0, d1) -> (0, 0, 0, 0)>
module attributes {stable_mosaic.version = 14 : i64} {
  func.func @msg_kernel(%arg0: i32, %arg1: i32, %arg2: memref<2x10000x64xf32, #tpu.memory_space<hbm>>, %arg3: memref<2x16x160x125xi32, #tpu.memory_space<hbm>>, %arg4: memref<2x10000x64xf32, #tpu.memory_space<hbm>>, %arg5: memref<160x125xi32, #tpu.memory_space<vmem>>, %arg6: memref<160x125xi32, #tpu.memory_space<vmem>>, %arg7: memref<125x64xf32, #tpu.memory_space<vmem>>, %arg8: memref<125x64xf32, #tpu.memory_space<vmem>>, %arg9: memref<125x64xf32, #tpu.memory_space<vmem>>, %arg10: memref<125x64xf32, #tpu.memory_space<vmem>>, %arg11: memref<48x64xf32, #tpu.memory_space<vmem>>, %arg12: memref<10000x64xf32, #tpu.memory_space<vmem_shared>>, %arg13: memref<!tpu.dma_semaphore, #tpu.memory_space<semaphore_mem>>, %arg14: memref<!tpu.dma_semaphore, #tpu.memory_space<semaphore_mem>>, %arg15: memref<!tpu.dma_semaphore, #tpu.memory_space<semaphore_mem>>, %arg16: memref<!tpu.dma_semaphore, #tpu.memory_space<semaphore_mem>>, %arg17: memref<!tpu.dma_semaphore, #tpu.memory_space<semaphore_mem>>, %arg18: memref<!tpu.dma_semaphore, #tpu.memory_space<semaphore_mem>>, %arg19: memref<!tpu.dma_semaphore, #tpu.memory_space<semaphore_mem>>, %arg20: memref<!tpu.dma_semaphore, #tpu.memory_space<semaphore_mem>>, %arg21: memref<!tpu.dma_semaphore, #tpu.memory_space<semaphore_mem>>, %arg22: memref<!tpu.dma_semaphore, #tpu.memory_space<semaphore_mem>>) attributes {dimension_semantics = [#tpu.dimension_semantics<core_parallel>, #tpu.dimension_semantics<subcore_parallel>], iteration_bounds = array<i64: 2, 16>, scalar_prefetch = 0 : i64, scratch_operands = 18 : i64, tpu.core_type = #tpu.core_type<sc_vector_subcore>, window_params = [{transform_indices = #map}, {transform_indices = #map1}, {transform_indices = #map}]} {
    %dma_start3A = arith.constant 0 : i32
    %dma_start3A_0 = arith.constant 0 : i32
    %dma_start3A_1 = arith.constant 0 : i32
    %dma_start3A_2 = tpu.memref_slice %arg3[%dma_start3A, %arg1, %dma_start3A_0, %dma_start3A_1] : memref<2x16x160x125xi32, #tpu.memory_space<hbm>> -> memref<1x1x160x125xi32, #tpu.memory_space<hbm>>
    %dma_start3A_3 = tpu.memref_squeeze %dma_start3A_2 : memref<1x1x160x125xi32, #tpu.memory_space<hbm>> -> memref<160x125xi32, #tpu.memory_space<hbm>>
    %dma_start3A_4 = arith.constant 0 : i32
    %dma_start3A_5 = arith.constant 0 : i32
    %dma_start3A_6 = tpu.memref_slice %arg3[%dma_start3A, %arg1, %dma_start3A_4, %dma_start3A_5] : memref<2x16x160x125xi32, #tpu.memory_space<hbm>> -> memref<1x1x160x125xi32, #tpu.memory_space<hbm>>
    %dma_start3A_7 = tpu.memref_squeeze %dma_start3A_6 : memref<1x1x160x125xi32, #tpu.memory_space<hbm>> -> memref<160x125xi32, #tpu.memory_space<hbm>>
    tpu.enqueue_dma source(%dma_start3A_7 : memref<160x125xi32, #tpu.memory_space<hbm>>) target(%arg5 : memref<160x125xi32, #tpu.memory_space<vmem>>) target_semaphore(%arg14 : memref<!tpu.dma_semaphore, #tpu.memory_space<semaphore_mem>>)
    %dma_start3A_8 = arith.constant 1 : i32
    %dma_start3A_9 = arith.constant 0 : i32
    %dma_start3A_10 = arith.constant 0 : i32
    %dma_start3A_11 = tpu.memref_slice %arg3[%dma_start3A_8, %arg1, %dma_start3A_9, %dma_start3A_10] : memref<2x16x160x125xi32, #tpu.memory_space<hbm>> -> memref<1x1x160x125xi32, #tpu.memory_space<hbm>>
    %dma_start3A_12 = tpu.memref_squeeze %dma_start3A_11 : memref<1x1x160x125xi32, #tpu.memory_space<hbm>> -> memref<160x125xi32, #tpu.memory_space<hbm>>
    %dma_start3A_13 = arith.constant 0 : i32
    %dma_start3A_14 = arith.constant 0 : i32
    %dma_start3A_15 = tpu.memref_slice %arg3[%dma_start3A_8, %arg1, %dma_start3A_13, %dma_start3A_14] : memref<2x16x160x125xi32, #tpu.memory_space<hbm>> -> memref<1x1x160x125xi32, #tpu.memory_space<hbm>>
    %dma_start3A_16 = tpu.memref_squeeze %dma_start3A_15 : memref<1x1x160x125xi32, #tpu.memory_space<hbm>> -> memref<160x125xi32, #tpu.memory_space<hbm>>
    tpu.enqueue_dma source(%dma_start3A_16 : memref<160x125xi32, #tpu.memory_space<hbm>>) target(%arg6 : memref<160x125xi32, #tpu.memory_space<vmem>>) target_semaphore(%arg14 : memref<!tpu.dma_semaphore, #tpu.memory_space<semaphore_mem>>)
    %scan3A = arith.constant 0 : i32
    %scan3A_17 = arith.constant 48 : i32
    %scan3A_18 = arith.addi %scan3A, %scan3A_17 : i32
    %scan3A_19 = arith.constant 1 : i32
    scf.for %scan3A_160 = %scan3A to %scan3A_18 step %scan3A_19  : i32 {
      %mul3A_161 = arith.constant 1 : i32
      %mul3A_162 = arith.muli %scan3A_160, %mul3A_161 : i32
      %add3A = arith.constant 0 : i32
      %add3A_163 = arith.addi %add3A, %mul3A_162 : i32
      %scan3A_164 = arith.constant 0 : i32
      %scan3A_165 = arith.constant 4 : i32
      %scan3A_166 = arith.addi %scan3A_164, %scan3A_165 : i32
      %scan3A_167 = arith.constant 1 : i32
      scf.for %scan3A_169 = %scan3A_164 to %scan3A_166 step %scan3A_167  : i32 {
        %mul3A_170 = arith.constant 16 : i32
        %mul3A_171 = arith.muli %scan3A_169, %mul3A_170 : i32
        %add3A_172 = arith.constant 0 : i32
        %add3A_173 = arith.addi %add3A_172, %mul3A_171 : i32
        %broadcast_in_dim3A = arith.constant 0.000000e+00 : f32
        %broadcast_in_dim3A_174 = vector.broadcast %broadcast_in_dim3A : f32 to vector<16xf32>
        %swap3A = arith.index_cast %add3A_163 : i32 to index
        %swap3A_175 = arith.index_cast %add3A_173 : i32 to index
        %swap3A_176 = tpu.vector_load %arg11[%swap3A, %swap3A_175] {strides = array<i32>} : memref<48x64xf32, #tpu.memory_space<vmem>>, vector<1x16xf32>,
        %swap3A_177 = vector.shape_cast %swap3A_176 : vector<1x16xf32> to vector<16xf32>
        %swap3A_178 = vector.shape_cast %broadcast_in_dim3A_174 : vector<16xf32> to vector<1x16xf32>
        tpu.vector_store %arg11[%swap3A, %swap3A_175], %swap3A_178 {strides = array<i32>} : memref<48x64xf32, #tpu.memory_space<vmem>>, vector<1x16xf32>,
      }
      %scan3A_168 = arith.constant 4 : i32
    }
    %scan3A_20 = arith.constant 48 : i32
    %scan3A_21 = arith.constant 0 : i32
    %scan3A_22 = arith.constant 13 : i32
    %scan3A_23 = arith.addi %scan3A_21, %scan3A_22 : i32
    %scan3A_24 = arith.constant 1 : i32
    scf.for %scan3A_160 = %scan3A_21 to %scan3A_23 step %scan3A_24  : i32 {
      %mul3A_161 = arith.constant 1 : i32
      %mul3A_162 = arith.muli %scan3A_160, %mul3A_161 : i32
      %add3A = arith.constant 0 : i32
      %add3A_163 = arith.addi %add3A, %mul3A_162 : i32
      %mul3A_164 = arith.constant 624 : i32
      %mul3A_165 = arith.muli %arg1, %mul3A_164 : i32
      %mul3A_166 = arith.constant 48 : i32
      %mul3A_167 = arith.muli %add3A_163, %mul3A_166 : i32
      %add3A_168 = arith.addi %mul3A_165, %mul3A_167 : i32
      %dma_start3A_169 = arith.constant 0 : i32
      %dma_start3A_170 = tpu.memref_slice %arg12[%add3A_168, %dma_start3A_169] : memref<10000x64xf32, #tpu.memory_space<vmem_shared>> -> memref<48x64xf32, #tpu.memory_space<vmem_shared>>
      %dma_start3A_171 = arith.constant 0 : i32
      %dma_start3A_172 = tpu.memref_slice %arg12[%add3A_168, %dma_start3A_171] : memref<10000x64xf32, #tpu.memory_space<vmem_shared>> -> memref<48x64xf32, #tpu.memory_space<vmem_shared>>
      tpu.enqueue_dma source(%arg11 : memref<48x64xf32, #tpu.memory_space<vmem>>) target(%dma_start3A_172 : memref<48x64xf32, #tpu.memory_space<vmem_shared>>) target_semaphore(%arg13 : memref<!tpu.dma_semaphore, #tpu.memory_space<semaphore_mem>>)
    }
    %scan3A_25 = arith.constant 13 : i32
    %eq3A = arith.constant 15 : i32
    %eq3A_26 = arith.cmpi eq, %arg1, %eq3A : i32
    %convert_element_type3A = arith.extui %eq3A_26 : i1 to i32
    %cond3A = arith.constant 0 : i32
    %cond3A_27 = arith.cmpi ne, %convert_element_type3A, %cond3A : i32
    scf.if %cond3A_27 {
      %dma_start3A_160 = arith.constant 0 : i32
      %dma_start3A_161 = arith.constant 0 : i32
      %dma_start3A_162 = tpu.memref_slice %arg11[%dma_start3A_160, %dma_start3A_161] : memref<48x64xf32, #tpu.memory_space<vmem>> -> memref<16x64xf32, #tpu.memory_space<vmem>>
      %dma_start3A_163 = arith.constant 9984 : i32
      %dma_start3A_164 = arith.constant 0 : i32
      %dma_start3A_165 = tpu.memref_slice %arg12[%dma_start3A_163, %dma_start3A_164] : memref<10000x64xf32, #tpu.memory_space<vmem_shared>> -> memref<16x64xf32, #tpu.memory_space<vmem_shared>>
      %dma_start3A_166 = arith.constant 9984 : i32
      %dma_start3A_167 = arith.constant 0 : i32
      %dma_start3A_168 = tpu.memref_slice %arg12[%dma_start3A_166, %dma_start3A_167] : memref<10000x64xf32, #tpu.memory_space<vmem_shared>> -> memref<16x64xf32, #tpu.memory_space<vmem_shared>>
      %dma_start3A_169 = arith.constant 0 : i32
      %dma_start3A_170 = arith.constant 0 : i32
      %dma_start3A_171 = tpu.memref_slice %arg11[%dma_start3A_169, %dma_start3A_170] : memref<48x64xf32, #tpu.memory_space<vmem>> -> memref<16x64xf32, #tpu.memory_space<vmem>>
      tpu.enqueue_dma source(%dma_start3A_171 : memref<16x64xf32, #tpu.memory_space<vmem>>) target(%dma_start3A_168 : memref<16x64xf32, #tpu.memory_space<vmem_shared>>) target_semaphore(%arg13 : memref<!tpu.dma_semaphore, #tpu.memory_space<semaphore_mem>>)
    } else {
    }
    %scan3A_28 = arith.constant 0 : i32
    %scan3A_29 = arith.constant 13 : i32
    %scan3A_30 = arith.addi %scan3A_28, %scan3A_29 : i32
    %scan3A_31 = arith.constant 1 : i32
    scf.for %scan3A_160 = %scan3A_28 to %scan3A_30 step %scan3A_31  : i32 {
      %mul3A_161 = arith.constant 1 : i32
      %mul3A_162 = arith.muli %scan3A_160, %mul3A_161 : i32
      %add3A = arith.constant 0 : i32
      %add3A_163 = arith.addi %add3A, %mul3A_162 : i32
      %mul3A_164 = arith.constant 624 : i32
      %mul3A_165 = arith.muli %arg1, %mul3A_164 : i32
      %mul3A_166 = arith.constant 48 : i32
      %mul3A_167 = arith.muli %add3A_163, %mul3A_166 : i32
      %add3A_168 = arith.addi %mul3A_165, %mul3A_167 : i32
      %dma_wait3A_169 = arith.constant 0 : i32
      %dma_wait3A_170 = tpu.memref_slice %arg12[%add3A_168, %dma_wait3A_169] : memref<10000x64xf32, #tpu.memory_space<vmem_shared>> -> memref<48x64xf32, #tpu.memory_space<vmem_shared>>
      %dma_wait3A_171 = arith.constant 0 : i32
      %dma_wait3A_172 = tpu.memref_slice %arg12[%add3A_168, %dma_wait3A_171] : memref<10000x64xf32, #tpu.memory_space<vmem_shared>> -> memref<48x64xf32, #tpu.memory_space<vmem_shared>>
      tpu.wait_dma2 semaphore(%arg13 : memref<!tpu.dma_semaphore, #tpu.memory_space<semaphore_mem>>) src(%arg11 : memref<48x64xf32, #tpu.memory_space<vmem>>) dst(%dma_wait3A_172 : memref<48x64xf32, #tpu.memory_space<vmem_shared>>)
    }
    %scan3A_32 = arith.constant 13 : i32
    %eq3A_33 = arith.constant 15 : i32
    %eq3A_34 = arith.cmpi eq, %arg1, %eq3A_33 : i32
    %convert_element_type3A_35 = arith.extui %eq3A_34 : i1 to i32
    %cond3A_36 = arith.constant 0 : i32
    %cond3A_37 = arith.cmpi ne, %convert_element_type3A_35, %cond3A_36 : i32
    scf.if %cond3A_37 {
      %dma_wait3A_160 = arith.constant 0 : i32
      %dma_wait3A_161 = arith.constant 0 : i32
      %dma_wait3A_162 = tpu.memref_slice %arg11[%dma_wait3A_160, %dma_wait3A_161] : memref<48x64xf32, #tpu.memory_space<vmem>> -> memref<16x64xf32, #tpu.memory_space<vmem>>
      %dma_wait3A_163 = arith.constant 9984 : i32
      %dma_wait3A_164 = arith.constant 0 : i32
      %dma_wait3A_165 = tpu.memref_slice %arg12[%dma_wait3A_163, %dma_wait3A_164] : memref<10000x64xf32, #tpu.memory_space<vmem_shared>> -> memref<16x64xf32, #tpu.memory_space<vmem_shared>>
      %dma_wait3A_166 = arith.constant 9984 : i32
      %dma_wait3A_167 = arith.constant 0 : i32
      %dma_wait3A_168 = tpu.memref_slice %arg12[%dma_wait3A_166, %dma_wait3A_167] : memref<10000x64xf32, #tpu.memory_space<vmem_shared>> -> memref<16x64xf32, #tpu.memory_space<vmem_shared>>
      %dma_wait3A_169 = arith.constant 0 : i32
      %dma_wait3A_170 = arith.constant 0 : i32
      %dma_wait3A_171 = tpu.memref_slice %arg11[%dma_wait3A_169, %dma_wait3A_170] : memref<48x64xf32, #tpu.memory_space<vmem>> -> memref<16x64xf32, #tpu.memory_space<vmem>>
      tpu.wait_dma2 semaphore(%arg13 : memref<!tpu.dma_semaphore, #tpu.memory_space<semaphore_mem>>) src(%dma_wait3A_171 : memref<16x64xf32, #tpu.memory_space<vmem>>) dst(%dma_wait3A_168 : memref<16x64xf32, #tpu.memory_space<vmem_shared>>)
    } else {
    }
    %barrier3A = arith.constant 0 : index
    tpu.barrier barrier_id(%barrier3A)
    %dma_wait3A = arith.constant 0 : i32
    %dma_wait3A_38 = arith.constant 0 : i32
    %dma_wait3A_39 = arith.constant 0 : i32
    %dma_wait3A_40 = tpu.memref_slice %arg3[%dma_wait3A, %arg1, %dma_wait3A_38, %dma_wait3A_39] : memref<2x16x160x125xi32, #tpu.memory_space<hbm>> -> memref<1x1x160x125xi32, #tpu.memory_space<hbm>>
    %dma_wait3A_41 = tpu.memref_squeeze %dma_wait3A_40 : memref<1x1x160x125xi32, #tpu.memory_space<hbm>> -> memref<160x125xi32, #tpu.memory_space<hbm>>
    %dma_wait3A_42 = arith.constant 0 : i32
    %dma_wait3A_43 = arith.constant 0 : i32
    %dma_wait3A_44 = tpu.memref_slice %arg3[%dma_wait3A, %arg1, %dma_wait3A_42, %dma_wait3A_43] : memref<2x16x160x125xi32, #tpu.memory_space<hbm>> -> memref<1x1x160x125xi32, #tpu.memory_space<hbm>>
    %dma_wait3A_45 = tpu.memref_squeeze %dma_wait3A_44 : memref<1x1x160x125xi32, #tpu.memory_space<hbm>> -> memref<160x125xi32, #tpu.memory_space<hbm>>
    tpu.wait_dma2 semaphore(%arg14 : memref<!tpu.dma_semaphore, #tpu.memory_space<semaphore_mem>>) src(%dma_wait3A_45 : memref<160x125xi32, #tpu.memory_space<hbm>>) dst(%arg5 : memref<160x125xi32, #tpu.memory_space<vmem>>)
    %dma_wait3A_46 = arith.constant 1 : i32
    %dma_wait3A_47 = arith.constant 0 : i32
    %dma_wait3A_48 = arith.constant 0 : i32
    %dma_wait3A_49 = tpu.memref_slice %arg3[%dma_wait3A_46, %arg1, %dma_wait3A_47, %dma_wait3A_48] : memref<2x16x160x125xi32, #tpu.memory_space<hbm>> -> memref<1x1x160x125xi32, #tpu.memory_space<hbm>>
    %dma_wait3A_50 = tpu.memref_squeeze %dma_wait3A_49 : memref<1x1x160x125xi32, #tpu.memory_space<hbm>> -> memref<160x125xi32, #tpu.memory_space<hbm>>
    %dma_wait3A_51 = arith.constant 0 : i32
    %dma_wait3A_52 = arith.constant 0 : i32
    %dma_wait3A_53 = tpu.memref_slice %arg3[%dma_wait3A_46, %arg1, %dma_wait3A_51, %dma_wait3A_52] : memref<2x16x160x125xi32, #tpu.memory_space<hbm>> -> memref<1x1x160x125xi32, #tpu.memory_space<hbm>>
    %dma_wait3A_54 = tpu.memref_squeeze %dma_wait3A_53 : memref<1x1x160x125xi32, #tpu.memory_space<hbm>> -> memref<160x125xi32, #tpu.memory_space<hbm>>
    tpu.wait_dma2 semaphore(%arg14 : memref<!tpu.dma_semaphore, #tpu.memory_space<semaphore_mem>>) src(%dma_wait3A_54 : memref<160x125xi32, #tpu.memory_space<hbm>>) dst(%arg6 : memref<160x125xi32, #tpu.memory_space<vmem>>)
    %dma_start3A_55 = arith.constant 0 : i32
    %dma_start3A_56 = arith.constant 0 : i32
    %dma_start3A_57 = tpu.memref_slice %arg5[%dma_start3A_55, %dma_start3A_56] : memref<160x125xi32, #tpu.memory_space<vmem>> -> memref<1x125xi32, #tpu.memory_space<vmem>>
    %dma_start3A_58 = tpu.memref_squeeze %dma_start3A_57 : memref<1x125xi32, #tpu.memory_space<vmem>> -> memref<125xi32, #tpu.memory_space<vmem>>
    %dma_start3A_59 = arith.constant 0 : i32
    %dma_start3A_60 = arith.constant 0 : i32
    %dma_start3A_61 = tpu.memref_slice %arg2[%arg0, %dma_start3A_59, %dma_start3A_60] : memref<2x10000x64xf32, #tpu.memory_space<hbm>> -> memref<1x10000x64xf32, #tpu.memory_space<hbm>>
    %dma_start3A_62 = tpu.memref_squeeze %dma_start3A_61 : memref<1x10000x64xf32, #tpu.memory_space<hbm>> -> memref<10000x64xf32, #tpu.memory_space<hbm>>
    %dma_start3A_63 = arith.constant 0 : i32
    %dma_start3A_64 = arith.constant 0 : i32
    %dma_start3A_65 = tpu.memref_slice %dma_start3A_62[%dma_start3A_63, %dma_start3A_64] : memref<10000x64xf32, #tpu.memory_space<hbm>> -> memref<10000x64xf32, #tpu.memory_space<hbm>>
    tpu.enqueue_indirect_dma source(%dma_start3A_65 : memref<10000x64xf32, #tpu.memory_space<hbm>>) target(%arg7 : memref<125x64xf32, #tpu.memory_space<vmem>>) offsets(%dma_start3A_58 : memref<125xi32, #tpu.memory_space<vmem>>) semaphore(%arg15 : memref<!tpu.dma_semaphore, #tpu.memory_space<semaphore_mem>>)
    %dma_start3A_66 = arith.constant 1 : i32
    %dma_start3A_67 = arith.constant 0 : i32
    %dma_start3A_68 = tpu.memref_slice %arg5[%dma_start3A_66, %dma_start3A_67] : memref<160x125xi32, #tpu.memory_space<vmem>> -> memref<1x125xi32, #tpu.memory_space<vmem>>
    %dma_start3A_69 = tpu.memref_squeeze %dma_start3A_68 : memref<1x125xi32, #tpu.memory_space<vmem>> -> memref<125xi32, #tpu.memory_space<vmem>>
    %dma_start3A_70 = arith.constant 0 : i32
    %dma_start3A_71 = arith.constant 0 : i32
    %dma_start3A_72 = tpu.memref_slice %arg2[%arg0, %dma_start3A_70, %dma_start3A_71] : memref<2x10000x64xf32, #tpu.memory_space<hbm>> -> memref<1x10000x64xf32, #tpu.memory_space<hbm>>
    %dma_start3A_73 = tpu.memref_squeeze %dma_start3A_72 : memref<1x10000x64xf32, #tpu.memory_space<hbm>> -> memref<10000x64xf32, #tpu.memory_space<hbm>>
    %dma_start3A_74 = arith.constant 0 : i32
    %dma_start3A_75 = arith.constant 0 : i32
    %dma_start3A_76 = tpu.memref_slice %dma_start3A_73[%dma_start3A_74, %dma_start3A_75] : memref<10000x64xf32, #tpu.memory_space<hbm>> -> memref<10000x64xf32, #tpu.memory_space<hbm>>
    tpu.enqueue_indirect_dma source(%dma_start3A_76 : memref<10000x64xf32, #tpu.memory_space<hbm>>) target(%arg8 : memref<125x64xf32, #tpu.memory_space<vmem>>) offsets(%dma_start3A_69 : memref<125xi32, #tpu.memory_space<vmem>>) semaphore(%arg16 : memref<!tpu.dma_semaphore, #tpu.memory_space<semaphore_mem>>)
    %dma_start3A_77 = arith.constant 2 : i32
    %dma_start3A_78 = arith.constant 0 : i32
    %dma_start3A_79 = tpu.memref_slice %arg5[%dma_start3A_77, %dma_start3A_78] : memref<160x125xi32, #tpu.memory_space<vmem>> -> memref<1x125xi32, #tpu.memory_space<vmem>>
    %dma_start3A_80 = tpu.memref_squeeze %dma_start3A_79 : memref<1x125xi32, #tpu.memory_space<vmem>> -> memref<125xi32, #tpu.memory_space<vmem>>
    %dma_start3A_81 = arith.constant 0 : i32
    %dma_start3A_82 = arith.constant 0 : i32
    %dma_start3A_83 = tpu.memref_slice %arg2[%arg0, %dma_start3A_81, %dma_start3A_82] : memref<2x10000x64xf32, #tpu.memory_space<hbm>> -> memref<1x10000x64xf32, #tpu.memory_space<hbm>>
    %dma_start3A_84 = tpu.memref_squeeze %dma_start3A_83 : memref<1x10000x64xf32, #tpu.memory_space<hbm>> -> memref<10000x64xf32, #tpu.memory_space<hbm>>
    %dma_start3A_85 = arith.constant 0 : i32
    %dma_start3A_86 = arith.constant 0 : i32
    %dma_start3A_87 = tpu.memref_slice %dma_start3A_84[%dma_start3A_85, %dma_start3A_86] : memref<10000x64xf32, #tpu.memory_space<hbm>> -> memref<10000x64xf32, #tpu.memory_space<hbm>>
    tpu.enqueue_indirect_dma source(%dma_start3A_87 : memref<10000x64xf32, #tpu.memory_space<hbm>>) target(%arg9 : memref<125x64xf32, #tpu.memory_space<vmem>>) offsets(%dma_start3A_80 : memref<125xi32, #tpu.memory_space<vmem>>) semaphore(%arg17 : memref<!tpu.dma_semaphore, #tpu.memory_space<semaphore_mem>>)
    %scan3A_88 = arith.constant 0 : i32
    %scan3A_89 = arith.constant 39 : i32
    %scan3A_90 = arith.addi %scan3A_88, %scan3A_89 : i32
    %scan3A_91 = arith.constant 1 : i32
    scf.for %scan3A_160 = %scan3A_88 to %scan3A_90 step %scan3A_91  : i32 {
      %mul3A_161 = arith.constant 1 : i32
      %mul3A_162 = arith.muli %scan3A_160, %mul3A_161 : i32
      %add3A = arith.constant 0 : i32
      %add3A_163 = arith.addi %add3A, %mul3A_162 : i32
      %mul3A_164 = arith.constant 4 : i32
      %mul3A_165 = arith.muli %mul3A_164, %add3A_163 : i32
      %add3A_166 = arith.constant 0 : i32
      %add3A_167 = arith.addi %mul3A_165, %add3A_166 : i32
      %add3A_168 = arith.constant 3 : i32
      %add3A_169 = arith.addi %add3A_167, %add3A_168 : i32
      %dma_start3A_170 = arith.constant 0 : i32
      %dma_start3A_171 = tpu.memref_slice %arg5[%add3A_169, %dma_start3A_170] : memref<160x125xi32, #tpu.memory_space<vmem>> -> memref<1x125xi32, #tpu.memory_space<vmem>>
      %dma_start3A_172 = tpu.memref_squeeze %dma_start3A_171 : memref<1x125xi32, #tpu.memory_space<vmem>> -> memref<125xi32, #tpu.memory_space<vmem>>
      %dma_start3A_173 = arith.constant 0 : i32
      %dma_start3A_174 = arith.constant 0 : i32
      %dma_start3A_175 = tpu.memref_slice %arg2[%arg0, %dma_start3A_173, %dma_start3A_174] : memref<2x10000x64xf32, #tpu.memory_space<hbm>> -> memref<1x10000x64xf32, #tpu.memory_space<hbm>>
      %dma_start3A_176 = tpu.memref_squeeze %dma_start3A_175 : memref<1x10000x64xf32, #tpu.memory_space<hbm>> -> memref<10000x64xf32, #tpu.memory_space<hbm>>
      %dma_start3A_177 = arith.constant 0 : i32
      %dma_start3A_178 = arith.constant 0 : i32
      %dma_start3A_179 = tpu.memref_slice %dma_start3A_176[%dma_start3A_177, %dma_start3A_178] : memref<10000x64xf32, #tpu.memory_space<hbm>> -> memref<10000x64xf32, #tpu.memory_space<hbm>>
      tpu.enqueue_indirect_dma source(%dma_start3A_179 : memref<10000x64xf32, #tpu.memory_space<hbm>>) target(%arg10 : memref<125x64xf32, #tpu.memory_space<vmem>>) offsets(%dma_start3A_172 : memref<125xi32, #tpu.memory_space<vmem>>) semaphore(%arg18 : memref<!tpu.dma_semaphore, #tpu.memory_space<semaphore_mem>>)
      %dma_wait3A_180 = arith.constant 0 : i32
      %dma_wait3A_181 = tpu.memref_slice %arg5[%add3A_167, %dma_wait3A_180] : memref<160x125xi32, #tpu.memory_space<vmem>> -> memref<1x125xi32, #tpu.memory_space<vmem>>
      %dma_wait3A_182 = tpu.memref_squeeze %dma_wait3A_181 : memref<1x125xi32, #tpu.memory_space<vmem>> -> memref<125xi32, #tpu.memory_space<vmem>>
      %dma_wait3A_183 = arith.constant 0 : i32
      %dma_wait3A_184 = arith.constant 0 : i32
      %dma_wait3A_185 = tpu.memref_slice %arg2[%arg0, %dma_wait3A_183, %dma_wait3A_184] : memref<2x10000x64xf32, #tpu.memory_space<hbm>> -> memref<1x10000x64xf32, #tpu.memory_space<hbm>>
      %dma_wait3A_186 = tpu.memref_squeeze %dma_wait3A_185 : memref<1x10000x64xf32, #tpu.memory_space<hbm>> -> memref<10000x64xf32, #tpu.memory_space<hbm>>
      %dma_wait3A_187 = arith.constant 0 : i32
      %dma_wait3A_188 = arith.constant 0 : i32
      %dma_wait3A_189 = tpu.memref_slice %dma_wait3A_186[%dma_wait3A_187, %dma_wait3A_188] : memref<10000x64xf32, #tpu.memory_space<hbm>> -> memref<10000x64xf32, #tpu.memory_space<hbm>>
      tpu.wait_indirect_dma semaphore(%arg15 : memref<!tpu.dma_semaphore, #tpu.memory_space<semaphore_mem>>) src(%dma_wait3A_189 : memref<10000x64xf32, #tpu.memory_space<hbm>>) dst(%arg7 : memref<125x64xf32, #tpu.memory_space<vmem>>)
      "tpu.region"() ({
        %run_scoped3A_262 = tpu.sem_alloc : memref<!tpu.dma_semaphore, #tpu.memory_space<semaphore_mem>>
        %dma_start3A_263 = arith.constant 0 : i32
        %dma_start3A_264 = tpu.memref_slice %arg6[%add3A_167, %dma_start3A_263] : memref<160x125xi32, #tpu.memory_space<vmem>> -> memref<1x125xi32, #tpu.memory_space<vmem>>
        %dma_start3A_265 = tpu.memref_squeeze %dma_start3A_264 : memref<1x125xi32, #tpu.memory_space<vmem>> -> memref<125xi32, #tpu.memory_space<vmem>>
        %dma_start3A_266 = arith.constant 0 : i32
        %dma_start3A_267 = arith.constant 0 : i32
        %dma_start3A_268 = tpu.memref_slice %arg12[%dma_start3A_266, %dma_start3A_267] : memref<10000x64xf32, #tpu.memory_space<vmem_shared>> -> memref<10000x64xf32, #tpu.memory_space<vmem_shared>>
        tpu.enqueue_indirect_dma source(%arg7 : memref<125x64xf32, #tpu.memory_space<vmem>>) target(%dma_start3A_268 : memref<10000x64xf32, #tpu.memory_space<vmem_shared>>) offsets(%dma_start3A_265 : memref<125xi32, #tpu.memory_space<vmem>>) semaphore(%run_scoped3A_262 : memref<!tpu.dma_semaphore, #tpu.memory_space<semaphore_mem>>) {add = true}
        %dma_wait3A_269 = arith.constant 0 : i32
        %dma_wait3A_270 = tpu.memref_slice %arg6[%add3A_167, %dma_wait3A_269] : memref<160x125xi32, #tpu.memory_space<vmem>> -> memref<1x125xi32, #tpu.memory_space<vmem>>
        %dma_wait3A_271 = tpu.memref_squeeze %dma_wait3A_270 : memref<1x125xi32, #tpu.memory_space<vmem>> -> memref<125xi32, #tpu.memory_space<vmem>>
        %dma_wait3A_272 = arith.constant 0 : i32
        %dma_wait3A_273 = arith.constant 0 : i32
        %dma_wait3A_274 = tpu.memref_slice %arg12[%dma_wait3A_272, %dma_wait3A_273] : memref<10000x64xf32, #tpu.memory_space<vmem_shared>> -> memref<10000x64xf32, #tpu.memory_space<vmem_shared>>
        tpu.wait_indirect_dma semaphore(%run_scoped3A_262 : memref<!tpu.dma_semaphore, #tpu.memory_space<semaphore_mem>>) src(%arg7 : memref<125x64xf32, #tpu.memory_space<vmem>>) dst(%dma_wait3A_274 : memref<10000x64xf32, #tpu.memory_space<vmem_shared>>)
        tpu.yield
      }) : () -> ()
      %add3A_190 = arith.constant 1 : i32
      %add3A_191 = arith.addi %mul3A_165, %add3A_190 : i32
      %add3A_192 = arith.constant 3 : i32
      %add3A_193 = arith.addi %add3A_191, %add3A_192 : i32
      %dma_start3A_194 = arith.constant 0 : i32
      %dma_start3A_195 = tpu.memref_slice %arg5[%add3A_193, %dma_start3A_194] : memref<160x125xi32, #tpu.memory_space<vmem>> -> memref<1x125xi32, #tpu.memory_space<vmem>>
      %dma_start3A_196 = tpu.memref_squeeze %dma_start3A_195 : memref<1x125xi32, #tpu.memory_space<vmem>> -> memref<125xi32, #tpu.memory_space<vmem>>
      %dma_start3A_197 = arith.constant 0 : i32
      %dma_start3A_198 = arith.constant 0 : i32
      %dma_start3A_199 = tpu.memref_slice %arg2[%arg0, %dma_start3A_197, %dma_start3A_198] : memref<2x10000x64xf32, #tpu.memory_space<hbm>> -> memref<1x10000x64xf32, #tpu.memory_space<hbm>>
      %dma_start3A_200 = tpu.memref_squeeze %dma_start3A_199 : memref<1x10000x64xf32, #tpu.memory_space<hbm>> -> memref<10000x64xf32, #tpu.memory_space<hbm>>
      %dma_start3A_201 = arith.constant 0 : i32
      %dma_start3A_202 = arith.constant 0 : i32
      %dma_start3A_203 = tpu.memref_slice %dma_start3A_200[%dma_start3A_201, %dma_start3A_202] : memref<10000x64xf32, #tpu.memory_space<hbm>> -> memref<10000x64xf32, #tpu.memory_space<hbm>>
      tpu.enqueue_indirect_dma source(%dma_start3A_203 : memref<10000x64xf32, #tpu.memory_space<hbm>>) target(%arg7 : memref<125x64xf32, #tpu.memory_space<vmem>>) offsets(%dma_start3A_196 : memref<125xi32, #tpu.memory_space<vmem>>) semaphore(%arg15 : memref<!tpu.dma_semaphore, #tpu.memory_space<semaphore_mem>>)
      %dma_wait3A_204 = arith.constant 0 : i32
      %dma_wait3A_205 = tpu.memref_slice %arg5[%add3A_191, %dma_wait3A_204] : memref<160x125xi32, #tpu.memory_space<vmem>> -> memref<1x125xi32, #tpu.memory_space<vmem>>
      %dma_wait3A_206 = tpu.memref_squeeze %dma_wait3A_205 : memref<1x125xi32, #tpu.memory_space<vmem>> -> memref<125xi32, #tpu.memory_space<vmem>>
      %dma_wait3A_207 = arith.constant 0 : i32
      %dma_wait3A_208 = arith.constant 0 : i32
      %dma_wait3A_209 = tpu.memref_slice %arg2[%arg0, %dma_wait3A_207, %dma_wait3A_208] : memref<2x10000x64xf32, #tpu.memory_space<hbm>> -> memref<1x10000x64xf32, #tpu.memory_space<hbm>>
      %dma_wait3A_210 = tpu.memref_squeeze %dma_wait3A_209 : memref<1x10000x64xf32, #tpu.memory_space<hbm>> -> memref<10000x64xf32, #tpu.memory_space<hbm>>
      %dma_wait3A_211 = arith.constant 0 : i32
      %dma_wait3A_212 = arith.constant 0 : i32
      %dma_wait3A_213 = tpu.memref_slice %dma_wait3A_210[%dma_wait3A_211, %dma_wait3A_212] : memref<10000x64xf32, #tpu.memory_space<hbm>> -> memref<10000x64xf32, #tpu.memory_space<hbm>>
      tpu.wait_indirect_dma semaphore(%arg16 : memref<!tpu.dma_semaphore, #tpu.memory_space<semaphore_mem>>) src(%dma_wait3A_213 : memref<10000x64xf32, #tpu.memory_space<hbm>>) dst(%arg8 : memref<125x64xf32, #tpu.memory_space<vmem>>)
      "tpu.region"() ({
        %run_scoped3A_262 = tpu.sem_alloc : memref<!tpu.dma_semaphore, #tpu.memory_space<semaphore_mem>>
        %dma_start3A_263 = arith.constant 0 : i32
        %dma_start3A_264 = tpu.memref_slice %arg6[%add3A_191, %dma_start3A_263] : memref<160x125xi32, #tpu.memory_space<vmem>> -> memref<1x125xi32, #tpu.memory_space<vmem>>
        %dma_start3A_265 = tpu.memref_squeeze %dma_start3A_264 : memref<1x125xi32, #tpu.memory_space<vmem>> -> memref<125xi32, #tpu.memory_space<vmem>>
        %dma_start3A_266 = arith.constant 0 : i32
        %dma_start3A_267 = arith.constant 0 : i32
        %dma_start3A_268 = tpu.memref_slice %arg12[%dma_start3A_266, %dma_start3A_267] : memref<10000x64xf32, #tpu.memory_space<vmem_shared>> -> memref<10000x64xf32, #tpu.memory_space<vmem_shared>>
        tpu.enqueue_indirect_dma source(%arg8 : memref<125x64xf32, #tpu.memory_space<vmem>>) target(%dma_start3A_268 : memref<10000x64xf32, #tpu.memory_space<vmem_shared>>) offsets(%dma_start3A_265 : memref<125xi32, #tpu.memory_space<vmem>>) semaphore(%run_scoped3A_262 : memref<!tpu.dma_semaphore, #tpu.memory_space<semaphore_mem>>) {add = true}
        %dma_wait3A_269 = arith.constant 0 : i32
        %dma_wait3A_270 = tpu.memref_slice %arg6[%add3A_191, %dma_wait3A_269] : memref<160x125xi32, #tpu.memory_space<vmem>> -> memref<1x125xi32, #tpu.memory_space<vmem>>
        %dma_wait3A_271 = tpu.memref_squeeze %dma_wait3A_270 : memref<1x125xi32, #tpu.memory_space<vmem>> -> memref<125xi32, #tpu.memory_space<vmem>>
        %dma_wait3A_272 = arith.constant 0 : i32
        %dma_wait3A_273 = arith.constant 0 : i32
        %dma_wait3A_274 = tpu.memref_slice %arg12[%dma_wait3A_272, %dma_wait3A_273] : memref<10000x64xf32, #tpu.memory_space<vmem_shared>> -> memref<10000x64xf32, #tpu.memory_space<vmem_shared>>
        tpu.wait_indirect_dma semaphore(%run_scoped3A_262 : memref<!tpu.dma_semaphore, #tpu.memory_space<semaphore_mem>>) src(%arg8 : memref<125x64xf32, #tpu.memory_space<vmem>>) dst(%dma_wait3A_274 : memref<10000x64xf32, #tpu.memory_space<vmem_shared>>)
        tpu.yield
      }) : () -> ()
      %add3A_214 = arith.constant 2 : i32
      %add3A_215 = arith.addi %mul3A_165, %add3A_214 : i32
      %add3A_216 = arith.constant 3 : i32
      %add3A_217 = arith.addi %add3A_215, %add3A_216 : i32
      %dma_start3A_218 = arith.constant 0 : i32
      %dma_start3A_219 = tpu.memref_slice %arg5[%add3A_217, %dma_start3A_218] : memref<160x125xi32, #tpu.memory_space<vmem>> -> memref<1x125xi32, #tpu.memory_space<vmem>>
      %dma_start3A_220 = tpu.memref_squeeze %dma_start3A_219 : memref<1x125xi32, #tpu.memory_space<vmem>> -> memref<125xi32, #tpu.memory_space<vmem>>
      %dma_start3A_221 = arith.constant 0 : i32
      %dma_start3A_222 = arith.constant 0 : i32
      %dma_start3A_223 = tpu.memref_slice %arg2[%arg0, %dma_start3A_221, %dma_start3A_222] : memref<2x10000x64xf32, #tpu.memory_space<hbm>> -> memref<1x10000x64xf32, #tpu.memory_space<hbm>>
      %dma_start3A_224 = tpu.memref_squeeze %dma_start3A_223 : memref<1x10000x64xf32, #tpu.memory_space<hbm>> -> memref<10000x64xf32, #tpu.memory_space<hbm>>
      %dma_start3A_225 = arith.constant 0 : i32
      %dma_start3A_226 = arith.constant 0 : i32
      %dma_start3A_227 = tpu.memref_slice %dma_start3A_224[%dma_start3A_225, %dma_start3A_226] : memref<10000x64xf32, #tpu.memory_space<hbm>> -> memref<10000x64xf32, #tpu.memory_space<hbm>>
      tpu.enqueue_indirect_dma source(%dma_start3A_227 : memref<10000x64xf32, #tpu.memory_space<hbm>>) target(%arg8 : memref<125x64xf32, #tpu.memory_space<vmem>>) offsets(%dma_start3A_220 : memref<125xi32, #tpu.memory_space<vmem>>) semaphore(%arg16 : memref<!tpu.dma_semaphore, #tpu.memory_space<semaphore_mem>>)
      %dma_wait3A_228 = arith.constant 0 : i32
      %dma_wait3A_229 = tpu.memref_slice %arg5[%add3A_215, %dma_wait3A_228] : memref<160x125xi32, #tpu.memory_space<vmem>> -> memref<1x125xi32, #tpu.memory_space<vmem>>
      %dma_wait3A_230 = tpu.memref_squeeze %dma_wait3A_229 : memref<1x125xi32, #tpu.memory_space<vmem>> -> memref<125xi32, #tpu.memory_space<vmem>>
      %dma_wait3A_231 = arith.constant 0 : i32
      %dma_wait3A_232 = arith.constant 0 : i32
      %dma_wait3A_233 = tpu.memref_slice %arg2[%arg0, %dma_wait3A_231, %dma_wait3A_232] : memref<2x10000x64xf32, #tpu.memory_space<hbm>> -> memref<1x10000x64xf32, #tpu.memory_space<hbm>>
      %dma_wait3A_234 = tpu.memref_squeeze %dma_wait3A_233 : memref<1x10000x64xf32, #tpu.memory_space<hbm>> -> memref<10000x64xf32, #tpu.memory_space<hbm>>
      %dma_wait3A_235 = arith.constant 0 : i32
      %dma_wait3A_236 = arith.constant 0 : i32
      %dma_wait3A_237 = tpu.memref_slice %dma_wait3A_234[%dma_wait3A_235, %dma_wait3A_236] : memref<10000x64xf32, #tpu.memory_space<hbm>> -> memref<10000x64xf32, #tpu.memory_space<hbm>>
      tpu.wait_indirect_dma semaphore(%arg17 : memref<!tpu.dma_semaphore, #tpu.memory_space<semaphore_mem>>) src(%dma_wait3A_237 : memref<10000x64xf32, #tpu.memory_space<hbm>>) dst(%arg9 : memref<125x64xf32, #tpu.memory_space<vmem>>)
      "tpu.region"() ({
        %run_scoped3A_262 = tpu.sem_alloc : memref<!tpu.dma_semaphore, #tpu.memory_space<semaphore_mem>>
        %dma_start3A_263 = arith.constant 0 : i32
        %dma_start3A_264 = tpu.memref_slice %arg6[%add3A_215, %dma_start3A_263] : memref<160x125xi32, #tpu.memory_space<vmem>> -> memref<1x125xi32, #tpu.memory_space<vmem>>
        %dma_start3A_265 = tpu.memref_squeeze %dma_start3A_264 : memref<1x125xi32, #tpu.memory_space<vmem>> -> memref<125xi32, #tpu.memory_space<vmem>>
        %dma_start3A_266 = arith.constant 0 : i32
        %dma_start3A_267 = arith.constant 0 : i32
        %dma_start3A_268 = tpu.memref_slice %arg12[%dma_start3A_266, %dma_start3A_267] : memref<10000x64xf32, #tpu.memory_space<vmem_shared>> -> memref<10000x64xf32, #tpu.memory_space<vmem_shared>>
        tpu.enqueue_indirect_dma source(%arg9 : memref<125x64xf32, #tpu.memory_space<vmem>>) target(%dma_start3A_268 : memref<10000x64xf32, #tpu.memory_space<vmem_shared>>) offsets(%dma_start3A_265 : memref<125xi32, #tpu.memory_space<vmem>>) semaphore(%run_scoped3A_262 : memref<!tpu.dma_semaphore, #tpu.memory_space<semaphore_mem>>) {add = true}
        %dma_wait3A_269 = arith.constant 0 : i32
        %dma_wait3A_270 = tpu.memref_slice %arg6[%add3A_215, %dma_wait3A_269] : memref<160x125xi32, #tpu.memory_space<vmem>> -> memref<1x125xi32, #tpu.memory_space<vmem>>
        %dma_wait3A_271 = tpu.memref_squeeze %dma_wait3A_270 : memref<1x125xi32, #tpu.memory_space<vmem>> -> memref<125xi32, #tpu.memory_space<vmem>>
        %dma_wait3A_272 = arith.constant 0 : i32
        %dma_wait3A_273 = arith.constant 0 : i32
        %dma_wait3A_274 = tpu.memref_slice %arg12[%dma_wait3A_272, %dma_wait3A_273] : memref<10000x64xf32, #tpu.memory_space<vmem_shared>> -> memref<10000x64xf32, #tpu.memory_space<vmem_shared>>
        tpu.wait_indirect_dma semaphore(%run_scoped3A_262 : memref<!tpu.dma_semaphore, #tpu.memory_space<semaphore_mem>>) src(%arg9 : memref<125x64xf32, #tpu.memory_space<vmem>>) dst(%dma_wait3A_274 : memref<10000x64xf32, #tpu.memory_space<vmem_shared>>)
        tpu.yield
      }) : () -> ()
      %add3A_238 = arith.constant 3 : i32
      %add3A_239 = arith.addi %mul3A_165, %add3A_238 : i32
      %add3A_240 = arith.constant 3 : i32
      %add3A_241 = arith.addi %add3A_239, %add3A_240 : i32
      %dma_start3A_242 = arith.constant 0 : i32
      %dma_start3A_243 = tpu.memref_slice %arg5[%add3A_241, %dma_start3A_242] : memref<160x125xi32, #tpu.memory_space<vmem>> -> memref<1x125xi32, #tpu.memory_space<vmem>>
      %dma_start3A_244 = tpu.memref_squeeze %dma_start3A_243 : memref<1x125xi32, #tpu.memory_space<vmem>> -> memref<125xi32, #tpu.memory_space<vmem>>
      %dma_start3A_245 = arith.constant 0 : i32
      %dma_start3A_246 = arith.constant 0 : i32
      %dma_start3A_247 = tpu.memref_slice %arg2[%arg0, %dma_start3A_245, %dma_start3A_246] : memref<2x10000x64xf32, #tpu.memory_space<hbm>> -> memref<1x10000x64xf32, #tpu.memory_space<hbm>>
      %dma_start3A_248 = tpu.memref_squeeze %dma_start3A_247 : memref<1x10000x64xf32, #tpu.memory_space<hbm>> -> memref<10000x64xf32, #tpu.memory_space<hbm>>
      %dma_start3A_249 = arith.constant 0 : i32
      %dma_start3A_250 = arith.constant 0 : i32
      %dma_start3A_251 = tpu.memref_slice %dma_start3A_248[%dma_start3A_249, %dma_start3A_250] : memref<10000x64xf32, #tpu.memory_space<hbm>> -> memref<10000x64xf32, #tpu.memory_space<hbm>>
      tpu.enqueue_indirect_dma source(%dma_start3A_251 : memref<10000x64xf32, #tpu.memory_space<hbm>>) target(%arg9 : memref<125x64xf32, #tpu.memory_space<vmem>>) offsets(%dma_start3A_244 : memref<125xi32, #tpu.memory_space<vmem>>) semaphore(%arg17 : memref<!tpu.dma_semaphore, #tpu.memory_space<semaphore_mem>>)
      %dma_wait3A_252 = arith.constant 0 : i32
      %dma_wait3A_253 = tpu.memref_slice %arg5[%add3A_239, %dma_wait3A_252] : memref<160x125xi32, #tpu.memory_space<vmem>> -> memref<1x125xi32, #tpu.memory_space<vmem>>
      %dma_wait3A_254 = tpu.memref_squeeze %dma_wait3A_253 : memref<1x125xi32, #tpu.memory_space<vmem>> -> memref<125xi32, #tpu.memory_space<vmem>>
      %dma_wait3A_255 = arith.constant 0 : i32
      %dma_wait3A_256 = arith.constant 0 : i32
      %dma_wait3A_257 = tpu.memref_slice %arg2[%arg0, %dma_wait3A_255, %dma_wait3A_256] : memref<2x10000x64xf32, #tpu.memory_space<hbm>> -> memref<1x10000x64xf32, #tpu.memory_space<hbm>>
      %dma_wait3A_258 = tpu.memref_squeeze %dma_wait3A_257 : memref<1x10000x64xf32, #tpu.memory_space<hbm>> -> memref<10000x64xf32, #tpu.memory_space<hbm>>
      %dma_wait3A_259 = arith.constant 0 : i32
      %dma_wait3A_260 = arith.constant 0 : i32
      %dma_wait3A_261 = tpu.memref_slice %dma_wait3A_258[%dma_wait3A_259, %dma_wait3A_260] : memref<10000x64xf32, #tpu.memory_space<hbm>> -> memref<10000x64xf32, #tpu.memory_space<hbm>>
      tpu.wait_indirect_dma semaphore(%arg18 : memref<!tpu.dma_semaphore, #tpu.memory_space<semaphore_mem>>) src(%dma_wait3A_261 : memref<10000x64xf32, #tpu.memory_space<hbm>>) dst(%arg10 : memref<125x64xf32, #tpu.memory_space<vmem>>)
      "tpu.region"() ({
        %run_scoped3A_262 = tpu.sem_alloc : memref<!tpu.dma_semaphore, #tpu.memory_space<semaphore_mem>>
        %dma_start3A_263 = arith.constant 0 : i32
        %dma_start3A_264 = tpu.memref_slice %arg6[%add3A_239, %dma_start3A_263] : memref<160x125xi32, #tpu.memory_space<vmem>> -> memref<1x125xi32, #tpu.memory_space<vmem>>
        %dma_start3A_265 = tpu.memref_squeeze %dma_start3A_264 : memref<1x125xi32, #tpu.memory_space<vmem>> -> memref<125xi32, #tpu.memory_space<vmem>>
        %dma_start3A_266 = arith.constant 0 : i32
        %dma_start3A_267 = arith.constant 0 : i32
        %dma_start3A_268 = tpu.memref_slice %arg12[%dma_start3A_266, %dma_start3A_267] : memref<10000x64xf32, #tpu.memory_space<vmem_shared>> -> memref<10000x64xf32, #tpu.memory_space<vmem_shared>>
        tpu.enqueue_indirect_dma source(%arg10 : memref<125x64xf32, #tpu.memory_space<vmem>>) target(%dma_start3A_268 : memref<10000x64xf32, #tpu.memory_space<vmem_shared>>) offsets(%dma_start3A_265 : memref<125xi32, #tpu.memory_space<vmem>>) semaphore(%run_scoped3A_262 : memref<!tpu.dma_semaphore, #tpu.memory_space<semaphore_mem>>) {add = true}
        %dma_wait3A_269 = arith.constant 0 : i32
        %dma_wait3A_270 = tpu.memref_slice %arg6[%add3A_239, %dma_wait3A_269] : memref<160x125xi32, #tpu.memory_space<vmem>> -> memref<1x125xi32, #tpu.memory_space<vmem>>
        %dma_wait3A_271 = tpu.memref_squeeze %dma_wait3A_270 : memref<1x125xi32, #tpu.memory_space<vmem>> -> memref<125xi32, #tpu.memory_space<vmem>>
        %dma_wait3A_272 = arith.constant 0 : i32
        %dma_wait3A_273 = arith.constant 0 : i32
        %dma_wait3A_274 = tpu.memref_slice %arg12[%dma_wait3A_272, %dma_wait3A_273] : memref<10000x64xf32, #tpu.memory_space<vmem_shared>> -> memref<10000x64xf32, #tpu.memory_space<vmem_shared>>
        tpu.wait_indirect_dma semaphore(%run_scoped3A_262 : memref<!tpu.dma_semaphore, #tpu.memory_space<semaphore_mem>>) src(%arg10 : memref<125x64xf32, #tpu.memory_space<vmem>>) dst(%dma_wait3A_274 : memref<10000x64xf32, #tpu.memory_space<vmem_shared>>)
        tpu.yield
      }) : () -> ()
    }
    %scan3A_92 = arith.constant 39 : i32
    %dma_start3A_93 = arith.constant 159 : i32
    %dma_start3A_94 = arith.constant 0 : i32
    %dma_start3A_95 = tpu.memref_slice %arg5[%dma_start3A_93, %dma_start3A_94] : memref<160x125xi32, #tpu.memory_space<vmem>> -> memref<1x125xi32, #tpu.memory_space<vmem>>
    %dma_start3A_96 = tpu.memref_squeeze %dma_start3A_95 : memref<1x125xi32, #tpu.memory_space<vmem>> -> memref<125xi32, #tpu.memory_space<vmem>>
    %dma_start3A_97 = arith.constant 0 : i32
    %dma_start3A_98 = arith.constant 0 : i32
    %dma_start3A_99 = tpu.memref_slice %arg2[%arg0, %dma_start3A_97, %dma_start3A_98] : memref<2x10000x64xf32, #tpu.memory_space<hbm>> -> memref<1x10000x64xf32, #tpu.memory_space<hbm>>
    %dma_start3A_100 = tpu.memref_squeeze %dma_start3A_99 : memref<1x10000x64xf32, #tpu.memory_space<hbm>> -> memref<10000x64xf32, #tpu.memory_space<hbm>>
    %dma_start3A_101 = arith.constant 0 : i32
    %dma_start3A_102 = arith.constant 0 : i32
    %dma_start3A_103 = tpu.memref_slice %dma_start3A_100[%dma_start3A_101, %dma_start3A_102] : memref<10000x64xf32, #tpu.memory_space<hbm>> -> memref<10000x64xf32, #tpu.memory_space<hbm>>
    tpu.enqueue_indirect_dma source(%dma_start3A_103 : memref<10000x64xf32, #tpu.memory_space<hbm>>) target(%arg10 : memref<125x64xf32, #tpu.memory_space<vmem>>) offsets(%dma_start3A_96 : memref<125xi32, #tpu.memory_space<vmem>>) semaphore(%arg18 : memref<!tpu.dma_semaphore, #tpu.memory_space<semaphore_mem>>)
    %dma_wait3A_104 = arith.constant 156 : i32
    %dma_wait3A_105 = arith.constant 0 : i32
    %dma_wait3A_106 = tpu.memref_slice %arg5[%dma_wait3A_104, %dma_wait3A_105] : memref<160x125xi32, #tpu.memory_space<vmem>> -> memref<1x125xi32, #tpu.memory_space<vmem>>
    %dma_wait3A_107 = tpu.memref_squeeze %dma_wait3A_106 : memref<1x125xi32, #tpu.memory_space<vmem>> -> memref<125xi32, #tpu.memory_space<vmem>>
    %dma_wait3A_108 = arith.constant 0 : i32
    %dma_wait3A_109 = arith.constant 0 : i32
    %dma_wait3A_110 = tpu.memref_slice %arg2[%arg0, %dma_wait3A_108, %dma_wait3A_109] : memref<2x10000x64xf32, #tpu.memory_space<hbm>> -> memref<1x10000x64xf32, #tpu.memory_space<hbm>>
    %dma_wait3A_111 = tpu.memref_squeeze %dma_wait3A_110 : memref<1x10000x64xf32, #tpu.memory_space<hbm>> -> memref<10000x64xf32, #tpu.memory_space<hbm>>
    %dma_wait3A_112 = arith.constant 0 : i32
    %dma_wait3A_113 = arith.constant 0 : i32
    %dma_wait3A_114 = tpu.memref_slice %dma_wait3A_111[%dma_wait3A_112, %dma_wait3A_113] : memref<10000x64xf32, #tpu.memory_space<hbm>> -> memref<10000x64xf32, #tpu.memory_space<hbm>>
    tpu.wait_indirect_dma semaphore(%arg15 : memref<!tpu.dma_semaphore, #tpu.memory_space<semaphore_mem>>) src(%dma_wait3A_114 : memref<10000x64xf32, #tpu.memory_space<hbm>>) dst(%arg7 : memref<125x64xf32, #tpu.memory_space<vmem>>)
    %run_scoped3A = arith.constant 156 : i32
    "tpu.region"() ({
      %run_scoped3A_160 = tpu.sem_alloc : memref<!tpu.dma_semaphore, #tpu.memory_space<semaphore_mem>>
      %dma_start3A_161 = arith.constant 0 : i32
      %dma_start3A_162 = tpu.memref_slice %arg6[%run_scoped3A, %dma_start3A_161] : memref<160x125xi32, #tpu.memory_space<vmem>> -> memref<1x125xi32, #tpu.memory_space<vmem>>
      %dma_start3A_163 = tpu.memref_squeeze %dma_start3A_162 : memref<1x125xi32, #tpu.memory_space<vmem>> -> memref<125xi32, #tpu.memory_space<vmem>>
      %dma_start3A_164 = arith.constant 0 : i32
      %dma_start3A_165 = arith.constant 0 : i32
      %dma_start3A_166 = tpu.memref_slice %arg12[%dma_start3A_164, %dma_start3A_165] : memref<10000x64xf32, #tpu.memory_space<vmem_shared>> -> memref<10000x64xf32, #tpu.memory_space<vmem_shared>>
      tpu.enqueue_indirect_dma source(%arg7 : memref<125x64xf32, #tpu.memory_space<vmem>>) target(%dma_start3A_166 : memref<10000x64xf32, #tpu.memory_space<vmem_shared>>) offsets(%dma_start3A_163 : memref<125xi32, #tpu.memory_space<vmem>>) semaphore(%run_scoped3A_160 : memref<!tpu.dma_semaphore, #tpu.memory_space<semaphore_mem>>) {add = true}
      %dma_wait3A_167 = arith.constant 0 : i32
      %dma_wait3A_168 = tpu.memref_slice %arg6[%run_scoped3A, %dma_wait3A_167] : memref<160x125xi32, #tpu.memory_space<vmem>> -> memref<1x125xi32, #tpu.memory_space<vmem>>
      %dma_wait3A_169 = tpu.memref_squeeze %dma_wait3A_168 : memref<1x125xi32, #tpu.memory_space<vmem>> -> memref<125xi32, #tpu.memory_space<vmem>>
      %dma_wait3A_170 = arith.constant 0 : i32
      %dma_wait3A_171 = arith.constant 0 : i32
      %dma_wait3A_172 = tpu.memref_slice %arg12[%dma_wait3A_170, %dma_wait3A_171] : memref<10000x64xf32, #tpu.memory_space<vmem_shared>> -> memref<10000x64xf32, #tpu.memory_space<vmem_shared>>
      tpu.wait_indirect_dma semaphore(%run_scoped3A_160 : memref<!tpu.dma_semaphore, #tpu.memory_space<semaphore_mem>>) src(%arg7 : memref<125x64xf32, #tpu.memory_space<vmem>>) dst(%dma_wait3A_172 : memref<10000x64xf32, #tpu.memory_space<vmem_shared>>)
      tpu.yield
    }) : () -> ()
    %dma_wait3A_115 = arith.constant 157 : i32
    %dma_wait3A_116 = arith.constant 0 : i32
    %dma_wait3A_117 = tpu.memref_slice %arg5[%dma_wait3A_115, %dma_wait3A_116] : memref<160x125xi32, #tpu.memory_space<vmem>> -> memref<1x125xi32, #tpu.memory_space<vmem>>
    %dma_wait3A_118 = tpu.memref_squeeze %dma_wait3A_117 : memref<1x125xi32, #tpu.memory_space<vmem>> -> memref<125xi32, #tpu.memory_space<vmem>>
    %dma_wait3A_119 = arith.constant 0 : i32
    %dma_wait3A_120 = arith.constant 0 : i32
    %dma_wait3A_121 = tpu.memref_slice %arg2[%arg0, %dma_wait3A_119, %dma_wait3A_120] : memref<2x10000x64xf32, #tpu.memory_space<hbm>> -> memref<1x10000x64xf32, #tpu.memory_space<hbm>>
    %dma_wait3A_122 = tpu.memref_squeeze %dma_wait3A_121 : memref<1x10000x64xf32, #tpu.memory_space<hbm>> -> memref<10000x64xf32, #tpu.memory_space<hbm>>
    %dma_wait3A_123 = arith.constant 0 : i32
    %dma_wait3A_124 = arith.constant 0 : i32
    %dma_wait3A_125 = tpu.memref_slice %dma_wait3A_122[%dma_wait3A_123, %dma_wait3A_124] : memref<10000x64xf32, #tpu.memory_space<hbm>> -> memref<10000x64xf32, #tpu.memory_space<hbm>>
    tpu.wait_indirect_dma semaphore(%arg16 : memref<!tpu.dma_semaphore, #tpu.memory_space<semaphore_mem>>) src(%dma_wait3A_125 : memref<10000x64xf32, #tpu.memory_space<hbm>>) dst(%arg8 : memref<125x64xf32, #tpu.memory_space<vmem>>)
    %run_scoped3A_126 = arith.constant 157 : i32
    "tpu.region"() ({
      %run_scoped3A_160 = tpu.sem_alloc : memref<!tpu.dma_semaphore, #tpu.memory_space<semaphore_mem>>
      %dma_start3A_161 = arith.constant 0 : i32
      %dma_start3A_162 = tpu.memref_slice %arg6[%run_scoped3A_126, %dma_start3A_161] : memref<160x125xi32, #tpu.memory_space<vmem>> -> memref<1x125xi32, #tpu.memory_space<vmem>>
      %dma_start3A_163 = tpu.memref_squeeze %dma_start3A_162 : memref<1x125xi32, #tpu.memory_space<vmem>> -> memref<125xi32, #tpu.memory_space<vmem>>
      %dma_start3A_164 = arith.constant 0 : i32
      %dma_start3A_165 = arith.constant 0 : i32
      %dma_start3A_166 = tpu.memref_slice %arg12[%dma_start3A_164, %dma_start3A_165] : memref<10000x64xf32, #tpu.memory_space<vmem_shared>> -> memref<10000x64xf32, #tpu.memory_space<vmem_shared>>
      tpu.enqueue_indirect_dma source(%arg8 : memref<125x64xf32, #tpu.memory_space<vmem>>) target(%dma_start3A_166 : memref<10000x64xf32, #tpu.memory_space<vmem_shared>>) offsets(%dma_start3A_163 : memref<125xi32, #tpu.memory_space<vmem>>) semaphore(%run_scoped3A_160 : memref<!tpu.dma_semaphore, #tpu.memory_space<semaphore_mem>>) {add = true}
      %dma_wait3A_167 = arith.constant 0 : i32
      %dma_wait3A_168 = tpu.memref_slice %arg6[%run_scoped3A_126, %dma_wait3A_167] : memref<160x125xi32, #tpu.memory_space<vmem>> -> memref<1x125xi32, #tpu.memory_space<vmem>>
      %dma_wait3A_169 = tpu.memref_squeeze %dma_wait3A_168 : memref<1x125xi32, #tpu.memory_space<vmem>> -> memref<125xi32, #tpu.memory_space<vmem>>
      %dma_wait3A_170 = arith.constant 0 : i32
      %dma_wait3A_171 = arith.constant 0 : i32
      %dma_wait3A_172 = tpu.memref_slice %arg12[%dma_wait3A_170, %dma_wait3A_171] : memref<10000x64xf32, #tpu.memory_space<vmem_shared>> -> memref<10000x64xf32, #tpu.memory_space<vmem_shared>>
      tpu.wait_indirect_dma semaphore(%run_scoped3A_160 : memref<!tpu.dma_semaphore, #tpu.memory_space<semaphore_mem>>) src(%arg8 : memref<125x64xf32, #tpu.memory_space<vmem>>) dst(%dma_wait3A_172 : memref<10000x64xf32, #tpu.memory_space<vmem_shared>>)
      tpu.yield
    }) : () -> ()
    %dma_wait3A_127 = arith.constant 158 : i32
    %dma_wait3A_128 = arith.constant 0 : i32
    %dma_wait3A_129 = tpu.memref_slice %arg5[%dma_wait3A_127, %dma_wait3A_128] : memref<160x125xi32, #tpu.memory_space<vmem>> -> memref<1x125xi32, #tpu.memory_space<vmem>>
    %dma_wait3A_130 = tpu.memref_squeeze %dma_wait3A_129 : memref<1x125xi32, #tpu.memory_space<vmem>> -> memref<125xi32, #tpu.memory_space<vmem>>
    %dma_wait3A_131 = arith.constant 0 : i32
    %dma_wait3A_132 = arith.constant 0 : i32
    %dma_wait3A_133 = tpu.memref_slice %arg2[%arg0, %dma_wait3A_131, %dma_wait3A_132] : memref<2x10000x64xf32, #tpu.memory_space<hbm>> -> memref<1x10000x64xf32, #tpu.memory_space<hbm>>
    %dma_wait3A_134 = tpu.memref_squeeze %dma_wait3A_133 : memref<1x10000x64xf32, #tpu.memory_space<hbm>> -> memref<10000x64xf32, #tpu.memory_space<hbm>>
    %dma_wait3A_135 = arith.constant 0 : i32
    %dma_wait3A_136 = arith.constant 0 : i32
    %dma_wait3A_137 = tpu.memref_slice %dma_wait3A_134[%dma_wait3A_135, %dma_wait3A_136] : memref<10000x64xf32, #tpu.memory_space<hbm>> -> memref<10000x64xf32, #tpu.memory_space<hbm>>
    tpu.wait_indirect_dma semaphore(%arg17 : memref<!tpu.dma_semaphore, #tpu.memory_space<semaphore_mem>>) src(%dma_wait3A_137 : memref<10000x64xf32, #tpu.memory_space<hbm>>) dst(%arg9 : memref<125x64xf32, #tpu.memory_space<vmem>>)
    %run_scoped3A_138 = arith.constant 158 : i32
    "tpu.region"() ({
      %run_scoped3A_160 = tpu.sem_alloc : memref<!tpu.dma_semaphore, #tpu.memory_space<semaphore_mem>>
      %dma_start3A_161 = arith.constant 0 : i32
      %dma_start3A_162 = tpu.memref_slice %arg6[%run_scoped3A_138, %dma_start3A_161] : memref<160x125xi32, #tpu.memory_space<vmem>> -> memref<1x125xi32, #tpu.memory_space<vmem>>
      %dma_start3A_163 = tpu.memref_squeeze %dma_start3A_162 : memref<1x125xi32, #tpu.memory_space<vmem>> -> memref<125xi32, #tpu.memory_space<vmem>>
      %dma_start3A_164 = arith.constant 0 : i32
      %dma_start3A_165 = arith.constant 0 : i32
      %dma_start3A_166 = tpu.memref_slice %arg12[%dma_start3A_164, %dma_start3A_165] : memref<10000x64xf32, #tpu.memory_space<vmem_shared>> -> memref<10000x64xf32, #tpu.memory_space<vmem_shared>>
      tpu.enqueue_indirect_dma source(%arg9 : memref<125x64xf32, #tpu.memory_space<vmem>>) target(%dma_start3A_166 : memref<10000x64xf32, #tpu.memory_space<vmem_shared>>) offsets(%dma_start3A_163 : memref<125xi32, #tpu.memory_space<vmem>>) semaphore(%run_scoped3A_160 : memref<!tpu.dma_semaphore, #tpu.memory_space<semaphore_mem>>) {add = true}
      %dma_wait3A_167 = arith.constant 0 : i32
      %dma_wait3A_168 = tpu.memref_slice %arg6[%run_scoped3A_138, %dma_wait3A_167] : memref<160x125xi32, #tpu.memory_space<vmem>> -> memref<1x125xi32, #tpu.memory_space<vmem>>
      %dma_wait3A_169 = tpu.memref_squeeze %dma_wait3A_168 : memref<1x125xi32, #tpu.memory_space<vmem>> -> memref<125xi32, #tpu.memory_space<vmem>>
      %dma_wait3A_170 = arith.constant 0 : i32
      %dma_wait3A_171 = arith.constant 0 : i32
      %dma_wait3A_172 = tpu.memref_slice %arg12[%dma_wait3A_170, %dma_wait3A_171] : memref<10000x64xf32, #tpu.memory_space<vmem_shared>> -> memref<10000x64xf32, #tpu.memory_space<vmem_shared>>
      tpu.wait_indirect_dma semaphore(%run_scoped3A_160 : memref<!tpu.dma_semaphore, #tpu.memory_space<semaphore_mem>>) src(%arg9 : memref<125x64xf32, #tpu.memory_space<vmem>>) dst(%dma_wait3A_172 : memref<10000x64xf32, #tpu.memory_space<vmem_shared>>)
      tpu.yield
    }) : () -> ()
    %dma_wait3A_139 = arith.constant 159 : i32
    %dma_wait3A_140 = arith.constant 0 : i32
    %dma_wait3A_141 = tpu.memref_slice %arg5[%dma_wait3A_139, %dma_wait3A_140] : memref<160x125xi32, #tpu.memory_space<vmem>> -> memref<1x125xi32, #tpu.memory_space<vmem>>
    %dma_wait3A_142 = tpu.memref_squeeze %dma_wait3A_141 : memref<1x125xi32, #tpu.memory_space<vmem>> -> memref<125xi32, #tpu.memory_space<vmem>>
    %dma_wait3A_143 = arith.constant 0 : i32
    %dma_wait3A_144 = arith.constant 0 : i32
    %dma_wait3A_145 = tpu.memref_slice %arg2[%arg0, %dma_wait3A_143, %dma_wait3A_144] : memref<2x10000x64xf32, #tpu.memory_space<hbm>> -> memref<1x10000x64xf32, #tpu.memory_space<hbm>>
    %dma_wait3A_146 = tpu.memref_squeeze %dma_wait3A_145 : memref<1x10000x64xf32, #tpu.memory_space<hbm>> -> memref<10000x64xf32, #tpu.memory_space<hbm>>
    %dma_wait3A_147 = arith.constant 0 : i32
    %dma_wait3A_148 = arith.constant 0 : i32
    %dma_wait3A_149 = tpu.memref_slice %dma_wait3A_146[%dma_wait3A_147, %dma_wait3A_148] : memref<10000x64xf32, #tpu.memory_space<hbm>> -> memref<10000x64xf32, #tpu.memory_space<hbm>>
    tpu.wait_indirect_dma semaphore(%arg18 : memref<!tpu.dma_semaphore, #tpu.memory_space<semaphore_mem>>) src(%dma_wait3A_149 : memref<10000x64xf32, #tpu.memory_space<hbm>>) dst(%arg10 : memref<125x64xf32, #tpu.memory_space<vmem>>)
    %run_scoped3A_150 = arith.constant 159 : i32
    "tpu.region"() ({
      %run_scoped3A_160 = tpu.sem_alloc : memref<!tpu.dma_semaphore, #tpu.memory_space<semaphore_mem>>
      %dma_start3A_161 = arith.constant 0 : i32
      %dma_start3A_162 = tpu.memref_slice %arg6[%run_scoped3A_150, %dma_start3A_161] : memref<160x125xi32, #tpu.memory_space<vmem>> -> memref<1x125xi32, #tpu.memory_space<vmem>>
      %dma_start3A_163 = tpu.memref_squeeze %dma_start3A_162 : memref<1x125xi32, #tpu.memory_space<vmem>> -> memref<125xi32, #tpu.memory_space<vmem>>
      %dma_start3A_164 = arith.constant 0 : i32
      %dma_start3A_165 = arith.constant 0 : i32
      %dma_start3A_166 = tpu.memref_slice %arg12[%dma_start3A_164, %dma_start3A_165] : memref<10000x64xf32, #tpu.memory_space<vmem_shared>> -> memref<10000x64xf32, #tpu.memory_space<vmem_shared>>
      tpu.enqueue_indirect_dma source(%arg10 : memref<125x64xf32, #tpu.memory_space<vmem>>) target(%dma_start3A_166 : memref<10000x64xf32, #tpu.memory_space<vmem_shared>>) offsets(%dma_start3A_163 : memref<125xi32, #tpu.memory_space<vmem>>) semaphore(%run_scoped3A_160 : memref<!tpu.dma_semaphore, #tpu.memory_space<semaphore_mem>>) {add = true}
      %dma_wait3A_167 = arith.constant 0 : i32
      %dma_wait3A_168 = tpu.memref_slice %arg6[%run_scoped3A_150, %dma_wait3A_167] : memref<160x125xi32, #tpu.memory_space<vmem>> -> memref<1x125xi32, #tpu.memory_space<vmem>>
      %dma_wait3A_169 = tpu.memref_squeeze %dma_wait3A_168 : memref<1x125xi32, #tpu.memory_space<vmem>> -> memref<125xi32, #tpu.memory_space<vmem>>
      %dma_wait3A_170 = arith.constant 0 : i32
      %dma_wait3A_171 = arith.constant 0 : i32
      %dma_wait3A_172 = tpu.memref_slice %arg12[%dma_wait3A_170, %dma_wait3A_171] : memref<10000x64xf32, #tpu.memory_space<vmem_shared>> -> memref<10000x64xf32, #tpu.memory_space<vmem_shared>>
      tpu.wait_indirect_dma semaphore(%run_scoped3A_160 : memref<!tpu.dma_semaphore, #tpu.memory_space<semaphore_mem>>) src(%arg10 : memref<125x64xf32, #tpu.memory_space<vmem>>) dst(%dma_wait3A_172 : memref<10000x64xf32, #tpu.memory_space<vmem_shared>>)
      tpu.yield
    }) : () -> ()
    %barrier3A_151 = arith.constant 0 : index
    tpu.barrier barrier_id(%barrier3A_151)
    %mul3A = arith.constant 624 : i32
    %mul3A_152 = arith.muli %arg1, %mul3A : i32
    %mul3A_153 = arith.constant 624 : i32
    %mul3A_154 = arith.muli %arg1, %mul3A_153 : i32
    "tpu.region"() ({
      %run_scoped3A_160 = tpu.sem_alloc : memref<!tpu.dma_semaphore, #tpu.memory_space<semaphore_mem>>
      %dma_start3A_161 = arith.constant 0 : i32
      %dma_start3A_162 = tpu.memref_slice %arg4[%arg0, %mul3A_154, %dma_start3A_161] : memref<2x10000x64xf32, #tpu.memory_space<hbm>> -> memref<1x624x64xf32, #tpu.memory_space<hbm>>
      %dma_start3A_163 = tpu.memref_squeeze %dma_start3A_162 : memref<1x624x64xf32, #tpu.memory_space<hbm>> -> memref<624x64xf32, #tpu.memory_space<hbm>>
      %dma_start3A_164 = arith.constant 0 : i32
      %dma_start3A_165 = tpu.memref_slice %arg12[%mul3A_152, %dma_start3A_164] : memref<10000x64xf32, #tpu.memory_space<vmem_shared>> -> memref<624x64xf32, #tpu.memory_space<vmem_shared>>
      tpu.enqueue_dma source(%dma_start3A_165 : memref<624x64xf32, #tpu.memory_space<vmem_shared>>) target(%dma_start3A_163 : memref<624x64xf32, #tpu.memory_space<hbm>>) target_semaphore(%run_scoped3A_160 : memref<!tpu.dma_semaphore, #tpu.memory_space<semaphore_mem>>)
      %dma_wait3A_166 = arith.constant 0 : i32
      %dma_wait3A_167 = tpu.memref_slice %arg4[%arg0, %mul3A_154, %dma_wait3A_166] : memref<2x10000x64xf32, #tpu.memory_space<hbm>> -> memref<1x624x64xf32, #tpu.memory_space<hbm>>
      %dma_wait3A_168 = tpu.memref_squeeze %dma_wait3A_167 : memref<1x624x64xf32, #tpu.memory_space<hbm>> -> memref<624x64xf32, #tpu.memory_space<hbm>>
      %dma_wait3A_169 = arith.constant 0 : i32
      %dma_wait3A_170 = tpu.memref_slice %arg12[%mul3A_152, %dma_wait3A_169] : memref<10000x64xf32, #tpu.memory_space<vmem_shared>> -> memref<624x64xf32, #tpu.memory_space<vmem_shared>>
      tpu.wait_dma2 semaphore(%run_scoped3A_160 : memref<!tpu.dma_semaphore, #tpu.memory_space<semaphore_mem>>) src(%dma_wait3A_170 : memref<624x64xf32, #tpu.memory_space<vmem_shared>>) dst(%dma_wait3A_168 : memref<624x64xf32, #tpu.memory_space<hbm>>)
      tpu.yield
    }) : () -> ()
    %eq3A_155 = arith.constant 15 : i32
    %eq3A_156 = arith.cmpi eq, %arg1, %eq3A_155 : i32
    %convert_element_type3A_157 = arith.extui %eq3A_156 : i1 to i32
    %cond3A_158 = arith.constant 0 : i32
    %cond3A_159 = arith.cmpi ne, %convert_element_type3A_157, %cond3A_158 : i32
    scf.if %cond3A_159 {
      "tpu.region"() ({
        %run_scoped3A_160 = tpu.sem_alloc : memref<!tpu.dma_semaphore, #tpu.memory_space<semaphore_mem>>
        %dma_start3A_161 = arith.constant 9984 : i32
        %dma_start3A_162 = arith.constant 0 : i32
        %dma_start3A_163 = tpu.memref_slice %arg4[%arg0, %dma_start3A_161, %dma_start3A_162] : memref<2x10000x64xf32, #tpu.memory_space<hbm>> -> memref<1x16x64xf32, #tpu.memory_space<hbm>>
        %dma_start3A_164 = tpu.memref_squeeze %dma_start3A_163 : memref<1x16x64xf32, #tpu.memory_space<hbm>> -> memref<16x64xf32, #tpu.memory_space<hbm>>
        %dma_start3A_165 = arith.constant 9984 : i32
        %dma_start3A_166 = arith.constant 0 : i32
        %dma_start3A_167 = tpu.memref_slice %arg12[%dma_start3A_165, %dma_start3A_166] : memref<10000x64xf32, #tpu.memory_space<vmem_shared>> -> memref<16x64xf32, #tpu.memory_space<vmem_shared>>
        tpu.enqueue_dma source(%dma_start3A_167 : memref<16x64xf32, #tpu.memory_space<vmem_shared>>) target(%dma_start3A_164 : memref<16x64xf32, #tpu.memory_space<hbm>>) target_semaphore(%run_scoped3A_160 : memref<!tpu.dma_semaphore, #tpu.memory_space<semaphore_mem>>)
        %dma_wait3A_168 = arith.constant 9984 : i32
        %dma_wait3A_169 = arith.constant 0 : i32
        %dma_wait3A_170 = tpu.memref_slice %arg4[%arg0, %dma_wait3A_168, %dma_wait3A_169] : memref<2x10000x64xf32, #tpu.memory_space<hbm>> -> memref<1x16x64xf32, #tpu.memory_space<hbm>>
        %dma_wait3A_171 = tpu.memref_squeeze %dma_wait3A_170 : memref<1x16x64xf32, #tpu.memory_space<hbm>> -> memref<16x64xf32, #tpu.memory_space<hbm>>
        %dma_wait3A_172 = arith.constant 9984 : i32
        %dma_wait3A_173 = arith.constant 0 : i32
        %dma_wait3A_174 = tpu.memref_slice %arg12[%dma_wait3A_172, %dma_wait3A_173] : memref<10000x64xf32, #tpu.memory_space<vmem_shared>> -> memref<16x64xf32, #tpu.memory_space<vmem_shared>>
        tpu.wait_dma2 semaphore(%run_scoped3A_160 : memref<!tpu.dma_semaphore, #tpu.memory_space<semaphore_mem>>) src(%dma_wait3A_174 : memref<16x64xf32, #tpu.memory_space<vmem_shared>>) dst(%dma_wait3A_171 : memref<16x64xf32, #tpu.memory_space<hbm>>)
        tpu.yield
      }) : () -> ()
    } else {
    }
    return
  }
}

#map = affine_map<(d0, d1) -> (0, 0, 0)>
#map1 = affine_map<(d0, d1) -> (0, 0, 0, 0)>
module attributes {stable_mosaic.version = 14 : i64} {
  func.func @msg_kernel(%arg0: i32, %arg1: i32, %arg2: memref<2x10000x64xf32, #tpu.memory_space<hbm>>, %arg3: memref<2x16x160x125xi32, #tpu.memory_space<hbm>>, %arg4: memref<2x10000x64xf32, #tpu.memory_space<hbm>>, %arg5: memref<160x125xi32, #tpu.memory_space<vmem>>, %arg6: memref<160x125xi32, #tpu.memory_space<vmem>>, %arg7: memref<125x64xf32, #tpu.memory_space<vmem>>, %arg8: memref<125x64xf32, #tpu.memory_space<vmem>>, %arg9: memref<125x64xf32, #tpu.memory_space<vmem>>, %arg10: memref<125x64xf32, #tpu.memory_space<vmem>>, %arg11: memref<48x64xf32, #tpu.memory_space<vmem>>, %arg12: memref<10000x64xf32, #tpu.memory_space<vmem_shared>>, %arg13: memref<!tpu.dma_semaphore, #tpu.memory_space<semaphore_mem>>, %arg14: memref<!tpu.dma_semaphore, #tpu.memory_space<semaphore_mem>>, %arg15: memref<!tpu.dma_semaphore, #tpu.memory_space<semaphore_mem>>, %arg16: memref<!tpu.dma_semaphore, #tpu.memory_space<semaphore_mem>>, %arg17: memref<!tpu.dma_semaphore, #tpu.memory_space<semaphore_mem>>, %arg18: memref<!tpu.dma_semaphore, #tpu.memory_space<semaphore_mem>>, %arg19: memref<!tpu.dma_semaphore, #tpu.memory_space<semaphore_mem>>, %arg20: memref<!tpu.dma_semaphore, #tpu.memory_space<semaphore_mem>>, %arg21: memref<!tpu.dma_semaphore, #tpu.memory_space<semaphore_mem>>, %arg22: memref<!tpu.dma_semaphore, #tpu.memory_space<semaphore_mem>>) attributes {dimension_semantics = [#tpu.dimension_semantics<core_parallel>, #tpu.dimension_semantics<subcore_parallel>], iteration_bounds = array<i64: 2, 16>, scalar_prefetch = 0 : i64, scratch_operands = 18 : i64, tpu.core_type = #tpu.core_type<sc_vector_subcore>, window_params = [{transform_indices = #map}, {transform_indices = #map1}, {transform_indices = #map}]} {
    %dma_start3A = arith.constant 0 : i32
    %dma_start3A_0 = arith.constant 0 : i32
    %dma_start3A_1 = arith.constant 0 : i32
    %dma_start3A_2 = tpu.memref_slice %arg3[%dma_start3A, %arg1, %dma_start3A_0, %dma_start3A_1] : memref<2x16x160x125xi32, #tpu.memory_space<hbm>> -> memref<1x1x160x125xi32, #tpu.memory_space<hbm>>
    %dma_start3A_3 = tpu.memref_squeeze %dma_start3A_2 : memref<1x1x160x125xi32, #tpu.memory_space<hbm>> -> memref<160x125xi32, #tpu.memory_space<hbm>>
    %dma_start3A_4 = arith.constant 0 : i32
    %dma_start3A_5 = arith.constant 0 : i32
    %dma_start3A_6 = tpu.memref_slice %arg3[%dma_start3A, %arg1, %dma_start3A_4, %dma_start3A_5] : memref<2x16x160x125xi32, #tpu.memory_space<hbm>> -> memref<1x1x160x125xi32, #tpu.memory_space<hbm>>
    %dma_start3A_7 = tpu.memref_squeeze %dma_start3A_6 : memref<1x1x160x125xi32, #tpu.memory_space<hbm>> -> memref<160x125xi32, #tpu.memory_space<hbm>>
    tpu.enqueue_dma source(%dma_start3A_7 : memref<160x125xi32, #tpu.memory_space<hbm>>) target(%arg5 : memref<160x125xi32, #tpu.memory_space<vmem>>) target_semaphore(%arg14 : memref<!tpu.dma_semaphore, #tpu.memory_space<semaphore_mem>>)
    %dma_start3A_8 = arith.constant 1 : i32
    %dma_start3A_9 = arith.constant 0 : i32
    %dma_start3A_10 = arith.constant 0 : i32
    %dma_start3A_11 = tpu.memref_slice %arg3[%dma_start3A_8, %arg1, %dma_start3A_9, %dma_start3A_10] : memref<2x16x160x125xi32, #tpu.memory_space<hbm>> -> memref<1x1x160x125xi32, #tpu.memory_space<hbm>>
    %dma_start3A_12 = tpu.memref_squeeze %dma_start3A_11 : memref<1x1x160x125xi32, #tpu.memory_space<hbm>> -> memref<160x125xi32, #tpu.memory_space<hbm>>
    %dma_start3A_13 = arith.constant 0 : i32
    %dma_start3A_14 = arith.constant 0 : i32
    %dma_start3A_15 = tpu.memref_slice %arg3[%dma_start3A_8, %arg1, %dma_start3A_13, %dma_start3A_14] : memref<2x16x160x125xi32, #tpu.memory_space<hbm>> -> memref<1x1x160x125xi32, #tpu.memory_space<hbm>>
    %dma_start3A_16 = tpu.memref_squeeze %dma_start3A_15 : memref<1x1x160x125xi32, #tpu.memory_space<hbm>> -> memref<160x125xi32, #tpu.memory_space<hbm>>
    tpu.enqueue_dma source(%dma_start3A_16 : memref<160x125xi32, #tpu.memory_space<hbm>>) target(%arg6 : memref<160x125xi32, #tpu.memory_space<vmem>>) target_semaphore(%arg14 : memref<!tpu.dma_semaphore, #tpu.memory_space<semaphore_mem>>)
    %scan3A = arith.constant 0 : i32
    %scan3A_17 = arith.constant 48 : i32
    %scan3A_18 = arith.addi %scan3A, %scan3A_17 : i32
    %scan3A_19 = arith.constant 1 : i32
    scf.for %scan3A_160 = %scan3A to %scan3A_18 step %scan3A_19  : i32 {
      %mul3A_161 = arith.constant 1 : i32
      %mul3A_162 = arith.muli %scan3A_160, %mul3A_161 : i32
      %add3A = arith.constant 0 : i32
      %add3A_163 = arith.addi %add3A, %mul3A_162 : i32
      %scan3A_164 = arith.constant 0 : i32
      %scan3A_165 = arith.constant 4 : i32
      %scan3A_166 = arith.addi %scan3A_164, %scan3A_165 : i32
      %scan3A_167 = arith.constant 1 : i32
      scf.for %scan3A_169 = %scan3A_164 to %scan3A_166 step %scan3A_167  : i32 {
        %mul3A_170 = arith.constant 16 : i32
        %mul3A_171 = arith.muli %scan3A_169, %mul3A_170 : i32
        %add3A_172 = arith.constant 0 : i32
        %add3A_173 = arith.addi %add3A_172, %mul3A_171 : i32
        %broadcast_in_dim3A = arith.constant 0.000000e+00 : f32
        %broadcast_in_dim3A_174 = vector.broadcast %broadcast_in_dim3A : f32 to vector<16xf32>
        %swap3A = arith.index_cast %add3A_163 : i32 to index
        %swap3A_175 = arith.index_cast %add3A_173 : i32 to index
        %swap3A_176 = tpu.vector_load %arg11[%swap3A, %swap3A_175] {strides = array<i32>} : memref<48x64xf32, #tpu.memory_space<vmem>>, vector<1x16xf32>,
        %swap3A_177 = vector.shape_cast %swap3A_176 : vector<1x16xf32> to vector<16xf32>
        %swap3A_178 = vector.shape_cast %broadcast_in_dim3A_174 : vector<16xf32> to vector<1x16xf32>
        tpu.vector_store %arg11[%swap3A, %swap3A_175], %swap3A_178 {strides = array<i32>} : memref<48x64xf32, #tpu.memory_space<vmem>>, vector<1x16xf32>,
      }
      %scan3A_168 = arith.constant 4 : i32
    }
    %scan3A_20 = arith.constant 48 : i32
    %scan3A_21 = arith.constant 0 : i32
    %scan3A_22 = arith.constant 13 : i32
    %scan3A_23 = arith.addi %scan3A_21, %scan3A_22 : i32
    %scan3A_24 = arith.constant 1 : i32
    scf.for %scan3A_160 = %scan3A_21 to %scan3A_23 step %scan3A_24  : i32 {
      %mul3A_161 = arith.constant 1 : i32
      %mul3A_162 = arith.muli %scan3A_160, %mul3A_161 : i32
      %add3A = arith.constant 0 : i32
      %add3A_163 = arith.addi %add3A, %mul3A_162 : i32
      %mul3A_164 = arith.constant 624 : i32
      %mul3A_165 = arith.muli %arg1, %mul3A_164 : i32
      %mul3A_166 = arith.constant 48 : i32
      %mul3A_167 = arith.muli %add3A_163, %mul3A_166 : i32
      %add3A_168 = arith.addi %mul3A_165, %mul3A_167 : i32
      %dma_start3A_169 = arith.constant 0 : i32
      %dma_start3A_170 = tpu.memref_slice %arg12[%add3A_168, %dma_start3A_169] : memref<10000x64xf32, #tpu.memory_space<vmem_shared>> -> memref<48x64xf32, #tpu.memory_space<vmem_shared>>
      %dma_start3A_171 = arith.constant 0 : i32
      %dma_start3A_172 = tpu.memref_slice %arg12[%add3A_168, %dma_start3A_171] : memref<10000x64xf32, #tpu.memory_space<vmem_shared>> -> memref<48x64xf32, #tpu.memory_space<vmem_shared>>
      tpu.enqueue_dma source(%arg11 : memref<48x64xf32, #tpu.memory_space<vmem>>) target(%dma_start3A_172 : memref<48x64xf32, #tpu.memory_space<vmem_shared>>) target_semaphore(%arg13 : memref<!tpu.dma_semaphore, #tpu.memory_space<semaphore_mem>>)
    }
    %scan3A_25 = arith.constant 13 : i32
    %eq3A = arith.constant 15 : i32
    %eq3A_26 = arith.cmpi eq, %arg1, %eq3A : i32
    %convert_element_type3A = arith.extui %eq3A_26 : i1 to i32
    %cond3A = arith.constant 0 : i32
    %cond3A_27 = arith.cmpi ne, %convert_element_type3A, %cond3A : i32
    scf.if %cond3A_27 {
      %dma_start3A_160 = arith.constant 0 : i32
      %dma_start3A_161 = arith.constant 0 : i32
      %dma_start3A_162 = tpu.memref_slice %arg11[%dma_start3A_160, %dma_start3A_161] : memref<48x64xf32, #tpu.memory_space<vmem>> -> memref<16x64xf32, #tpu.memory_space<vmem>>
      %dma_start3A_163 = arith.constant 9984 : i32
      %dma_start3A_164 = arith.constant 0 : i32
      %dma_start3A_165 = tpu.memref_slice %arg12[%dma_start3A_163, %dma_start3A_164] : memref<10000x64xf32, #tpu.memory_space<vmem_shared>> -> memref<16x64xf32, #tpu.memory_space<vmem_shared>>
      %dma_start3A_166 = arith.constant 9984 : i32
      %dma_start3A_167 = arith.constant 0 : i32
      %dma_start3A_168 = tpu.memref_slice %arg12[%dma_start3A_166, %dma_start3A_167] : memref<10000x64xf32, #tpu.memory_space<vmem_shared>> -> memref<16x64xf32, #tpu.memory_space<vmem_shared>>
      %dma_start3A_169 = arith.constant 0 : i32
      %dma_start3A_170 = arith.constant 0 : i32
      %dma_start3A_171 = tpu.memref_slice %arg11[%dma_start3A_169, %dma_start3A_170] : memref<48x64xf32, #tpu.memory_space<vmem>> -> memref<16x64xf32, #tpu.memory_space<vmem>>
      tpu.enqueue_dma source(%dma_start3A_171 : memref<16x64xf32, #tpu.memory_space<vmem>>) target(%dma_start3A_168 : memref<16x64xf32, #tpu.memory_space<vmem_shared>>) target_semaphore(%arg13 : memref<!tpu.dma_semaphore, #tpu.memory_space<semaphore_mem>>)
    } else {
    }
    %scan3A_28 = arith.constant 0 : i32
    %scan3A_29 = arith.constant 13 : i32
    %scan3A_30 = arith.addi %scan3A_28, %scan3A_29 : i32
    %scan3A_31 = arith.constant 1 : i32
    scf.for %scan3A_160 = %scan3A_28 to %scan3A_30 step %scan3A_31  : i32 {
      %mul3A_161 = arith.constant 1 : i32
      %mul3A_162 = arith.muli %scan3A_160, %mul3A_161 : i32
      %add3A = arith.constant 0 : i32
      %add3A_163 = arith.addi %add3A, %mul3A_162 : i32
      %mul3A_164 = arith.constant 624 : i32
      %mul3A_165 = arith.muli %arg1, %mul3A_164 : i32
      %mul3A_166 = arith.constant 48 : i32
      %mul3A_167 = arith.muli %add3A_163, %mul3A_166 : i32
      %add3A_168 = arith.addi %mul3A_165, %mul3A_167 : i32
      %dma_wait3A_169 = arith.constant 0 : i32
      %dma_wait3A_170 = tpu.memref_slice %arg12[%add3A_168, %dma_wait3A_169] : memref<10000x64xf32, #tpu.memory_space<vmem_shared>> -> memref<48x64xf32, #tpu.memory_space<vmem_shared>>
      %dma_wait3A_171 = arith.constant 0 : i32
      %dma_wait3A_172 = tpu.memref_slice %arg12[%add3A_168, %dma_wait3A_171] : memref<10000x64xf32, #tpu.memory_space<vmem_shared>> -> memref<48x64xf32, #tpu.memory_space<vmem_shared>>
      tpu.wait_dma2 semaphore(%arg13 : memref<!tpu.dma_semaphore, #tpu.memory_space<semaphore_mem>>) src(%arg11 : memref<48x64xf32, #tpu.memory_space<vmem>>) dst(%dma_wait3A_172 : memref<48x64xf32, #tpu.memory_space<vmem_shared>>)
    }
    %scan3A_32 = arith.constant 13 : i32
    %eq3A_33 = arith.constant 15 : i32
    %eq3A_34 = arith.cmpi eq, %arg1, %eq3A_33 : i32
    %convert_element_type3A_35 = arith.extui %eq3A_34 : i1 to i32
    %cond3A_36 = arith.constant 0 : i32
    %cond3A_37 = arith.cmpi ne, %convert_element_type3A_35, %cond3A_36 : i32
    scf.if %cond3A_37 {
      %dma_wait3A_160 = arith.constant 0 : i32
      %dma_wait3A_161 = arith.constant 0 : i32
      %dma_wait3A_162 = tpu.memref_slice %arg11[%dma_wait3A_160, %dma_wait3A_161] : memref<48x64xf32, #tpu.memory_space<vmem>> -> memref<16x64xf32, #tpu.memory_space<vmem>>
      %dma_wait3A_163 = arith.constant 9984 : i32
      %dma_wait3A_164 = arith.constant 0 : i32
      %dma_wait3A_165 = tpu.memref_slice %arg12[%dma_wait3A_163, %dma_wait3A_164] : memref<10000x64xf32, #tpu.memory_space<vmem_shared>> -> memref<16x64xf32, #tpu.memory_space<vmem_shared>>
      %dma_wait3A_166 = arith.constant 9984 : i32
      %dma_wait3A_167 = arith.constant 0 : i32
      %dma_wait3A_168 = tpu.memref_slice %arg12[%dma_wait3A_166, %dma_wait3A_167] : memref<10000x64xf32, #tpu.memory_space<vmem_shared>> -> memref<16x64xf32, #tpu.memory_space<vmem_shared>>
      %dma_wait3A_169 = arith.constant 0 : i32
      %dma_wait3A_170 = arith.constant 0 : i32
      %dma_wait3A_171 = tpu.memref_slice %arg11[%dma_wait3A_169, %dma_wait3A_170] : memref<48x64xf32, #tpu.memory_space<vmem>> -> memref<16x64xf32, #tpu.memory_space<vmem>>
      tpu.wait_dma2 semaphore(%arg13 : memref<!tpu.dma_semaphore, #tpu.memory_space<semaphore_mem>>) src(%dma_wait3A_171 : memref<16x64xf32, #tpu.memory_space<vmem>>) dst(%dma_wait3A_168 : memref<16x64xf32, #tpu.memory_space<vmem_shared>>)
    } else {
    }
    %barrier3A = arith.constant 0 : index
    tpu.barrier barrier_id(%barrier3A)
    %dma_wait3A = arith.constant 0 : i32
    %dma_wait3A_38 = arith.constant 0 : i32
    %dma_wait3A_39 = arith.constant 0 : i32
    %dma_wait3A_40 = tpu.memref_slice %arg3[%dma_wait3A, %arg1, %dma_wait3A_38, %dma_wait3A_39] : memref<2x16x160x125xi32, #tpu.memory_space<hbm>> -> memref<1x1x160x125xi32, #tpu.memory_space<hbm>>
    %dma_wait3A_41 = tpu.memref_squeeze %dma_wait3A_40 : memref<1x1x160x125xi32, #tpu.memory_space<hbm>> -> memref<160x125xi32, #tpu.memory_space<hbm>>
    %dma_wait3A_42 = arith.constant 0 : i32
    %dma_wait3A_43 = arith.constant 0 : i32
    %dma_wait3A_44 = tpu.memref_slice %arg3[%dma_wait3A, %arg1, %dma_wait3A_42, %dma_wait3A_43] : memref<2x16x160x125xi32, #tpu.memory_space<hbm>> -> memref<1x1x160x125xi32, #tpu.memory_space<hbm>>
    %dma_wait3A_45 = tpu.memref_squeeze %dma_wait3A_44 : memref<1x1x160x125xi32, #tpu.memory_space<hbm>> -> memref<160x125xi32, #tpu.memory_space<hbm>>
    tpu.wait_dma2 semaphore(%arg14 : memref<!tpu.dma_semaphore, #tpu.memory_space<semaphore_mem>>) src(%dma_wait3A_45 : memref<160x125xi32, #tpu.memory_space<hbm>>) dst(%arg5 : memref<160x125xi32, #tpu.memory_space<vmem>>)
    %dma_wait3A_46 = arith.constant 1 : i32
    %dma_wait3A_47 = arith.constant 0 : i32
    %dma_wait3A_48 = arith.constant 0 : i32
    %dma_wait3A_49 = tpu.memref_slice %arg3[%dma_wait3A_46, %arg1, %dma_wait3A_47, %dma_wait3A_48] : memref<2x16x160x125xi32, #tpu.memory_space<hbm>> -> memref<1x1x160x125xi32, #tpu.memory_space<hbm>>
    %dma_wait3A_50 = tpu.memref_squeeze %dma_wait3A_49 : memref<1x1x160x125xi32, #tpu.memory_space<hbm>> -> memref<160x125xi32, #tpu.memory_space<hbm>>
    %dma_wait3A_51 = arith.constant 0 : i32
    %dma_wait3A_52 = arith.constant 0 : i32
    %dma_wait3A_53 = tpu.memref_slice %arg3[%dma_wait3A_46, %arg1, %dma_wait3A_51, %dma_wait3A_52] : memref<2x16x160x125xi32, #tpu.memory_space<hbm>> -> memref<1x1x160x125xi32, #tpu.memory_space<hbm>>
    %dma_wait3A_54 = tpu.memref_squeeze %dma_wait3A_53 : memref<1x1x160x125xi32, #tpu.memory_space<hbm>> -> memref<160x125xi32, #tpu.memory_space<hbm>>
    tpu.wait_dma2 semaphore(%arg14 : memref<!tpu.dma_semaphore, #tpu.memory_space<semaphore_mem>>) src(%dma_wait3A_54 : memref<160x125xi32, #tpu.memory_space<hbm>>) dst(%arg6 : memref<160x125xi32, #tpu.memory_space<vmem>>)
    %dma_start3A_55 = arith.constant 0 : i32
    %dma_start3A_56 = arith.constant 0 : i32
    %dma_start3A_57 = tpu.memref_slice %arg5[%dma_start3A_55, %dma_start3A_56] : memref<160x125xi32, #tpu.memory_space<vmem>> -> memref<1x125xi32, #tpu.memory_space<vmem>>
    %dma_start3A_58 = tpu.memref_squeeze %dma_start3A_57 : memref<1x125xi32, #tpu.memory_space<vmem>> -> memref<125xi32, #tpu.memory_space<vmem>>
    %dma_start3A_59 = arith.constant 0 : i32
    %dma_start3A_60 = arith.constant 0 : i32
    %dma_start3A_61 = tpu.memref_slice %arg2[%arg0, %dma_start3A_59, %dma_start3A_60] : memref<2x10000x64xf32, #tpu.memory_space<hbm>> -> memref<1x10000x64xf32, #tpu.memory_space<hbm>>
    %dma_start3A_62 = tpu.memref_squeeze %dma_start3A_61 : memref<1x10000x64xf32, #tpu.memory_space<hbm>> -> memref<10000x64xf32, #tpu.memory_space<hbm>>
    %dma_start3A_63 = arith.constant 0 : i32
    %dma_start3A_64 = arith.constant 0 : i32
    %dma_start3A_65 = tpu.memref_slice %dma_start3A_62[%dma_start3A_63, %dma_start3A_64] : memref<10000x64xf32, #tpu.memory_space<hbm>> -> memref<10000x64xf32, #tpu.memory_space<hbm>>
    tpu.enqueue_indirect_dma source(%dma_start3A_65 : memref<10000x64xf32, #tpu.memory_space<hbm>>) target(%arg7 : memref<125x64xf32, #tpu.memory_space<vmem>>) offsets(%dma_start3A_58 : memref<125xi32, #tpu.memory_space<vmem>>) semaphore(%arg15 : memref<!tpu.dma_semaphore, #tpu.memory_space<semaphore_mem>>)
    %dma_start3A_66 = arith.constant 1 : i32
    %dma_start3A_67 = arith.constant 0 : i32
    %dma_start3A_68 = tpu.memref_slice %arg5[%dma_start3A_66, %dma_start3A_67] : memref<160x125xi32, #tpu.memory_space<vmem>> -> memref<1x125xi32, #tpu.memory_space<vmem>>
    %dma_start3A_69 = tpu.memref_squeeze %dma_start3A_68 : memref<1x125xi32, #tpu.memory_space<vmem>> -> memref<125xi32, #tpu.memory_space<vmem>>
    %dma_start3A_70 = arith.constant 0 : i32
    %dma_start3A_71 = arith.constant 0 : i32
    %dma_start3A_72 = tpu.memref_slice %arg2[%arg0, %dma_start3A_70, %dma_start3A_71] : memref<2x10000x64xf32, #tpu.memory_space<hbm>> -> memref<1x10000x64xf32, #tpu.memory_space<hbm>>
    %dma_start3A_73 = tpu.memref_squeeze %dma_start3A_72 : memref<1x10000x64xf32, #tpu.memory_space<hbm>> -> memref<10000x64xf32, #tpu.memory_space<hbm>>
    %dma_start3A_74 = arith.constant 0 : i32
    %dma_start3A_75 = arith.constant 0 : i32
    %dma_start3A_76 = tpu.memref_slice %dma_start3A_73[%dma_start3A_74, %dma_start3A_75] : memref<10000x64xf32, #tpu.memory_space<hbm>> -> memref<10000x64xf32, #tpu.memory_space<hbm>>
    tpu.enqueue_indirect_dma source(%dma_start3A_76 : memref<10000x64xf32, #tpu.memory_space<hbm>>) target(%arg8 : memref<125x64xf32, #tpu.memory_space<vmem>>) offsets(%dma_start3A_69 : memref<125xi32, #tpu.memory_space<vmem>>) semaphore(%arg16 : memref<!tpu.dma_semaphore, #tpu.memory_space<semaphore_mem>>)
    %dma_start3A_77 = arith.constant 2 : i32
    %dma_start3A_78 = arith.constant 0 : i32
    %dma_start3A_79 = tpu.memref_slice %arg5[%dma_start3A_77, %dma_start3A_78] : memref<160x125xi32, #tpu.memory_space<vmem>> -> memref<1x125xi32, #tpu.memory_space<vmem>>
    %dma_start3A_80 = tpu.memref_squeeze %dma_start3A_79 : memref<1x125xi32, #tpu.memory_space<vmem>> -> memref<125xi32, #tpu.memory_space<vmem>>
    %dma_start3A_81 = arith.constant 0 : i32
    %dma_start3A_82 = arith.constant 0 : i32
    %dma_start3A_83 = tpu.memref_slice %arg2[%arg0, %dma_start3A_81, %dma_start3A_82] : memref<2x10000x64xf32, #tpu.memory_space<hbm>> -> memref<1x10000x64xf32, #tpu.memory_space<hbm>>
    %dma_start3A_84 = tpu.memref_squeeze %dma_start3A_83 : memref<1x10000x64xf32, #tpu.memory_space<hbm>> -> memref<10000x64xf32, #tpu.memory_space<hbm>>
    %dma_start3A_85 = arith.constant 0 : i32
    %dma_start3A_86 = arith.constant 0 : i32
    %dma_start3A_87 = tpu.memref_slice %dma_start3A_84[%dma_start3A_85, %dma_start3A_86] : memref<10000x64xf32, #tpu.memory_space<hbm>> -> memref<10000x64xf32, #tpu.memory_space<hbm>>
    tpu.enqueue_indirect_dma source(%dma_start3A_87 : memref<10000x64xf32, #tpu.memory_space<hbm>>) target(%arg9 : memref<125x64xf32, #tpu.memory_space<vmem>>) offsets(%dma_start3A_80 : memref<125xi32, #tpu.memory_space<vmem>>) semaphore(%arg17 : memref<!tpu.dma_semaphore, #tpu.memory_space<semaphore_mem>>)
    %scan3A_88 = arith.constant 0 : i32
    %scan3A_89 = arith.constant 39 : i32
    %scan3A_90 = arith.addi %scan3A_88, %scan3A_89 : i32
    %scan3A_91 = arith.constant 1 : i32
    scf.for %scan3A_160 = %scan3A_88 to %scan3A_90 step %scan3A_91  : i32 {
      %mul3A_161 = arith.constant 1 : i32
      %mul3A_162 = arith.muli %scan3A_160, %mul3A_161 : i32
      %add3A = arith.constant 0 : i32
      %add3A_163 = arith.addi %add3A, %mul3A_162 : i32
      %mul3A_164 = arith.constant 4 : i32
      %mul3A_165 = arith.muli %mul3A_164, %add3A_163 : i32
      %add3A_166 = arith.constant 0 : i32
      %add3A_167 = arith.addi %mul3A_165, %add3A_166 : i32
      %add3A_168 = arith.constant 3 : i32
      %add3A_169 = arith.addi %add3A_167, %add3A_168 : i32
      %dma_start3A_170 = arith.constant 0 : i32
      %dma_start3A_171 = tpu.memref_slice %arg5[%add3A_169, %dma_start3A_170] : memref<160x125xi32, #tpu.memory_space<vmem>> -> memref<1x125xi32, #tpu.memory_space<vmem>>
      %dma_start3A_172 = tpu.memref_squeeze %dma_start3A_171 : memref<1x125xi32, #tpu.memory_space<vmem>> -> memref<125xi32, #tpu.memory_space<vmem>>
      %dma_start3A_173 = arith.constant 0 : i32
      %dma_start3A_174 = arith.constant 0 : i32
      %dma_start3A_175 = tpu.memref_slice %arg2[%arg0, %dma_start3A_173, %dma_start3A_174] : memref<2x10000x64xf32, #tpu.memory_space<hbm>> -> memref<1x10000x64xf32, #tpu.memory_space<hbm>>
      %dma_start3A_176 = tpu.memref_squeeze %dma_start3A_175 : memref<1x10000x64xf32, #tpu.memory_space<hbm>> -> memref<10000x64xf32, #tpu.memory_space<hbm>>
      %dma_start3A_177 = arith.constant 0 : i32
      %dma_start3A_178 = arith.constant 0 : i32
      %dma_start3A_179 = tpu.memref_slice %dma_start3A_176[%dma_start3A_177, %dma_start3A_178] : memref<10000x64xf32, #tpu.memory_space<hbm>> -> memref<10000x64xf32, #tpu.memory_space<hbm>>
      tpu.enqueue_indirect_dma source(%dma_start3A_179 : memref<10000x64xf32, #tpu.memory_space<hbm>>) target(%arg10 : memref<125x64xf32, #tpu.memory_space<vmem>>) offsets(%dma_start3A_172 : memref<125xi32, #tpu.memory_space<vmem>>) semaphore(%arg18 : memref<!tpu.dma_semaphore, #tpu.memory_space<semaphore_mem>>)
      %dma_wait3A_180 = arith.constant 0 : i32
      %dma_wait3A_181 = tpu.memref_slice %arg5[%add3A_167, %dma_wait3A_180] : memref<160x125xi32, #tpu.memory_space<vmem>> -> memref<1x125xi32, #tpu.memory_space<vmem>>
      %dma_wait3A_182 = tpu.memref_squeeze %dma_wait3A_181 : memref<1x125xi32, #tpu.memory_space<vmem>> -> memref<125xi32, #tpu.memory_space<vmem>>
      %dma_wait3A_183 = arith.constant 0 : i32
      %dma_wait3A_184 = arith.constant 0 : i32
      %dma_wait3A_185 = tpu.memref_slice %arg2[%arg0, %dma_wait3A_183, %dma_wait3A_184] : memref<2x10000x64xf32, #tpu.memory_space<hbm>> -> memref<1x10000x64xf32, #tpu.memory_space<hbm>>
      %dma_wait3A_186 = tpu.memref_squeeze %dma_wait3A_185 : memref<1x10000x64xf32, #tpu.memory_space<hbm>> -> memref<10000x64xf32, #tpu.memory_space<hbm>>
      %dma_wait3A_187 = arith.constant 0 : i32
      %dma_wait3A_188 = arith.constant 0 : i32
      %dma_wait3A_189 = tpu.memref_slice %dma_wait3A_186[%dma_wait3A_187, %dma_wait3A_188] : memref<10000x64xf32, #tpu.memory_space<hbm>> -> memref<10000x64xf32, #tpu.memory_space<hbm>>
      tpu.wait_indirect_dma semaphore(%arg15 : memref<!tpu.dma_semaphore, #tpu.memory_space<semaphore_mem>>) src(%dma_wait3A_189 : memref<10000x64xf32, #tpu.memory_space<hbm>>) dst(%arg7 : memref<125x64xf32, #tpu.memory_space<vmem>>)
      "tpu.region"() ({
        %run_scoped3A_262 = tpu.sem_alloc : memref<!tpu.dma_semaphore, #tpu.memory_space<semaphore_mem>>
        %dma_start3A_263 = arith.constant 0 : i32
        %dma_start3A_264 = tpu.memref_slice %arg6[%add3A_167, %dma_start3A_263] : memref<160x125xi32, #tpu.memory_space<vmem>> -> memref<1x125xi32, #tpu.memory_space<vmem>>
        %dma_start3A_265 = tpu.memref_squeeze %dma_start3A_264 : memref<1x125xi32, #tpu.memory_space<vmem>> -> memref<125xi32, #tpu.memory_space<vmem>>
        %dma_start3A_266 = arith.constant 0 : i32
        %dma_start3A_267 = arith.constant 0 : i32
        %dma_start3A_268 = tpu.memref_slice %arg12[%dma_start3A_266, %dma_start3A_267] : memref<10000x64xf32, #tpu.memory_space<vmem_shared>> -> memref<10000x64xf32, #tpu.memory_space<vmem_shared>>
        tpu.enqueue_indirect_dma source(%arg7 : memref<125x64xf32, #tpu.memory_space<vmem>>) target(%dma_start3A_268 : memref<10000x64xf32, #tpu.memory_space<vmem_shared>>) offsets(%dma_start3A_265 : memref<125xi32, #tpu.memory_space<vmem>>) semaphore(%run_scoped3A_262 : memref<!tpu.dma_semaphore, #tpu.memory_space<semaphore_mem>>) {add = true}
        %dma_wait3A_269 = arith.constant 0 : i32
        %dma_wait3A_270 = tpu.memref_slice %arg6[%add3A_167, %dma_wait3A_269] : memref<160x125xi32, #tpu.memory_space<vmem>> -> memref<1x125xi32, #tpu.memory_space<vmem>>
        %dma_wait3A_271 = tpu.memref_squeeze %dma_wait3A_270 : memref<1x125xi32, #tpu.memory_space<vmem>> -> memref<125xi32, #tpu.memory_space<vmem>>
        %dma_wait3A_272 = arith.constant 0 : i32
        %dma_wait3A_273 = arith.constant 0 : i32
        %dma_wait3A_274 = tpu.memref_slice %arg12[%dma_wait3A_272, %dma_wait3A_273] : memref<10000x64xf32, #tpu.memory_space<vmem_shared>> -> memref<10000x64xf32, #tpu.memory_space<vmem_shared>>
        tpu.wait_indirect_dma semaphore(%run_scoped3A_262 : memref<!tpu.dma_semaphore, #tpu.memory_space<semaphore_mem>>) src(%arg7 : memref<125x64xf32, #tpu.memory_space<vmem>>) dst(%dma_wait3A_274 : memref<10000x64xf32, #tpu.memory_space<vmem_shared>>)
        tpu.yield
      }) : () -> ()
      %add3A_190 = arith.constant 1 : i32
      %add3A_191 = arith.addi %mul3A_165, %add3A_190 : i32
      %add3A_192 = arith.constant 3 : i32
      %add3A_193 = arith.addi %add3A_191, %add3A_192 : i32
      %dma_start3A_194 = arith.constant 0 : i32
      %dma_start3A_195 = tpu.memref_slice %arg5[%add3A_193, %dma_start3A_194] : memref<160x125xi32, #tpu.memory_space<vmem>> -> memref<1x125xi32, #tpu.memory_space<vmem>>
      %dma_start3A_196 = tpu.memref_squeeze %dma_start3A_195 : memref<1x125xi32, #tpu.memory_space<vmem>> -> memref<125xi32, #tpu.memory_space<vmem>>
      %dma_start3A_197 = arith.constant 0 : i32
      %dma_start3A_198 = arith.constant 0 : i32
      %dma_start3A_199 = tpu.memref_slice %arg2[%arg0, %dma_start3A_197, %dma_start3A_198] : memref<2x10000x64xf32, #tpu.memory_space<hbm>> -> memref<1x10000x64xf32, #tpu.memory_space<hbm>>
      %dma_start3A_200 = tpu.memref_squeeze %dma_start3A_199 : memref<1x10000x64xf32, #tpu.memory_space<hbm>> -> memref<10000x64xf32, #tpu.memory_space<hbm>>
      %dma_start3A_201 = arith.constant 0 : i32
      %dma_start3A_202 = arith.constant 0 : i32
      %dma_start3A_203 = tpu.memref_slice %dma_start3A_200[%dma_start3A_201, %dma_start3A_202] : memref<10000x64xf32, #tpu.memory_space<hbm>> -> memref<10000x64xf32, #tpu.memory_space<hbm>>
      tpu.enqueue_indirect_dma source(%dma_start3A_203 : memref<10000x64xf32, #tpu.memory_space<hbm>>) target(%arg7 : memref<125x64xf32, #tpu.memory_space<vmem>>) offsets(%dma_start3A_196 : memref<125xi32, #tpu.memory_space<vmem>>) semaphore(%arg15 : memref<!tpu.dma_semaphore, #tpu.memory_space<semaphore_mem>>)
      %dma_wait3A_204 = arith.constant 0 : i32
      %dma_wait3A_205 = tpu.memref_slice %arg5[%add3A_191, %dma_wait3A_204] : memref<160x125xi32, #tpu.memory_space<vmem>> -> memref<1x125xi32, #tpu.memory_space<vmem>>
      %dma_wait3A_206 = tpu.memref_squeeze %dma_wait3A_205 : memref<1x125xi32, #tpu.memory_space<vmem>> -> memref<125xi32, #tpu.memory_space<vmem>>
      %dma_wait3A_207 = arith.constant 0 : i32
      %dma_wait3A_208 = arith.constant 0 : i32
      %dma_wait3A_209 = tpu.memref_slice %arg2[%arg0, %dma_wait3A_207, %dma_wait3A_208] : memref<2x10000x64xf32, #tpu.memory_space<hbm>> -> memref<1x10000x64xf32, #tpu.memory_space<hbm>>
      %dma_wait3A_210 = tpu.memref_squeeze %dma_wait3A_209 : memref<1x10000x64xf32, #tpu.memory_space<hbm>> -> memref<10000x64xf32, #tpu.memory_space<hbm>>
      %dma_wait3A_211 = arith.constant 0 : i32
      %dma_wait3A_212 = arith.constant 0 : i32
      %dma_wait3A_213 = tpu.memref_slice %dma_wait3A_210[%dma_wait3A_211, %dma_wait3A_212] : memref<10000x64xf32, #tpu.memory_space<hbm>> -> memref<10000x64xf32, #tpu.memory_space<hbm>>
      tpu.wait_indirect_dma semaphore(%arg16 : memref<!tpu.dma_semaphore, #tpu.memory_space<semaphore_mem>>) src(%dma_wait3A_213 : memref<10000x64xf32, #tpu.memory_space<hbm>>) dst(%arg8 : memref<125x64xf32, #tpu.memory_space<vmem>>)
      "tpu.region"() ({
        %run_scoped3A_262 = tpu.sem_alloc : memref<!tpu.dma_semaphore, #tpu.memory_space<semaphore_mem>>
        %dma_start3A_263 = arith.constant 0 : i32
        %dma_start3A_264 = tpu.memref_slice %arg6[%add3A_191, %dma_start3A_263] : memref<160x125xi32, #tpu.memory_space<vmem>> -> memref<1x125xi32, #tpu.memory_space<vmem>>
        %dma_start3A_265 = tpu.memref_squeeze %dma_start3A_264 : memref<1x125xi32, #tpu.memory_space<vmem>> -> memref<125xi32, #tpu.memory_space<vmem>>
        %dma_start3A_266 = arith.constant 0 : i32
        %dma_start3A_267 = arith.constant 0 : i32
        %dma_start3A_268 = tpu.memref_slice %arg12[%dma_start3A_266, %dma_start3A_267] : memref<10000x64xf32, #tpu.memory_space<vmem_shared>> -> memref<10000x64xf32, #tpu.memory_space<vmem_shared>>
        tpu.enqueue_indirect_dma source(%arg8 : memref<125x64xf32, #tpu.memory_space<vmem>>) target(%dma_start3A_268 : memref<10000x64xf32, #tpu.memory_space<vmem_shared>>) offsets(%dma_start3A_265 : memref<125xi32, #tpu.memory_space<vmem>>) semaphore(%run_scoped3A_262 : memref<!tpu.dma_semaphore, #tpu.memory_space<semaphore_mem>>) {add = true}
        %dma_wait3A_269 = arith.constant 0 : i32
        %dma_wait3A_270 = tpu.memref_slice %arg6[%add3A_191, %dma_wait3A_269] : memref<160x125xi32, #tpu.memory_space<vmem>> -> memref<1x125xi32, #tpu.memory_space<vmem>>
        %dma_wait3A_271 = tpu.memref_squeeze %dma_wait3A_270 : memref<1x125xi32, #tpu.memory_space<vmem>> -> memref<125xi32, #tpu.memory_space<vmem>>
        %dma_wait3A_272 = arith.constant 0 : i32
        %dma_wait3A_273 = arith.constant 0 : i32
        %dma_wait3A_274 = tpu.memref_slice %arg12[%dma_wait3A_272, %dma_wait3A_273] : memref<10000x64xf32, #tpu.memory_space<vmem_shared>> -> memref<10000x64xf32, #tpu.memory_space<vmem_shared>>
        tpu.wait_indirect_dma semaphore(%run_scoped3A_262 : memref<!tpu.dma_semaphore, #tpu.memory_space<semaphore_mem>>) src(%arg8 : memref<125x64xf32, #tpu.memory_space<vmem>>) dst(%dma_wait3A_274 : memref<10000x64xf32, #tpu.memory_space<vmem_shared>>)
        tpu.yield
      }) : () -> ()
      %add3A_214 = arith.constant 2 : i32
      %add3A_215 = arith.addi %mul3A_165, %add3A_214 : i32
      %add3A_216 = arith.constant 3 : i32
      %add3A_217 = arith.addi %add3A_215, %add3A_216 : i32
      %dma_start3A_218 = arith.constant 0 : i32
      %dma_start3A_219 = tpu.memref_slice %arg5[%add3A_217, %dma_start3A_218] : memref<160x125xi32, #tpu.memory_space<vmem>> -> memref<1x125xi32, #tpu.memory_space<vmem>>
      %dma_start3A_220 = tpu.memref_squeeze %dma_start3A_219 : memref<1x125xi32, #tpu.memory_space<vmem>> -> memref<125xi32, #tpu.memory_space<vmem>>
      %dma_start3A_221 = arith.constant 0 : i32
      %dma_start3A_222 = arith.constant 0 : i32
      %dma_start3A_223 = tpu.memref_slice %arg2[%arg0, %dma_start3A_221, %dma_start3A_222] : memref<2x10000x64xf32, #tpu.memory_space<hbm>> -> memref<1x10000x64xf32, #tpu.memory_space<hbm>>
      %dma_start3A_224 = tpu.memref_squeeze %dma_start3A_223 : memref<1x10000x64xf32, #tpu.memory_space<hbm>> -> memref<10000x64xf32, #tpu.memory_space<hbm>>
      %dma_start3A_225 = arith.constant 0 : i32
      %dma_start3A_226 = arith.constant 0 : i32
      %dma_start3A_227 = tpu.memref_slice %dma_start3A_224[%dma_start3A_225, %dma_start3A_226] : memref<10000x64xf32, #tpu.memory_space<hbm>> -> memref<10000x64xf32, #tpu.memory_space<hbm>>
      tpu.enqueue_indirect_dma source(%dma_start3A_227 : memref<10000x64xf32, #tpu.memory_space<hbm>>) target(%arg8 : memref<125x64xf32, #tpu.memory_space<vmem>>) offsets(%dma_start3A_220 : memref<125xi32, #tpu.memory_space<vmem>>) semaphore(%arg16 : memref<!tpu.dma_semaphore, #tpu.memory_space<semaphore_mem>>)
      %dma_wait3A_228 = arith.constant 0 : i32
      %dma_wait3A_229 = tpu.memref_slice %arg5[%add3A_215, %dma_wait3A_228] : memref<160x125xi32, #tpu.memory_space<vmem>> -> memref<1x125xi32, #tpu.memory_space<vmem>>
      %dma_wait3A_230 = tpu.memref_squeeze %dma_wait3A_229 : memref<1x125xi32, #tpu.memory_space<vmem>> -> memref<125xi32, #tpu.memory_space<vmem>>
      %dma_wait3A_231 = arith.constant 0 : i32
      %dma_wait3A_232 = arith.constant 0 : i32
      %dma_wait3A_233 = tpu.memref_slice %arg2[%arg0, %dma_wait3A_231, %dma_wait3A_232] : memref<2x10000x64xf32, #tpu.memory_space<hbm>> -> memref<1x10000x64xf32, #tpu.memory_space<hbm>>
      %dma_wait3A_234 = tpu.memref_squeeze %dma_wait3A_233 : memref<1x10000x64xf32, #tpu.memory_space<hbm>> -> memref<10000x64xf32, #tpu.memory_space<hbm>>
      %dma_wait3A_235 = arith.constant 0 : i32
      %dma_wait3A_236 = arith.constant 0 : i32
      %dma_wait3A_237 = tpu.memref_slice %dma_wait3A_234[%dma_wait3A_235, %dma_wait3A_236] : memref<10000x64xf32, #tpu.memory_space<hbm>> -> memref<10000x64xf32, #tpu.memory_space<hbm>>
      tpu.wait_indirect_dma semaphore(%arg17 : memref<!tpu.dma_semaphore, #tpu.memory_space<semaphore_mem>>) src(%dma_wait3A_237 : memref<10000x64xf32, #tpu.memory_space<hbm>>) dst(%arg9 : memref<125x64xf32, #tpu.memory_space<vmem>>)
      "tpu.region"() ({
        %run_scoped3A_262 = tpu.sem_alloc : memref<!tpu.dma_semaphore, #tpu.memory_space<semaphore_mem>>
        %dma_start3A_263 = arith.constant 0 : i32
        %dma_start3A_264 = tpu.memref_slice %arg6[%add3A_215, %dma_start3A_263] : memref<160x125xi32, #tpu.memory_space<vmem>> -> memref<1x125xi32, #tpu.memory_space<vmem>>
        %dma_start3A_265 = tpu.memref_squeeze %dma_start3A_264 : memref<1x125xi32, #tpu.memory_space<vmem>> -> memref<125xi32, #tpu.memory_space<vmem>>
        %dma_start3A_266 = arith.constant 0 : i32
        %dma_start3A_267 = arith.constant 0 : i32
        %dma_start3A_268 = tpu.memref_slice %arg12[%dma_start3A_266, %dma_start3A_267] : memref<10000x64xf32, #tpu.memory_space<vmem_shared>> -> memref<10000x64xf32, #tpu.memory_space<vmem_shared>>
        tpu.enqueue_indirect_dma source(%arg9 : memref<125x64xf32, #tpu.memory_space<vmem>>) target(%dma_start3A_268 : memref<10000x64xf32, #tpu.memory_space<vmem_shared>>) offsets(%dma_start3A_265 : memref<125xi32, #tpu.memory_space<vmem>>) semaphore(%run_scoped3A_262 : memref<!tpu.dma_semaphore, #tpu.memory_space<semaphore_mem>>) {add = true}
        %dma_wait3A_269 = arith.constant 0 : i32
        %dma_wait3A_270 = tpu.memref_slice %arg6[%add3A_215, %dma_wait3A_269] : memref<160x125xi32, #tpu.memory_space<vmem>> -> memref<1x125xi32, #tpu.memory_space<vmem>>
        %dma_wait3A_271 = tpu.memref_squeeze %dma_wait3A_270 : memref<1x125xi32, #tpu.memory_space<vmem>> -> memref<125xi32, #tpu.memory_space<vmem>>
        %dma_wait3A_272 = arith.constant 0 : i32
        %dma_wait3A_273 = arith.constant 0 : i32
        %dma_wait3A_274 = tpu.memref_slice %arg12[%dma_wait3A_272, %dma_wait3A_273] : memref<10000x64xf32, #tpu.memory_space<vmem_shared>> -> memref<10000x64xf32, #tpu.memory_space<vmem_shared>>
        tpu.wait_indirect_dma semaphore(%run_scoped3A_262 : memref<!tpu.dma_semaphore, #tpu.memory_space<semaphore_mem>>) src(%arg9 : memref<125x64xf32, #tpu.memory_space<vmem>>) dst(%dma_wait3A_274 : memref<10000x64xf32, #tpu.memory_space<vmem_shared>>)
        tpu.yield
      }) : () -> ()
      %add3A_238 = arith.constant 3 : i32
      %add3A_239 = arith.addi %mul3A_165, %add3A_238 : i32
      %add3A_240 = arith.constant 3 : i32
      %add3A_241 = arith.addi %add3A_239, %add3A_240 : i32
      %dma_start3A_242 = arith.constant 0 : i32
      %dma_start3A_243 = tpu.memref_slice %arg5[%add3A_241, %dma_start3A_242] : memref<160x125xi32, #tpu.memory_space<vmem>> -> memref<1x125xi32, #tpu.memory_space<vmem>>
      %dma_start3A_244 = tpu.memref_squeeze %dma_start3A_243 : memref<1x125xi32, #tpu.memory_space<vmem>> -> memref<125xi32, #tpu.memory_space<vmem>>
      %dma_start3A_245 = arith.constant 0 : i32
      %dma_start3A_246 = arith.constant 0 : i32
      %dma_start3A_247 = tpu.memref_slice %arg2[%arg0, %dma_start3A_245, %dma_start3A_246] : memref<2x10000x64xf32, #tpu.memory_space<hbm>> -> memref<1x10000x64xf32, #tpu.memory_space<hbm>>
      %dma_start3A_248 = tpu.memref_squeeze %dma_start3A_247 : memref<1x10000x64xf32, #tpu.memory_space<hbm>> -> memref<10000x64xf32, #tpu.memory_space<hbm>>
      %dma_start3A_249 = arith.constant 0 : i32
      %dma_start3A_250 = arith.constant 0 : i32
      %dma_start3A_251 = tpu.memref_slice %dma_start3A_248[%dma_start3A_249, %dma_start3A_250] : memref<10000x64xf32, #tpu.memory_space<hbm>> -> memref<10000x64xf32, #tpu.memory_space<hbm>>
      tpu.enqueue_indirect_dma source(%dma_start3A_251 : memref<10000x64xf32, #tpu.memory_space<hbm>>) target(%arg9 : memref<125x64xf32, #tpu.memory_space<vmem>>) offsets(%dma_start3A_244 : memref<125xi32, #tpu.memory_space<vmem>>) semaphore(%arg17 : memref<!tpu.dma_semaphore, #tpu.memory_space<semaphore_mem>>)
      %dma_wait3A_252 = arith.constant 0 : i32
      %dma_wait3A_253 = tpu.memref_slice %arg5[%add3A_239, %dma_wait3A_252] : memref<160x125xi32, #tpu.memory_space<vmem>> -> memref<1x125xi32, #tpu.memory_space<vmem>>
      %dma_wait3A_254 = tpu.memref_squeeze %dma_wait3A_253 : memref<1x125xi32, #tpu.memory_space<vmem>> -> memref<125xi32, #tpu.memory_space<vmem>>
      %dma_wait3A_255 = arith.constant 0 : i32
      %dma_wait3A_256 = arith.constant 0 : i32
      %dma_wait3A_257 = tpu.memref_slice %arg2[%arg0, %dma_wait3A_255, %dma_wait3A_256] : memref<2x10000x64xf32, #tpu.memory_space<hbm>> -> memref<1x10000x64xf32, #tpu.memory_space<hbm>>
      %dma_wait3A_258 = tpu.memref_squeeze %dma_wait3A_257 : memref<1x10000x64xf32, #tpu.memory_space<hbm>> -> memref<10000x64xf32, #tpu.memory_space<hbm>>
      %dma_wait3A_259 = arith.constant 0 : i32
      %dma_wait3A_260 = arith.constant 0 : i32
      %dma_wait3A_261 = tpu.memref_slice %dma_wait3A_258[%dma_wait3A_259, %dma_wait3A_260] : memref<10000x64xf32, #tpu.memory_space<hbm>> -> memref<10000x64xf32, #tpu.memory_space<hbm>>
      tpu.wait_indirect_dma semaphore(%arg18 : memref<!tpu.dma_semaphore, #tpu.memory_space<semaphore_mem>>) src(%dma_wait3A_261 : memref<10000x64xf32, #tpu.memory_space<hbm>>) dst(%arg10 : memref<125x64xf32, #tpu.memory_space<vmem>>)
      "tpu.region"() ({
        %run_scoped3A_262 = tpu.sem_alloc : memref<!tpu.dma_semaphore, #tpu.memory_space<semaphore_mem>>
        %dma_start3A_263 = arith.constant 0 : i32
        %dma_start3A_264 = tpu.memref_slice %arg6[%add3A_239, %dma_start3A_263] : memref<160x125xi32, #tpu.memory_space<vmem>> -> memref<1x125xi32, #tpu.memory_space<vmem>>
        %dma_start3A_265 = tpu.memref_squeeze %dma_start3A_264 : memref<1x125xi32, #tpu.memory_space<vmem>> -> memref<125xi32, #tpu.memory_space<vmem>>
        %dma_start3A_266 = arith.constant 0 : i32
        %dma_start3A_267 = arith.constant 0 : i32
        %dma_start3A_268 = tpu.memref_slice %arg12[%dma_start3A_266, %dma_start3A_267] : memref<10000x64xf32, #tpu.memory_space<vmem_shared>> -> memref<10000x64xf32, #tpu.memory_space<vmem_shared>>
        tpu.enqueue_indirect_dma source(%arg10 : memref<125x64xf32, #tpu.memory_space<vmem>>) target(%dma_start3A_268 : memref<10000x64xf32, #tpu.memory_space<vmem_shared>>) offsets(%dma_start3A_265 : memref<125xi32, #tpu.memory_space<vmem>>) semaphore(%run_scoped3A_262 : memref<!tpu.dma_semaphore, #tpu.memory_space<semaphore_mem>>) {add = true}
        %dma_wait3A_269 = arith.constant 0 : i32
        %dma_wait3A_270 = tpu.memref_slice %arg6[%add3A_239, %dma_wait3A_269] : memref<160x125xi32, #tpu.memory_space<vmem>> -> memref<1x125xi32, #tpu.memory_space<vmem>>
        %dma_wait3A_271 = tpu.memref_squeeze %dma_wait3A_270 : memref<1x125xi32, #tpu.memory_space<vmem>> -> memref<125xi32, #tpu.memory_space<vmem>>
        %dma_wait3A_272 = arith.constant 0 : i32
        %dma_wait3A_273 = arith.constant 0 : i32
        %dma_wait3A_274 = tpu.memref_slice %arg12[%dma_wait3A_272, %dma_wait3A_273] : memref<10000x64xf32, #tpu.memory_space<vmem_shared>> -> memref<10000x64xf32, #tpu.memory_space<vmem_shared>>
        tpu.wait_indirect_dma semaphore(%run_scoped3A_262 : memref<!tpu.dma_semaphore, #tpu.memory_space<semaphore_mem>>) src(%arg10 : memref<125x64xf32, #tpu.memory_space<vmem>>) dst(%dma_wait3A_274 : memref<10000x64xf32, #tpu.memory_space<vmem_shared>>)
        tpu.yield
      }) : () -> ()
    }
    %scan3A_92 = arith.constant 39 : i32
    %dma_start3A_93 = arith.constant 159 : i32
    %dma_start3A_94 = arith.constant 0 : i32
    %dma_start3A_95 = tpu.memref_slice %arg5[%dma_start3A_93, %dma_start3A_94] : memref<160x125xi32, #tpu.memory_space<vmem>> -> memref<1x125xi32, #tpu.memory_space<vmem>>
    %dma_start3A_96 = tpu.memref_squeeze %dma_start3A_95 : memref<1x125xi32, #tpu.memory_space<vmem>> -> memref<125xi32, #tpu.memory_space<vmem>>
    %dma_start3A_97 = arith.constant 0 : i32
    %dma_start3A_98 = arith.constant 0 : i32
    %dma_start3A_99 = tpu.memref_slice %arg2[%arg0, %dma_start3A_97, %dma_start3A_98] : memref<2x10000x64xf32, #tpu.memory_space<hbm>> -> memref<1x10000x64xf32, #tpu.memory_space<hbm>>
    %dma_start3A_100 = tpu.memref_squeeze %dma_start3A_99 : memref<1x10000x64xf32, #tpu.memory_space<hbm>> -> memref<10000x64xf32, #tpu.memory_space<hbm>>
    %dma_start3A_101 = arith.constant 0 : i32
    %dma_start3A_102 = arith.constant 0 : i32
    %dma_start3A_103 = tpu.memref_slice %dma_start3A_100[%dma_start3A_101, %dma_start3A_102] : memref<10000x64xf32, #tpu.memory_space<hbm>> -> memref<10000x64xf32, #tpu.memory_space<hbm>>
    tpu.enqueue_indirect_dma source(%dma_start3A_103 : memref<10000x64xf32, #tpu.memory_space<hbm>>) target(%arg10 : memref<125x64xf32, #tpu.memory_space<vmem>>) offsets(%dma_start3A_96 : memref<125xi32, #tpu.memory_space<vmem>>) semaphore(%arg18 : memref<!tpu.dma_semaphore, #tpu.memory_space<semaphore_mem>>)
    %dma_wait3A_104 = arith.constant 156 : i32
    %dma_wait3A_105 = arith.constant 0 : i32
    %dma_wait3A_106 = tpu.memref_slice %arg5[%dma_wait3A_104, %dma_wait3A_105] : memref<160x125xi32, #tpu.memory_space<vmem>> -> memref<1x125xi32, #tpu.memory_space<vmem>>
    %dma_wait3A_107 = tpu.memref_squeeze %dma_wait3A_106 : memref<1x125xi32, #tpu.memory_space<vmem>> -> memref<125xi32, #tpu.memory_space<vmem>>
    %dma_wait3A_108 = arith.constant 0 : i32
    %dma_wait3A_109 = arith.constant 0 : i32
    %dma_wait3A_110 = tpu.memref_slice %arg2[%arg0, %dma_wait3A_108, %dma_wait3A_109] : memref<2x10000x64xf32, #tpu.memory_space<hbm>> -> memref<1x10000x64xf32, #tpu.memory_space<hbm>>
    %dma_wait3A_111 = tpu.memref_squeeze %dma_wait3A_110 : memref<1x10000x64xf32, #tpu.memory_space<hbm>> -> memref<10000x64xf32, #tpu.memory_space<hbm>>
    %dma_wait3A_112 = arith.constant 0 : i32
    %dma_wait3A_113 = arith.constant 0 : i32
    %dma_wait3A_114 = tpu.memref_slice %dma_wait3A_111[%dma_wait3A_112, %dma_wait3A_113] : memref<10000x64xf32, #tpu.memory_space<hbm>> -> memref<10000x64xf32, #tpu.memory_space<hbm>>
    tpu.wait_indirect_dma semaphore(%arg15 : memref<!tpu.dma_semaphore, #tpu.memory_space<semaphore_mem>>) src(%dma_wait3A_114 : memref<10000x64xf32, #tpu.memory_space<hbm>>) dst(%arg7 : memref<125x64xf32, #tpu.memory_space<vmem>>)
    %run_scoped3A = arith.constant 156 : i32
    "tpu.region"() ({
      %run_scoped3A_160 = tpu.sem_alloc : memref<!tpu.dma_semaphore, #tpu.memory_space<semaphore_mem>>
      %dma_start3A_161 = arith.constant 0 : i32
      %dma_start3A_162 = tpu.memref_slice %arg6[%run_scoped3A, %dma_start3A_161] : memref<160x125xi32, #tpu.memory_space<vmem>> -> memref<1x125xi32, #tpu.memory_space<vmem>>
      %dma_start3A_163 = tpu.memref_squeeze %dma_start3A_162 : memref<1x125xi32, #tpu.memory_space<vmem>> -> memref<125xi32, #tpu.memory_space<vmem>>
      %dma_start3A_164 = arith.constant 0 : i32
      %dma_start3A_165 = arith.constant 0 : i32
      %dma_start3A_166 = tpu.memref_slice %arg12[%dma_start3A_164, %dma_start3A_165] : memref<10000x64xf32, #tpu.memory_space<vmem_shared>> -> memref<10000x64xf32, #tpu.memory_space<vmem_shared>>
      tpu.enqueue_indirect_dma source(%arg7 : memref<125x64xf32, #tpu.memory_space<vmem>>) target(%dma_start3A_166 : memref<10000x64xf32, #tpu.memory_space<vmem_shared>>) offsets(%dma_start3A_163 : memref<125xi32, #tpu.memory_space<vmem>>) semaphore(%run_scoped3A_160 : memref<!tpu.dma_semaphore, #tpu.memory_space<semaphore_mem>>) {add = true}
      %dma_wait3A_167 = arith.constant 0 : i32
      %dma_wait3A_168 = tpu.memref_slice %arg6[%run_scoped3A, %dma_wait3A_167] : memref<160x125xi32, #tpu.memory_space<vmem>> -> memref<1x125xi32, #tpu.memory_space<vmem>>
      %dma_wait3A_169 = tpu.memref_squeeze %dma_wait3A_168 : memref<1x125xi32, #tpu.memory_space<vmem>> -> memref<125xi32, #tpu.memory_space<vmem>>
      %dma_wait3A_170 = arith.constant 0 : i32
      %dma_wait3A_171 = arith.constant 0 : i32
      %dma_wait3A_172 = tpu.memref_slice %arg12[%dma_wait3A_170, %dma_wait3A_171] : memref<10000x64xf32, #tpu.memory_space<vmem_shared>> -> memref<10000x64xf32, #tpu.memory_space<vmem_shared>>
      tpu.wait_indirect_dma semaphore(%run_scoped3A_160 : memref<!tpu.dma_semaphore, #tpu.memory_space<semaphore_mem>>) src(%arg7 : memref<125x64xf32, #tpu.memory_space<vmem>>) dst(%dma_wait3A_172 : memref<10000x64xf32, #tpu.memory_space<vmem_shared>>)
      tpu.yield
    }) : () -> ()
    %dma_wait3A_115 = arith.constant 157 : i32
    %dma_wait3A_116 = arith.constant 0 : i32
    %dma_wait3A_117 = tpu.memref_slice %arg5[%dma_wait3A_115, %dma_wait3A_116] : memref<160x125xi32, #tpu.memory_space<vmem>> -> memref<1x125xi32, #tpu.memory_space<vmem>>
    %dma_wait3A_118 = tpu.memref_squeeze %dma_wait3A_117 : memref<1x125xi32, #tpu.memory_space<vmem>> -> memref<125xi32, #tpu.memory_space<vmem>>
    %dma_wait3A_119 = arith.constant 0 : i32
    %dma_wait3A_120 = arith.constant 0 : i32
    %dma_wait3A_121 = tpu.memref_slice %arg2[%arg0, %dma_wait3A_119, %dma_wait3A_120] : memref<2x10000x64xf32, #tpu.memory_space<hbm>> -> memref<1x10000x64xf32, #tpu.memory_space<hbm>>
    %dma_wait3A_122 = tpu.memref_squeeze %dma_wait3A_121 : memref<1x10000x64xf32, #tpu.memory_space<hbm>> -> memref<10000x64xf32, #tpu.memory_space<hbm>>
    %dma_wait3A_123 = arith.constant 0 : i32
    %dma_wait3A_124 = arith.constant 0 : i32
    %dma_wait3A_125 = tpu.memref_slice %dma_wait3A_122[%dma_wait3A_123, %dma_wait3A_124] : memref<10000x64xf32, #tpu.memory_space<hbm>> -> memref<10000x64xf32, #tpu.memory_space<hbm>>
    tpu.wait_indirect_dma semaphore(%arg16 : memref<!tpu.dma_semaphore, #tpu.memory_space<semaphore_mem>>) src(%dma_wait3A_125 : memref<10000x64xf32, #tpu.memory_space<hbm>>) dst(%arg8 : memref<125x64xf32, #tpu.memory_space<vmem>>)
    %run_scoped3A_126 = arith.constant 157 : i32
    "tpu.region"() ({
      %run_scoped3A_160 = tpu.sem_alloc : memref<!tpu.dma_semaphore, #tpu.memory_space<semaphore_mem>>
      %dma_start3A_161 = arith.constant 0 : i32
      %dma_start3A_162 = tpu.memref_slice %arg6[%run_scoped3A_126, %dma_start3A_161] : memref<160x125xi32, #tpu.memory_space<vmem>> -> memref<1x125xi32, #tpu.memory_space<vmem>>
      %dma_start3A_163 = tpu.memref_squeeze %dma_start3A_162 : memref<1x125xi32, #tpu.memory_space<vmem>> -> memref<125xi32, #tpu.memory_space<vmem>>
      %dma_start3A_164 = arith.constant 0 : i32
      %dma_start3A_165 = arith.constant 0 : i32
      %dma_start3A_166 = tpu.memref_slice %arg12[%dma_start3A_164, %dma_start3A_165] : memref<10000x64xf32, #tpu.memory_space<vmem_shared>> -> memref<10000x64xf32, #tpu.memory_space<vmem_shared>>
      tpu.enqueue_indirect_dma source(%arg8 : memref<125x64xf32, #tpu.memory_space<vmem>>) target(%dma_start3A_166 : memref<10000x64xf32, #tpu.memory_space<vmem_shared>>) offsets(%dma_start3A_163 : memref<125xi32, #tpu.memory_space<vmem>>) semaphore(%run_scoped3A_160 : memref<!tpu.dma_semaphore, #tpu.memory_space<semaphore_mem>>) {add = true}
      %dma_wait3A_167 = arith.constant 0 : i32
      %dma_wait3A_168 = tpu.memref_slice %arg6[%run_scoped3A_126, %dma_wait3A_167] : memref<160x125xi32, #tpu.memory_space<vmem>> -> memref<1x125xi32, #tpu.memory_space<vmem>>
      %dma_wait3A_169 = tpu.memref_squeeze %dma_wait3A_168 : memref<1x125xi32, #tpu.memory_space<vmem>> -> memref<125xi32, #tpu.memory_space<vmem>>
      %dma_wait3A_170 = arith.constant 0 : i32
      %dma_wait3A_171 = arith.constant 0 : i32
      %dma_wait3A_172 = tpu.memref_slice %arg12[%dma_wait3A_170, %dma_wait3A_171] : memref<10000x64xf32, #tpu.memory_space<vmem_shared>> -> memref<10000x64xf32, #tpu.memory_space<vmem_shared>>
      tpu.wait_indirect_dma semaphore(%run_scoped3A_160 : memref<!tpu.dma_semaphore, #tpu.memory_space<semaphore_mem>>) src(%arg8 : memref<125x64xf32, #tpu.memory_space<vmem>>) dst(%dma_wait3A_172 : memref<10000x64xf32, #tpu.memory_space<vmem_shared>>)
      tpu.yield
    }) : () -> ()
    %dma_wait3A_127 = arith.constant 158 : i32
    %dma_wait3A_128 = arith.constant 0 : i32
    %dma_wait3A_129 = tpu.memref_slice %arg5[%dma_wait3A_127, %dma_wait3A_128] : memref<160x125xi32, #tpu.memory_space<vmem>> -> memref<1x125xi32, #tpu.memory_space<vmem>>
    %dma_wait3A_130 = tpu.memref_squeeze %dma_wait3A_129 : memref<1x125xi32, #tpu.memory_space<vmem>> -> memref<125xi32, #tpu.memory_space<vmem>>
    %dma_wait3A_131 = arith.constant 0 : i32
    %dma_wait3A_132 = arith.constant 0 : i32
    %dma_wait3A_133 = tpu.memref_slice %arg2[%arg0, %dma_wait3A_131, %dma_wait3A_132] : memref<2x10000x64xf32, #tpu.memory_space<hbm>> -> memref<1x10000x64xf32, #tpu.memory_space<hbm>>
    %dma_wait3A_134 = tpu.memref_squeeze %dma_wait3A_133 : memref<1x10000x64xf32, #tpu.memory_space<hbm>> -> memref<10000x64xf32, #tpu.memory_space<hbm>>
    %dma_wait3A_135 = arith.constant 0 : i32
    %dma_wait3A_136 = arith.constant 0 : i32
    %dma_wait3A_137 = tpu.memref_slice %dma_wait3A_134[%dma_wait3A_135, %dma_wait3A_136] : memref<10000x64xf32, #tpu.memory_space<hbm>> -> memref<10000x64xf32, #tpu.memory_space<hbm>>
    tpu.wait_indirect_dma semaphore(%arg17 : memref<!tpu.dma_semaphore, #tpu.memory_space<semaphore_mem>>) src(%dma_wait3A_137 : memref<10000x64xf32, #tpu.memory_space<hbm>>) dst(%arg9 : memref<125x64xf32, #tpu.memory_space<vmem>>)
    %run_scoped3A_138 = arith.constant 158 : i32
    "tpu.region"() ({
      %run_scoped3A_160 = tpu.sem_alloc : memref<!tpu.dma_semaphore, #tpu.memory_space<semaphore_mem>>
      %dma_start3A_161 = arith.constant 0 : i32
      %dma_start3A_162 = tpu.memref_slice %arg6[%run_scoped3A_138, %dma_start3A_161] : memref<160x125xi32, #tpu.memory_space<vmem>> -> memref<1x125xi32, #tpu.memory_space<vmem>>
      %dma_start3A_163 = tpu.memref_squeeze %dma_start3A_162 : memref<1x125xi32, #tpu.memory_space<vmem>> -> memref<125xi32, #tpu.memory_space<vmem>>
      %dma_start3A_164 = arith.constant 0 : i32
      %dma_start3A_165 = arith.constant 0 : i32
      %dma_start3A_166 = tpu.memref_slice %arg12[%dma_start3A_164, %dma_start3A_165] : memref<10000x64xf32, #tpu.memory_space<vmem_shared>> -> memref<10000x64xf32, #tpu.memory_space<vmem_shared>>
      tpu.enqueue_indirect_dma source(%arg9 : memref<125x64xf32, #tpu.memory_space<vmem>>) target(%dma_start3A_166 : memref<10000x64xf32, #tpu.memory_space<vmem_shared>>) offsets(%dma_start3A_163 : memref<125xi32, #tpu.memory_space<vmem>>) semaphore(%run_scoped3A_160 : memref<!tpu.dma_semaphore, #tpu.memory_space<semaphore_mem>>) {add = true}
      %dma_wait3A_167 = arith.constant 0 : i32
      %dma_wait3A_168 = tpu.memref_slice %arg6[%run_scoped3A_138, %dma_wait3A_167] : memref<160x125xi32, #tpu.memory_space<vmem>> -> memref<1x125xi32, #tpu.memory_space<vmem>>
      %dma_wait3A_169 = tpu.memref_squeeze %dma_wait3A_168 : memref<1x125xi32, #tpu.memory_space<vmem>> -> memref<125xi32, #tpu.memory_space<vmem>>
      %dma_wait3A_170 = arith.constant 0 : i32
      %dma_wait3A_171 = arith.constant 0 : i32
      %dma_wait3A_172 = tpu.memref_slice %arg12[%dma_wait3A_170, %dma_wait3A_171] : memref<10000x64xf32, #tpu.memory_space<vmem_shared>> -> memref<10000x64xf32, #tpu.memory_space<vmem_shared>>
      tpu.wait_indirect_dma semaphore(%run_scoped3A_160 : memref<!tpu.dma_semaphore, #tpu.memory_space<semaphore_mem>>) src(%arg9 : memref<125x64xf32, #tpu.memory_space<vmem>>) dst(%dma_wait3A_172 : memref<10000x64xf32, #tpu.memory_space<vmem_shared>>)
      tpu.yield
    }) : () -> ()
    %dma_wait3A_139 = arith.constant 159 : i32
    %dma_wait3A_140 = arith.constant 0 : i32
    %dma_wait3A_141 = tpu.memref_slice %arg5[%dma_wait3A_139, %dma_wait3A_140] : memref<160x125xi32, #tpu.memory_space<vmem>> -> memref<1x125xi32, #tpu.memory_space<vmem>>
    %dma_wait3A_142 = tpu.memref_squeeze %dma_wait3A_141 : memref<1x125xi32, #tpu.memory_space<vmem>> -> memref<125xi32, #tpu.memory_space<vmem>>
    %dma_wait3A_143 = arith.constant 0 : i32
    %dma_wait3A_144 = arith.constant 0 : i32
    %dma_wait3A_145 = tpu.memref_slice %arg2[%arg0, %dma_wait3A_143, %dma_wait3A_144] : memref<2x10000x64xf32, #tpu.memory_space<hbm>> -> memref<1x10000x64xf32, #tpu.memory_space<hbm>>
    %dma_wait3A_146 = tpu.memref_squeeze %dma_wait3A_145 : memref<1x10000x64xf32, #tpu.memory_space<hbm>> -> memref<10000x64xf32, #tpu.memory_space<hbm>>
    %dma_wait3A_147 = arith.constant 0 : i32
    %dma_wait3A_148 = arith.constant 0 : i32
    %dma_wait3A_149 = tpu.memref_slice %dma_wait3A_146[%dma_wait3A_147, %dma_wait3A_148] : memref<10000x64xf32, #tpu.memory_space<hbm>> -> memref<10000x64xf32, #tpu.memory_space<hbm>>
    tpu.wait_indirect_dma semaphore(%arg18 : memref<!tpu.dma_semaphore, #tpu.memory_space<semaphore_mem>>) src(%dma_wait3A_149 : memref<10000x64xf32, #tpu.memory_space<hbm>>) dst(%arg10 : memref<125x64xf32, #tpu.memory_space<vmem>>)
    %run_scoped3A_150 = arith.constant 159 : i32
    "tpu.region"() ({
      %run_scoped3A_160 = tpu.sem_alloc : memref<!tpu.dma_semaphore, #tpu.memory_space<semaphore_mem>>
      %dma_start3A_161 = arith.constant 0 : i32
      %dma_start3A_162 = tpu.memref_slice %arg6[%run_scoped3A_150, %dma_start3A_161] : memref<160x125xi32, #tpu.memory_space<vmem>> -> memref<1x125xi32, #tpu.memory_space<vmem>>
      %dma_start3A_163 = tpu.memref_squeeze %dma_start3A_162 : memref<1x125xi32, #tpu.memory_space<vmem>> -> memref<125xi32, #tpu.memory_space<vmem>>
      %dma_start3A_164 = arith.constant 0 : i32
      %dma_start3A_165 = arith.constant 0 : i32
      %dma_start3A_166 = tpu.memref_slice %arg12[%dma_start3A_164, %dma_start3A_165] : memref<10000x64xf32, #tpu.memory_space<vmem_shared>> -> memref<10000x64xf32, #tpu.memory_space<vmem_shared>>
      tpu.enqueue_indirect_dma source(%arg10 : memref<125x64xf32, #tpu.memory_space<vmem>>) target(%dma_start3A_166 : memref<10000x64xf32, #tpu.memory_space<vmem_shared>>) offsets(%dma_start3A_163 : memref<125xi32, #tpu.memory_space<vmem>>) semaphore(%run_scoped3A_160 : memref<!tpu.dma_semaphore, #tpu.memory_space<semaphore_mem>>) {add = true}
      %dma_wait3A_167 = arith.constant 0 : i32
      %dma_wait3A_168 = tpu.memref_slice %arg6[%run_scoped3A_150, %dma_wait3A_167] : memref<160x125xi32, #tpu.memory_space<vmem>> -> memref<1x125xi32, #tpu.memory_space<vmem>>
      %dma_wait3A_169 = tpu.memref_squeeze %dma_wait3A_168 : memref<1x125xi32, #tpu.memory_space<vmem>> -> memref<125xi32, #tpu.memory_space<vmem>>
      %dma_wait3A_170 = arith.constant 0 : i32
      %dma_wait3A_171 = arith.constant 0 : i32
      %dma_wait3A_172 = tpu.memref_slice %arg12[%dma_wait3A_170, %dma_wait3A_171] : memref<10000x64xf32, #tpu.memory_space<vmem_shared>> -> memref<10000x64xf32, #tpu.memory_space<vmem_shared>>
      tpu.wait_indirect_dma semaphore(%run_scoped3A_160 : memref<!tpu.dma_semaphore, #tpu.memory_space<semaphore_mem>>) src(%arg10 : memref<125x64xf32, #tpu.memory_space<vmem>>) dst(%dma_wait3A_172 : memref<10000x64xf32, #tpu.memory_space<vmem_shared>>)
      tpu.yield
    }) : () -> ()
    %barrier3A_151 = arith.constant 0 : index
    tpu.barrier barrier_id(%barrier3A_151)
    %mul3A = arith.constant 624 : i32
    %mul3A_152 = arith.muli %arg1, %mul3A : i32
    %mul3A_153 = arith.constant 624 : i32
    %mul3A_154 = arith.muli %arg1, %mul3A_153 : i32
    "tpu.region"() ({
      %run_scoped3A_160 = tpu.sem_alloc : memref<!tpu.dma_semaphore, #tpu.memory_space<semaphore_mem>>
      %dma_start3A_161 = arith.constant 0 : i32
      %dma_start3A_162 = tpu.memref_slice %arg4[%arg0, %mul3A_154, %dma_start3A_161] : memref<2x10000x64xf32, #tpu.memory_space<hbm>> -> memref<1x624x64xf32, #tpu.memory_space<hbm>>
      %dma_start3A_163 = tpu.memref_squeeze %dma_start3A_162 : memref<1x624x64xf32, #tpu.memory_space<hbm>> -> memref<624x64xf32, #tpu.memory_space<hbm>>
      %dma_start3A_164 = arith.constant 0 : i32
      %dma_start3A_165 = tpu.memref_slice %arg12[%mul3A_152, %dma_start3A_164] : memref<10000x64xf32, #tpu.memory_space<vmem_shared>> -> memref<624x64xf32, #tpu.memory_space<vmem_shared>>
      tpu.enqueue_dma source(%dma_start3A_165 : memref<624x64xf32, #tpu.memory_space<vmem_shared>>) target(%dma_start3A_163 : memref<624x64xf32, #tpu.memory_space<hbm>>) target_semaphore(%run_scoped3A_160 : memref<!tpu.dma_semaphore, #tpu.memory_space<semaphore_mem>>)
      %dma_wait3A_166 = arith.constant 0 : i32
      %dma_wait3A_167 = tpu.memref_slice %arg4[%arg0, %mul3A_154, %dma_wait3A_166] : memref<2x10000x64xf32, #tpu.memory_space<hbm>> -> memref<1x624x64xf32, #tpu.memory_space<hbm>>
      %dma_wait3A_168 = tpu.memref_squeeze %dma_wait3A_167 : memref<1x624x64xf32, #tpu.memory_space<hbm>> -> memref<624x64xf32, #tpu.memory_space<hbm>>
      %dma_wait3A_169 = arith.constant 0 : i32
      %dma_wait3A_170 = tpu.memref_slice %arg12[%mul3A_152, %dma_wait3A_169] : memref<10000x64xf32, #tpu.memory_space<vmem_shared>> -> memref<624x64xf32, #tpu.memory_space<vmem_shared>>
      tpu.wait_dma2 semaphore(%run_scoped3A_160 : memref<!tpu.dma_semaphore, #tpu.memory_space<semaphore_mem>>) src(%dma_wait3A_170 : memref<624x64xf32, #tpu.memory_space<vmem_shared>>) dst(%dma_wait3A_168 : memref<624x64xf32, #tpu.memory_space<hbm>>)
      tpu.yield
    }) : () -> ()
    %eq3A_155 = arith.constant 15 : i32
    %eq3A_156 = arith.cmpi eq, %arg1, %eq3A_155 : i32
    %convert_element_type3A_157 = arith.extui %eq3A_156 : i1 to i32
    %cond3A_158 = arith.constant 0 : i32
    %cond3A_159 = arith.cmpi ne, %convert_element_type3A_157, %cond3A_158 : i32
    scf.if %cond3A_159 {
      "tpu.region"() ({
        %run_scoped3A_160 = tpu.sem_alloc : memref<!tpu.dma_semaphore, #tpu.memory_space<semaphore_mem>>
        %dma_start3A_161 = arith.constant 9984 : i32
        %dma_start3A_162 = arith.constant 0 : i32
        %dma_start3A_163 = tpu.memref_slice %arg4[%arg0, %dma_start3A_161, %dma_start3A_162] : memref<2x10000x64xf32, #tpu.memory_space<hbm>> -> memref<1x16x64xf32, #tpu.memory_space<hbm>>
        %dma_start3A_164 = tpu.memref_squeeze %dma_start3A_163 : memref<1x16x64xf32, #tpu.memory_space<hbm>> -> memref<16x64xf32, #tpu.memory_space<hbm>>
        %dma_start3A_165 = arith.constant 9984 : i32
        %dma_start3A_166 = arith.constant 0 : i32
        %dma_start3A_167 = tpu.memref_slice %arg12[%dma_start3A_165, %dma_start3A_166] : memref<10000x64xf32, #tpu.memory_space<vmem_shared>> -> memref<16x64xf32, #tpu.memory_space<vmem_shared>>
        tpu.enqueue_dma source(%dma_start3A_167 : memref<16x64xf32, #tpu.memory_space<vmem_shared>>) target(%dma_start3A_164 : memref<16x64xf32, #tpu.memory_space<hbm>>) target_semaphore(%run_scoped3A_160 : memref<!tpu.dma_semaphore, #tpu.memory_space<semaphore_mem>>)
        %dma_wait3A_168 = arith.constant 9984 : i32
        %dma_wait3A_169 = arith.constant 0 : i32
        %dma_wait3A_170 = tpu.memref_slice %arg4[%arg0, %dma_wait3A_168, %dma_wait3A_169] : memref<2x10000x64xf32, #tpu.memory_space<hbm>> -> memref<1x16x64xf32, #tpu.memory_space<hbm>>
        %dma_wait3A_171 = tpu.memref_squeeze %dma_wait3A_170 : memref<1x16x64xf32, #tpu.memory_space<hbm>> -> memref<16x64xf32, #tpu.memory_space<hbm>>
        %dma_wait3A_172 = arith.constant 9984 : i32
        %dma_wait3A_173 = arith.constant 0 : i32
        %dma_wait3A_174 = tpu.memref_slice %arg12[%dma_wait3A_172, %dma_wait3A_173] : memref<10000x64xf32, #tpu.memory_space<vmem_shared>> -> memref<16x64xf32, #tpu.memory_space<vmem_shared>>
        tpu.wait_dma2 semaphore(%run_scoped3A_160 : memref<!tpu.dma_semaphore, #tpu.memory_space<semaphore_mem>>) src(%dma_wait3A_174 : memref<16x64xf32, #tpu.memory_space<vmem_shared>>) dst(%dma_wait3A_171 : memref<16x64xf32, #tpu.memory_space<hbm>>)
        tpu.yield
      }) : () -> ()
    } else {
    }
    return
  }
}

#map = affine_map<(d0, d1) -> (0, 0, 0, 0)>
#map1 = affine_map<(d0, d1) -> (0, 0, 0)>
module attributes {stable_mosaic.version = 14 : i64} {
  func.func @deg_kernel(%arg0: i32, %arg1: i32, %arg2: memref<2x16x160x125xi32, #tpu.memory_space<hbm>>, %arg3: memref<2x10000x64xf32, #tpu.memory_space<hbm>>, %arg4: memref<80x125xi32, #tpu.memory_space<vmem>>, %arg5: memref<125x16xf32, #tpu.memory_space<vmem>>, %arg6: memref<48x16xf32, #tpu.memory_space<vmem>>, %arg7: memref<640x16xf32, #tpu.memory_space<vmem>>, %arg8: memref<640x64xf32, #tpu.memory_space<vmem>>, %arg9: memref<10000x16xf32, #tpu.memory_space<vmem_shared>>, %arg10: memref<!tpu.dma_semaphore, #tpu.memory_space<semaphore_mem>>, %arg11: memref<!tpu.dma_semaphore, #tpu.memory_space<semaphore_mem>>, %arg12: memref<!tpu.dma_semaphore, #tpu.memory_space<semaphore_mem>>) attributes {dimension_semantics = [#tpu.dimension_semantics<core_parallel>, #tpu.dimension_semantics<subcore_parallel>], iteration_bounds = array<i64: 2, 16>, scalar_prefetch = 0 : i64, scratch_operands = 9 : i64, tpu.core_type = #tpu.core_type<sc_vector_subcore>, window_params = [{transform_indices = #map}, {transform_indices = #map1}]} {
    %mul3A = arith.constant 80 : i32
    %mul3A_0 = arith.muli %arg0, %mul3A : i32
    %dma_start3A = arith.constant 1 : i32
    %dma_start3A_1 = arith.constant 0 : i32
    %dma_start3A_2 = tpu.memref_slice %arg2[%dma_start3A, %arg1, %mul3A_0, %dma_start3A_1] : memref<2x16x160x125xi32, #tpu.memory_space<hbm>> -> memref<1x1x80x125xi32, #tpu.memory_space<hbm>>
    %dma_start3A_3 = tpu.memref_squeeze %dma_start3A_2 : memref<1x1x80x125xi32, #tpu.memory_space<hbm>> -> memref<80x125xi32, #tpu.memory_space<hbm>>
    %dma_start3A_4 = arith.constant 0 : i32
    %dma_start3A_5 = tpu.memref_slice %arg2[%dma_start3A, %arg1, %mul3A_0, %dma_start3A_4] : memref<2x16x160x125xi32, #tpu.memory_space<hbm>> -> memref<1x1x80x125xi32, #tpu.memory_space<hbm>>
    %dma_start3A_6 = tpu.memref_squeeze %dma_start3A_5 : memref<1x1x80x125xi32, #tpu.memory_space<hbm>> -> memref<80x125xi32, #tpu.memory_space<hbm>>
    tpu.enqueue_dma source(%dma_start3A_6 : memref<80x125xi32, #tpu.memory_space<hbm>>) target(%arg4 : memref<80x125xi32, #tpu.memory_space<vmem>>) target_semaphore(%arg11 : memref<!tpu.dma_semaphore, #tpu.memory_space<semaphore_mem>>)
    %scan3A = arith.constant 0 : i32
    %scan3A_7 = arith.constant 48 : i32
    %scan3A_8 = arith.addi %scan3A, %scan3A_7 : i32
    %scan3A_9 = arith.constant 1 : i32
    scf.for %scan3A_64 = %scan3A to %scan3A_8 step %scan3A_9  : i32 {
      %mul3A_65 = arith.constant 1 : i32
      %mul3A_66 = arith.muli %scan3A_64, %mul3A_65 : i32
      %add3A = arith.constant 0 : i32
      %add3A_67 = arith.addi %add3A, %mul3A_66 : i32
      %scan3A_68 = arith.constant 0 : i32
      %mul3A_69 = arith.constant 16 : i32
      %mul3A_70 = arith.muli %scan3A_68, %mul3A_69 : i32
      %add3A_71 = arith.constant 0 : i32
      %add3A_72 = arith.addi %add3A_71, %mul3A_70 : i32
      %broadcast_in_dim3A = arith.constant 0.000000e+00 : f32
      %broadcast_in_dim3A_73 = vector.broadcast %broadcast_in_dim3A : f32 to vector<16xf32>
      %swap3A = arith.index_cast %add3A_67 : i32 to index
      %swap3A_74 = arith.index_cast %add3A_72 : i32 to index
      %swap3A_75 = tpu.vector_load %arg6[%swap3A, %swap3A_74] {strides = array<i32>} : memref<48x16xf32, #tpu.memory_space<vmem>>, vector<1x16xf32>,
      %swap3A_76 = vector.shape_cast %swap3A_75 : vector<1x16xf32> to vector<16xf32>
      %swap3A_77 = vector.shape_cast %broadcast_in_dim3A_73 : vector<16xf32> to vector<1x16xf32>
      tpu.vector_store %arg6[%swap3A, %swap3A_74], %swap3A_77 {strides = array<i32>} : memref<48x16xf32, #tpu.memory_space<vmem>>, vector<1x16xf32>,
      %scan3A_78 = arith.constant 1 : i32
    }
    %scan3A_10 = arith.constant 48 : i32
    %scan3A_11 = arith.constant 0 : i32
    %scan3A_12 = arith.constant 125 : i32
    %scan3A_13 = arith.addi %scan3A_11, %scan3A_12 : i32
    %scan3A_14 = arith.constant 1 : i32
    scf.for %scan3A_64 = %scan3A_11 to %scan3A_13 step %scan3A_14  : i32 {
      %mul3A_65 = arith.constant 1 : i32
      %mul3A_66 = arith.muli %scan3A_64, %mul3A_65 : i32
      %add3A = arith.constant 0 : i32
      %add3A_67 = arith.addi %add3A, %mul3A_66 : i32
      %broadcast_in_dim3A = arith.constant 1.000000e+00 : f32
      %broadcast_in_dim3A_68 = vector.broadcast %broadcast_in_dim3A : f32 to vector<16xf32>
      %swap3A = arith.index_cast %add3A_67 : i32 to index
      %swap3A_69 = arith.constant 0 : index
      %swap3A_70 = tpu.vector_load %arg5[%swap3A, %swap3A_69] {strides = array<i32>} : memref<125x16xf32, #tpu.memory_space<vmem>>, vector<1x16xf32>,
      %swap3A_71 = vector.shape_cast %swap3A_70 : vector<1x16xf32> to vector<16xf32>
      %swap3A_72 = vector.shape_cast %broadcast_in_dim3A_68 : vector<16xf32> to vector<1x16xf32>
      tpu.vector_store %arg5[%swap3A, %swap3A_69], %swap3A_72 {strides = array<i32>} : memref<125x16xf32, #tpu.memory_space<vmem>>, vector<1x16xf32>,
    }
    %scan3A_15 = arith.constant 125 : i32
    %scan3A_16 = arith.constant 0 : i32
    %scan3A_17 = arith.constant 13 : i32
    %scan3A_18 = arith.addi %scan3A_16, %scan3A_17 : i32
    %scan3A_19 = arith.constant 1 : i32
    scf.for %scan3A_64 = %scan3A_16 to %scan3A_18 step %scan3A_19  : i32 {
      %mul3A_65 = arith.constant 1 : i32
      %mul3A_66 = arith.muli %scan3A_64, %mul3A_65 : i32
      %add3A = arith.constant 0 : i32
      %add3A_67 = arith.addi %add3A, %mul3A_66 : i32
      %mul3A_68 = arith.constant 624 : i32
      %mul3A_69 = arith.muli %arg1, %mul3A_68 : i32
      %mul3A_70 = arith.constant 48 : i32
      %mul3A_71 = arith.muli %add3A_67, %mul3A_70 : i32
      %add3A_72 = arith.addi %mul3A_69, %mul3A_71 : i32
      %dma_start3A_73 = arith.constant 0 : i32
      %dma_start3A_74 = tpu.memref_slice %arg9[%add3A_72, %dma_start3A_73] : memref<10000x16xf32, #tpu.memory_space<vmem_shared>> -> memref<48x16xf32, #tpu.memory_space<vmem_shared>>
      %dma_start3A_75 = arith.constant 0 : i32
      %dma_start3A_76 = tpu.memref_slice %arg9[%add3A_72, %dma_start3A_75] : memref<10000x16xf32, #tpu.memory_space<vmem_shared>> -> memref<48x16xf32, #tpu.memory_space<vmem_shared>>
      tpu.enqueue_dma source(%arg6 : memref<48x16xf32, #tpu.memory_space<vmem>>) target(%dma_start3A_76 : memref<48x16xf32, #tpu.memory_space<vmem_shared>>) target_semaphore(%arg10 : memref<!tpu.dma_semaphore, #tpu.memory_space<semaphore_mem>>)
    }
    %scan3A_20 = arith.constant 13 : i32
    %eq3A = arith.constant 15 : i32
    %eq3A_21 = arith.cmpi eq, %arg1, %eq3A : i32
    %convert_element_type3A = arith.extui %eq3A_21 : i1 to i32
    %cond3A = arith.constant 0 : i32
    %cond3A_22 = arith.cmpi ne, %convert_element_type3A, %cond3A : i32
    scf.if %cond3A_22 {
      %dma_start3A_64 = arith.constant 0 : i32
      %dma_start3A_65 = arith.constant 0 : i32
      %dma_start3A_66 = tpu.memref_slice %arg6[%dma_start3A_64, %dma_start3A_65] : memref<48x16xf32, #tpu.memory_space<vmem>> -> memref<16x16xf32, #tpu.memory_space<vmem>>
      %dma_start3A_67 = arith.constant 9984 : i32
      %dma_start3A_68 = arith.constant 0 : i32
      %dma_start3A_69 = tpu.memref_slice %arg9[%dma_start3A_67, %dma_start3A_68] : memref<10000x16xf32, #tpu.memory_space<vmem_shared>> -> memref<16x16xf32, #tpu.memory_space<vmem_shared>>
      %dma_start3A_70 = arith.constant 9984 : i32
      %dma_start3A_71 = arith.constant 0 : i32
      %dma_start3A_72 = tpu.memref_slice %arg9[%dma_start3A_70, %dma_start3A_71] : memref<10000x16xf32, #tpu.memory_space<vmem_shared>> -> memref<16x16xf32, #tpu.memory_space<vmem_shared>>
      %dma_start3A_73 = arith.constant 0 : i32
      %dma_start3A_74 = arith.constant 0 : i32
      %dma_start3A_75 = tpu.memref_slice %arg6[%dma_start3A_73, %dma_start3A_74] : memref<48x16xf32, #tpu.memory_space<vmem>> -> memref<16x16xf32, #tpu.memory_space<vmem>>
      tpu.enqueue_dma source(%dma_start3A_75 : memref<16x16xf32, #tpu.memory_space<vmem>>) target(%dma_start3A_72 : memref<16x16xf32, #tpu.memory_space<vmem_shared>>) target_semaphore(%arg10 : memref<!tpu.dma_semaphore, #tpu.memory_space<semaphore_mem>>)
    } else {
    }
    %scan3A_23 = arith.constant 0 : i32
    %scan3A_24 = arith.constant 13 : i32
    %scan3A_25 = arith.addi %scan3A_23, %scan3A_24 : i32
    %scan3A_26 = arith.constant 1 : i32
    scf.for %scan3A_64 = %scan3A_23 to %scan3A_25 step %scan3A_26  : i32 {
      %mul3A_65 = arith.constant 1 : i32
      %mul3A_66 = arith.muli %scan3A_64, %mul3A_65 : i32
      %add3A = arith.constant 0 : i32
      %add3A_67 = arith.addi %add3A, %mul3A_66 : i32
      %mul3A_68 = arith.constant 624 : i32
      %mul3A_69 = arith.muli %arg1, %mul3A_68 : i32
      %mul3A_70 = arith.constant 48 : i32
      %mul3A_71 = arith.muli %add3A_67, %mul3A_70 : i32
      %add3A_72 = arith.addi %mul3A_69, %mul3A_71 : i32
      %dma_wait3A_73 = arith.constant 0 : i32
      %dma_wait3A_74 = tpu.memref_slice %arg9[%add3A_72, %dma_wait3A_73] : memref<10000x16xf32, #tpu.memory_space<vmem_shared>> -> memref<48x16xf32, #tpu.memory_space<vmem_shared>>
      %dma_wait3A_75 = arith.constant 0 : i32
      %dma_wait3A_76 = tpu.memref_slice %arg9[%add3A_72, %dma_wait3A_75] : memref<10000x16xf32, #tpu.memory_space<vmem_shared>> -> memref<48x16xf32, #tpu.memory_space<vmem_shared>>
      tpu.wait_dma2 semaphore(%arg10 : memref<!tpu.dma_semaphore, #tpu.memory_space<semaphore_mem>>) src(%arg6 : memref<48x16xf32, #tpu.memory_space<vmem>>) dst(%dma_wait3A_76 : memref<48x16xf32, #tpu.memory_space<vmem_shared>>)
    }
    %scan3A_27 = arith.constant 13 : i32
    %eq3A_28 = arith.constant 15 : i32
    %eq3A_29 = arith.cmpi eq, %arg1, %eq3A_28 : i32
    %convert_element_type3A_30 = arith.extui %eq3A_29 : i1 to i32
    %cond3A_31 = arith.constant 0 : i32
    %cond3A_32 = arith.cmpi ne, %convert_element_type3A_30, %cond3A_31 : i32
    scf.if %cond3A_32 {
      %dma_wait3A_64 = arith.constant 0 : i32
      %dma_wait3A_65 = arith.constant 0 : i32
      %dma_wait3A_66 = tpu.memref_slice %arg6[%dma_wait3A_64, %dma_wait3A_65] : memref<48x16xf32, #tpu.memory_space<vmem>> -> memref<16x16xf32, #tpu.memory_space<vmem>>
      %dma_wait3A_67 = arith.constant 9984 : i32
      %dma_wait3A_68 = arith.constant 0 : i32
      %dma_wait3A_69 = tpu.memref_slice %arg9[%dma_wait3A_67, %dma_wait3A_68] : memref<10000x16xf32, #tpu.memory_space<vmem_shared>> -> memref<16x16xf32, #tpu.memory_space<vmem_shared>>
      %dma_wait3A_70 = arith.constant 9984 : i32
      %dma_wait3A_71 = arith.constant 0 : i32
      %dma_wait3A_72 = tpu.memref_slice %arg9[%dma_wait3A_70, %dma_wait3A_71] : memref<10000x16xf32, #tpu.memory_space<vmem_shared>> -> memref<16x16xf32, #tpu.memory_space<vmem_shared>>
      %dma_wait3A_73 = arith.constant 0 : i32
      %dma_wait3A_74 = arith.constant 0 : i32
      %dma_wait3A_75 = tpu.memref_slice %arg6[%dma_wait3A_73, %dma_wait3A_74] : memref<48x16xf32, #tpu.memory_space<vmem>> -> memref<16x16xf32, #tpu.memory_space<vmem>>
      tpu.wait_dma2 semaphore(%arg10 : memref<!tpu.dma_semaphore, #tpu.memory_space<semaphore_mem>>) src(%dma_wait3A_75 : memref<16x16xf32, #tpu.memory_space<vmem>>) dst(%dma_wait3A_72 : memref<16x16xf32, #tpu.memory_space<vmem_shared>>)
    } else {
    }
    %barrier3A = arith.constant 0 : index
    tpu.barrier barrier_id(%barrier3A)
    %dma_wait3A = arith.constant 1 : i32
    %dma_wait3A_33 = arith.constant 0 : i32
    %dma_wait3A_34 = tpu.memref_slice %arg2[%dma_wait3A, %arg1, %mul3A_0, %dma_wait3A_33] : memref<2x16x160x125xi32, #tpu.memory_space<hbm>> -> memref<1x1x80x125xi32, #tpu.memory_space<hbm>>
    %dma_wait3A_35 = tpu.memref_squeeze %dma_wait3A_34 : memref<1x1x80x125xi32, #tpu.memory_space<hbm>> -> memref<80x125xi32, #tpu.memory_space<hbm>>
    %dma_wait3A_36 = arith.constant 0 : i32
    %dma_wait3A_37 = tpu.memref_slice %arg2[%dma_wait3A, %arg1, %mul3A_0, %dma_wait3A_36] : memref<2x16x160x125xi32, #tpu.memory_space<hbm>> -> memref<1x1x80x125xi32, #tpu.memory_space<hbm>>
    %dma_wait3A_38 = tpu.memref_squeeze %dma_wait3A_37 : memref<1x1x80x125xi32, #tpu.memory_space<hbm>> -> memref<80x125xi32, #tpu.memory_space<hbm>>
    tpu.wait_dma2 semaphore(%arg11 : memref<!tpu.dma_semaphore, #tpu.memory_space<semaphore_mem>>) src(%dma_wait3A_38 : memref<80x125xi32, #tpu.memory_space<hbm>>) dst(%arg4 : memref<80x125xi32, #tpu.memory_space<vmem>>)
    %scan3A_39 = arith.constant 0 : i32
    %scan3A_40 = arith.constant 5 : i32
    %scan3A_41 = arith.addi %scan3A_39, %scan3A_40 : i32
    %scan3A_42 = arith.constant 1 : i32
    scf.for %scan3A_64 = %scan3A_39 to %scan3A_41 step %scan3A_42  : i32 {
      %mul3A_65 = arith.constant 1 : i32
      %mul3A_66 = arith.muli %scan3A_64, %mul3A_65 : i32
      %add3A = arith.constant 0 : i32
      %add3A_67 = arith.addi %add3A, %mul3A_66 : i32
      %scan3A_68 = arith.constant 0 : i32
      %scan3A_69 = arith.constant 16 : i32
      %scan3A_70 = arith.addi %scan3A_68, %scan3A_69 : i32
      %scan3A_71 = arith.constant 1 : i32
      scf.for %scan3A_78 = %scan3A_68 to %scan3A_70 step %scan3A_71  : i32 {
        %mul3A_79 = arith.constant 1 : i32
        %mul3A_80 = arith.muli %scan3A_78, %mul3A_79 : i32
        %add3A_81 = arith.constant 0 : i32
        %add3A_82 = arith.addi %add3A_81, %mul3A_80 : i32
        %mul3A_83 = arith.constant 16 : i32
        %mul3A_84 = arith.muli %add3A_67, %mul3A_83 : i32
        %add3A_85 = arith.addi %mul3A_84, %add3A_82 : i32
        %dma_start3A_86 = arith.constant 0 : i32
        %dma_start3A_87 = tpu.memref_slice %arg4[%add3A_85, %dma_start3A_86] : memref<80x125xi32, #tpu.memory_space<vmem>> -> memref<1x125xi32, #tpu.memory_space<vmem>>
        %dma_start3A_88 = tpu.memref_squeeze %dma_start3A_87 : memref<1x125xi32, #tpu.memory_space<vmem>> -> memref<125xi32, #tpu.memory_space<vmem>>
        %dma_start3A_89 = arith.constant 0 : i32
        %dma_start3A_90 = arith.constant 0 : i32
        %dma_start3A_91 = tpu.memref_slice %arg9[%dma_start3A_89, %dma_start3A_90] : memref<10000x16xf32, #tpu.memory_space<vmem_shared>> -> memref<10000x16xf32, #tpu.memory_space<vmem_shared>>
        tpu.enqueue_indirect_dma source(%arg5 : memref<125x16xf32, #tpu.memory_space<vmem>>) target(%dma_start3A_91 : memref<10000x16xf32, #tpu.memory_space<vmem_shared>>) offsets(%dma_start3A_88 : memref<125xi32, #tpu.memory_space<vmem>>) semaphore(%arg12 : memref<!tpu.dma_semaphore, #tpu.memory_space<semaphore_mem>>) {add = true}
      }
      %scan3A_72 = arith.constant 16 : i32
      %scan3A_73 = arith.constant 0 : i32
      %scan3A_74 = arith.constant 16 : i32
      %scan3A_75 = arith.addi %scan3A_73, %scan3A_74 : i32
      %scan3A_76 = arith.constant 1 : i32
      scf.for %scan3A_78 = %scan3A_73 to %scan3A_75 step %scan3A_76  : i32 {
        %mul3A_79 = arith.constant 1 : i32
        %mul3A_80 = arith.muli %scan3A_78, %mul3A_79 : i32
        %add3A_81 = arith.constant 0 : i32
        %add3A_82 = arith.addi %add3A_81, %mul3A_80 : i32
        %mul3A_83 = arith.constant 16 : i32
        %mul3A_84 = arith.muli %add3A_67, %mul3A_83 : i32
        %add3A_85 = arith.addi %mul3A_84, %add3A_82 : i32
        %dma_wait3A_86 = arith.constant 0 : i32
        %dma_wait3A_87 = tpu.memref_slice %arg4[%add3A_85, %dma_wait3A_86] : memref<80x125xi32, #tpu.memory_space<vmem>> -> memref<1x125xi32, #tpu.memory_space<vmem>>
        %dma_wait3A_88 = tpu.memref_squeeze %dma_wait3A_87 : memref<1x125xi32, #tpu.memory_space<vmem>> -> memref<125xi32, #tpu.memory_space<vmem>>
        %dma_wait3A_89 = arith.constant 0 : i32
        %dma_wait3A_90 = arith.constant 0 : i32
        %dma_wait3A_91 = tpu.memref_slice %arg9[%dma_wait3A_89, %dma_wait3A_90] : memref<10000x16xf32, #tpu.memory_space<vmem_shared>> -> memref<10000x16xf32, #tpu.memory_space<vmem_shared>>
        tpu.wait_indirect_dma semaphore(%arg12 : memref<!tpu.dma_semaphore, #tpu.memory_space<semaphore_mem>>) src(%arg5 : memref<125x16xf32, #tpu.memory_space<vmem>>) dst(%dma_wait3A_91 : memref<10000x16xf32, #tpu.memory_space<vmem_shared>>)
      }
      %scan3A_77 = arith.constant 16 : i32
    }
    %scan3A_43 = arith.constant 5 : i32
    %barrier3A_44 = arith.constant 0 : index
    tpu.barrier barrier_id(%barrier3A_44)
    %mul3A_45 = arith.constant 624 : i32
    %mul3A_46 = arith.muli %arg1, %mul3A_45 : i32
    "tpu.region"() ({
      %run_scoped3A = tpu.sem_alloc : memref<!tpu.dma_semaphore, #tpu.memory_space<semaphore_mem>>
      %dma_start3A_64 = arith.constant 0 : i32
      %dma_start3A_65 = arith.constant 0 : i32
      %dma_start3A_66 = tpu.memref_slice %arg7[%dma_start3A_64, %dma_start3A_65] : memref<640x16xf32, #tpu.memory_space<vmem>> -> memref<624x16xf32, #tpu.memory_space<vmem>>
      %dma_start3A_67 = arith.constant 0 : i32
      %dma_start3A_68 = tpu.memref_slice %arg9[%mul3A_46, %dma_start3A_67] : memref<10000x16xf32, #tpu.memory_space<vmem_shared>> -> memref<624x16xf32, #tpu.memory_space<vmem_shared>>
      %dma_start3A_69 = arith.constant 0 : i32
      %dma_start3A_70 = arith.constant 0 : i32
      %dma_start3A_71 = tpu.memref_slice %arg7[%dma_start3A_69, %dma_start3A_70] : memref<640x16xf32, #tpu.memory_space<vmem>> -> memref<624x16xf32, #tpu.memory_space<vmem>>
      %dma_start3A_72 = arith.constant 0 : i32
      %dma_start3A_73 = tpu.memref_slice %arg9[%mul3A_46, %dma_start3A_72] : memref<10000x16xf32, #tpu.memory_space<vmem_shared>> -> memref<624x16xf32, #tpu.memory_space<vmem_shared>>
      tpu.enqueue_dma source(%dma_start3A_73 : memref<624x16xf32, #tpu.memory_space<vmem_shared>>) target(%dma_start3A_71 : memref<624x16xf32, #tpu.memory_space<vmem>>) target_semaphore(%run_scoped3A : memref<!tpu.dma_semaphore, #tpu.memory_space<semaphore_mem>>)
      %dma_wait3A_74 = arith.constant 0 : i32
      %dma_wait3A_75 = arith.constant 0 : i32
      %dma_wait3A_76 = tpu.memref_slice %arg7[%dma_wait3A_74, %dma_wait3A_75] : memref<640x16xf32, #tpu.memory_space<vmem>> -> memref<624x16xf32, #tpu.memory_space<vmem>>
      %dma_wait3A_77 = arith.constant 0 : i32
      %dma_wait3A_78 = tpu.memref_slice %arg9[%mul3A_46, %dma_wait3A_77] : memref<10000x16xf32, #tpu.memory_space<vmem_shared>> -> memref<624x16xf32, #tpu.memory_space<vmem_shared>>
      %dma_wait3A_79 = arith.constant 0 : i32
      %dma_wait3A_80 = arith.constant 0 : i32
      %dma_wait3A_81 = tpu.memref_slice %arg7[%dma_wait3A_79, %dma_wait3A_80] : memref<640x16xf32, #tpu.memory_space<vmem>> -> memref<624x16xf32, #tpu.memory_space<vmem>>
      %dma_wait3A_82 = arith.constant 0 : i32
      %dma_wait3A_83 = tpu.memref_slice %arg9[%mul3A_46, %dma_wait3A_82] : memref<10000x16xf32, #tpu.memory_space<vmem_shared>> -> memref<624x16xf32, #tpu.memory_space<vmem_shared>>
      tpu.wait_dma2 semaphore(%run_scoped3A : memref<!tpu.dma_semaphore, #tpu.memory_space<semaphore_mem>>) src(%dma_wait3A_83 : memref<624x16xf32, #tpu.memory_space<vmem_shared>>) dst(%dma_wait3A_81 : memref<624x16xf32, #tpu.memory_space<vmem>>)
      tpu.yield
    }) : () -> ()
    %eq3A_47 = arith.constant 15 : i32
    %eq3A_48 = arith.cmpi eq, %arg1, %eq3A_47 : i32
    %convert_element_type3A_49 = arith.extui %eq3A_48 : i1 to i32
    %cond3A_50 = arith.constant 0 : i32
    %cond3A_51 = arith.cmpi ne, %convert_element_type3A_49, %cond3A_50 : i32
    scf.if %cond3A_51 {
      "tpu.region"() ({
        %run_scoped3A = tpu.sem_alloc : memref<!tpu.dma_semaphore, #tpu.memory_space<semaphore_mem>>
        %dma_start3A_64 = arith.constant 624 : i32
        %dma_start3A_65 = arith.constant 0 : i32
        %dma_start3A_66 = tpu.memref_slice %arg7[%dma_start3A_64, %dma_start3A_65] : memref<640x16xf32, #tpu.memory_space<vmem>> -> memref<16x16xf32, #tpu.memory_space<vmem>>
        %dma_start3A_67 = arith.constant 9984 : i32
        %dma_start3A_68 = arith.constant 0 : i32
        %dma_start3A_69 = tpu.memref_slice %arg9[%dma_start3A_67, %dma_start3A_68] : memref<10000x16xf32, #tpu.memory_space<vmem_shared>> -> memref<16x16xf32, #tpu.memory_space<vmem_shared>>
        %dma_start3A_70 = arith.constant 624 : i32
        %dma_start3A_71 = arith.constant 0 : i32
        %dma_start3A_72 = tpu.memref_slice %arg7[%dma_start3A_70, %dma_start3A_71] : memref<640x16xf32, #tpu.memory_space<vmem>> -> memref<16x16xf32, #tpu.memory_space<vmem>>
        %dma_start3A_73 = arith.constant 9984 : i32
        %dma_start3A_74 = arith.constant 0 : i32
        %dma_start3A_75 = tpu.memref_slice %arg9[%dma_start3A_73, %dma_start3A_74] : memref<10000x16xf32, #tpu.memory_space<vmem_shared>> -> memref<16x16xf32, #tpu.memory_space<vmem_shared>>
        tpu.enqueue_dma source(%dma_start3A_75 : memref<16x16xf32, #tpu.memory_space<vmem_shared>>) target(%dma_start3A_72 : memref<16x16xf32, #tpu.memory_space<vmem>>) target_semaphore(%run_scoped3A : memref<!tpu.dma_semaphore, #tpu.memory_space<semaphore_mem>>)
        %dma_wait3A_76 = arith.constant 624 : i32
        %dma_wait3A_77 = arith.constant 0 : i32
        %dma_wait3A_78 = tpu.memref_slice %arg7[%dma_wait3A_76, %dma_wait3A_77] : memref<640x16xf32, #tpu.memory_space<vmem>> -> memref<16x16xf32, #tpu.memory_space<vmem>>
        %dma_wait3A_79 = arith.constant 9984 : i32
        %dma_wait3A_80 = arith.constant 0 : i32
        %dma_wait3A_81 = tpu.memref_slice %arg9[%dma_wait3A_79, %dma_wait3A_80] : memref<10000x16xf32, #tpu.memory_space<vmem_shared>> -> memref<16x16xf32, #tpu.memory_space<vmem_shared>>
        %dma_wait3A_82 = arith.constant 624 : i32
        %dma_wait3A_83 = arith.constant 0 : i32
        %dma_wait3A_84 = tpu.memref_slice %arg7[%dma_wait3A_82, %dma_wait3A_83] : memref<640x16xf32, #tpu.memory_space<vmem>> -> memref<16x16xf32, #tpu.memory_space<vmem>>
        %dma_wait3A_85 = arith.constant 9984 : i32
        %dma_wait3A_86 = arith.constant 0 : i32
        %dma_wait3A_87 = tpu.memref_slice %arg9[%dma_wait3A_85, %dma_wait3A_86] : memref<10000x16xf32, #tpu.memory_space<vmem_shared>> -> memref<16x16xf32, #tpu.memory_space<vmem_shared>>
        tpu.wait_dma2 semaphore(%run_scoped3A : memref<!tpu.dma_semaphore, #tpu.memory_space<semaphore_mem>>) src(%dma_wait3A_87 : memref<16x16xf32, #tpu.memory_space<vmem_shared>>) dst(%dma_wait3A_84 : memref<16x16xf32, #tpu.memory_space<vmem>>)
        tpu.yield
      }) : () -> ()
    } else {
    }
    %scan3A_52 = arith.constant 0 : i32
    %scan3A_53 = arith.constant 640 : i32
    %scan3A_54 = arith.addi %scan3A_52, %scan3A_53 : i32
    %scan3A_55 = arith.constant 1 : i32
    scf.for %scan3A_64 = %scan3A_52 to %scan3A_54 step %scan3A_55  : i32 {
      %mul3A_65 = arith.constant 1 : i32
      %mul3A_66 = arith.muli %scan3A_64, %mul3A_65 : i32
      %add3A = arith.constant 0 : i32
      %add3A_67 = arith.addi %add3A, %mul3A_66 : i32
      %get3A = arith.index_cast %add3A_67 : i32 to index
      %get3A_68 = arith.constant 0 : index
      %get3A_69 = tpu.vector_load %arg7[%get3A, %get3A_68] {strides = array<i32>} : memref<640x16xf32, #tpu.memory_space<vmem>>, vector<1x16xf32>,
      %get3A_70 = vector.shape_cast %get3A_69 : vector<1x16xf32> to vector<16xf32>
      %swap3A = arith.index_cast %add3A_67 : i32 to index
      %swap3A_71 = arith.constant 0 : index
      %swap3A_72 = tpu.vector_load %arg8[%swap3A, %swap3A_71] {strides = array<i32>} : memref<640x64xf32, #tpu.memory_space<vmem>>, vector<1x16xf32>,
      %swap3A_73 = vector.shape_cast %swap3A_72 : vector<1x16xf32> to vector<16xf32>
      %swap3A_74 = vector.shape_cast %get3A_70 : vector<16xf32> to vector<1x16xf32>
      tpu.vector_store %arg8[%swap3A, %swap3A_71], %swap3A_74 {strides = array<i32>} : memref<640x64xf32, #tpu.memory_space<vmem>>, vector<1x16xf32>,
      %swap3A_75 = arith.index_cast %add3A_67 : i32 to index
      %swap3A_76 = arith.constant 16 : index
      %swap3A_77 = tpu.vector_load %arg8[%swap3A_75, %swap3A_76] {strides = array<i32>} : memref<640x64xf32, #tpu.memory_space<vmem>>, vector<1x16xf32>,
      %swap3A_78 = vector.shape_cast %swap3A_77 : vector<1x16xf32> to vector<16xf32>
      %swap3A_79 = vector.shape_cast %get3A_70 : vector<16xf32> to vector<1x16xf32>
      tpu.vector_store %arg8[%swap3A_75, %swap3A_76], %swap3A_79 {strides = array<i32>} : memref<640x64xf32, #tpu.memory_space<vmem>>, vector<1x16xf32>,
      %swap3A_80 = arith.index_cast %add3A_67 : i32 to index
      %swap3A_81 = arith.constant 32 : index
      %swap3A_82 = tpu.vector_load %arg8[%swap3A_80, %swap3A_81] {strides = array<i32>} : memref<640x64xf32, #tpu.memory_space<vmem>>, vector<1x16xf32>,
      %swap3A_83 = vector.shape_cast %swap3A_82 : vector<1x16xf32> to vector<16xf32>
      %swap3A_84 = vector.shape_cast %get3A_70 : vector<16xf32> to vector<1x16xf32>
      tpu.vector_store %arg8[%swap3A_80, %swap3A_81], %swap3A_84 {strides = array<i32>} : memref<640x64xf32, #tpu.memory_space<vmem>>, vector<1x16xf32>,
      %swap3A_85 = arith.index_cast %add3A_67 : i32 to index
      %swap3A_86 = arith.constant 48 : index
      %swap3A_87 = tpu.vector_load %arg8[%swap3A_85, %swap3A_86] {strides = array<i32>} : memref<640x64xf32, #tpu.memory_space<vmem>>, vector<1x16xf32>,
      %swap3A_88 = vector.shape_cast %swap3A_87 : vector<1x16xf32> to vector<16xf32>
      %swap3A_89 = vector.shape_cast %get3A_70 : vector<16xf32> to vector<1x16xf32>
      tpu.vector_store %arg8[%swap3A_85, %swap3A_86], %swap3A_89 {strides = array<i32>} : memref<640x64xf32, #tpu.memory_space<vmem>>, vector<1x16xf32>,
    }
    %scan3A_56 = arith.constant 640 : i32
    %mul3A_57 = arith.constant 624 : i32
    %mul3A_58 = arith.muli %arg1, %mul3A_57 : i32
    "tpu.region"() ({
      %run_scoped3A = tpu.sem_alloc : memref<!tpu.dma_semaphore, #tpu.memory_space<semaphore_mem>>
      %dma_start3A_64 = arith.constant 0 : i32
      %dma_start3A_65 = arith.constant 0 : i32
      %dma_start3A_66 = tpu.memref_slice %arg8[%dma_start3A_64, %dma_start3A_65] : memref<640x64xf32, #tpu.memory_space<vmem>> -> memref<624x64xf32, #tpu.memory_space<vmem>>
      %dma_start3A_67 = arith.constant 0 : i32
      %dma_start3A_68 = tpu.memref_slice %arg3[%arg0, %mul3A_58, %dma_start3A_67] : memref<2x10000x64xf32, #tpu.memory_space<hbm>> -> memref<1x624x64xf32, #tpu.memory_space<hbm>>
      %dma_start3A_69 = tpu.memref_squeeze %dma_start3A_68 : memref<1x624x64xf32, #tpu.memory_space<hbm>> -> memref<624x64xf32, #tpu.memory_space<hbm>>
      %dma_start3A_70 = arith.constant 0 : i32
      %dma_start3A_71 = tpu.memref_slice %arg3[%arg0, %mul3A_58, %dma_start3A_70] : memref<2x10000x64xf32, #tpu.memory_space<hbm>> -> memref<1x624x64xf32, #tpu.memory_space<hbm>>
      %dma_start3A_72 = tpu.memref_squeeze %dma_start3A_71 : memref<1x624x64xf32, #tpu.memory_space<hbm>> -> memref<624x64xf32, #tpu.memory_space<hbm>>
      %dma_start3A_73 = arith.constant 0 : i32
      %dma_start3A_74 = arith.constant 0 : i32
      %dma_start3A_75 = tpu.memref_slice %arg8[%dma_start3A_73, %dma_start3A_74] : memref<640x64xf32, #tpu.memory_space<vmem>> -> memref<624x64xf32, #tpu.memory_space<vmem>>
      tpu.enqueue_dma source(%dma_start3A_75 : memref<624x64xf32, #tpu.memory_space<vmem>>) target(%dma_start3A_72 : memref<624x64xf32, #tpu.memory_space<hbm>>) target_semaphore(%run_scoped3A : memref<!tpu.dma_semaphore, #tpu.memory_space<semaphore_mem>>)
      %dma_wait3A_76 = arith.constant 0 : i32
      %dma_wait3A_77 = arith.constant 0 : i32
      %dma_wait3A_78 = tpu.memref_slice %arg8[%dma_wait3A_76, %dma_wait3A_77] : memref<640x64xf32, #tpu.memory_space<vmem>> -> memref<624x64xf32, #tpu.memory_space<vmem>>
      %dma_wait3A_79 = arith.constant 0 : i32
      %dma_wait3A_80 = tpu.memref_slice %arg3[%arg0, %mul3A_58, %dma_wait3A_79] : memref<2x10000x64xf32, #tpu.memory_space<hbm>> -> memref<1x624x64xf32, #tpu.memory_space<hbm>>
      %dma_wait3A_81 = tpu.memref_squeeze %dma_wait3A_80 : memref<1x624x64xf32, #tpu.memory_space<hbm>> -> memref<624x64xf32, #tpu.memory_space<hbm>>
      %dma_wait3A_82 = arith.constant 0 : i32
      %dma_wait3A_83 = tpu.memref_slice %arg3[%arg0, %mul3A_58, %dma_wait3A_82] : memref<2x10000x64xf32, #tpu.memory_space<hbm>> -> memref<1x624x64xf32, #tpu.memory_space<hbm>>
      %dma_wait3A_84 = tpu.memref_squeeze %dma_wait3A_83 : memref<1x624x64xf32, #tpu.memory_space<hbm>> -> memref<624x64xf32, #tpu.memory_space<hbm>>
      %dma_wait3A_85 = arith.constant 0 : i32
      %dma_wait3A_86 = arith.constant 0 : i32
      %dma_wait3A_87 = tpu.memref_slice %arg8[%dma_wait3A_85, %dma_wait3A_86] : memref<640x64xf32, #tpu.memory_space<vmem>> -> memref<624x64xf32, #tpu.memory_space<vmem>>
      tpu.wait_dma2 semaphore(%run_scoped3A : memref<!tpu.dma_semaphore, #tpu.memory_space<semaphore_mem>>) src(%dma_wait3A_87 : memref<624x64xf32, #tpu.memory_space<vmem>>) dst(%dma_wait3A_84 : memref<624x64xf32, #tpu.memory_space<hbm>>)
      tpu.yield
    }) : () -> ()
    %eq3A_59 = arith.constant 15 : i32
    %eq3A_60 = arith.cmpi eq, %arg1, %eq3A_59 : i32
    %convert_element_type3A_61 = arith.extui %eq3A_60 : i1 to i32
    %cond3A_62 = arith.constant 0 : i32
    %cond3A_63 = arith.cmpi ne, %convert_element_type3A_61, %cond3A_62 : i32
    scf.if %cond3A_63 {
      "tpu.region"() ({
        %run_scoped3A = tpu.sem_alloc : memref<!tpu.dma_semaphore, #tpu.memory_space<semaphore_mem>>
        %dma_start3A_64 = arith.constant 624 : i32
        %dma_start3A_65 = arith.constant 0 : i32
        %dma_start3A_66 = tpu.memref_slice %arg8[%dma_start3A_64, %dma_start3A_65] : memref<640x64xf32, #tpu.memory_space<vmem>> -> memref<16x64xf32, #tpu.memory_space<vmem>>
        %dma_start3A_67 = arith.constant 9984 : i32
        %dma_start3A_68 = arith.constant 0 : i32
        %dma_start3A_69 = tpu.memref_slice %arg3[%arg0, %dma_start3A_67, %dma_start3A_68] : memref<2x10000x64xf32, #tpu.memory_space<hbm>> -> memref<1x16x64xf32, #tpu.memory_space<hbm>>
        %dma_start3A_70 = tpu.memref_squeeze %dma_start3A_69 : memref<1x16x64xf32, #tpu.memory_space<hbm>> -> memref<16x64xf32, #tpu.memory_space<hbm>>
        %dma_start3A_71 = arith.constant 9984 : i32
        %dma_start3A_72 = arith.constant 0 : i32
        %dma_start3A_73 = tpu.memref_slice %arg3[%arg0, %dma_start3A_71, %dma_start3A_72] : memref<2x10000x64xf32, #tpu.memory_space<hbm>> -> memref<1x16x64xf32, #tpu.memory_space<hbm>>
        %dma_start3A_74 = tpu.memref_squeeze %dma_start3A_73 : memref<1x16x64xf32, #tpu.memory_space<hbm>> -> memref<16x64xf32, #tpu.memory_space<hbm>>
        %dma_start3A_75 = arith.constant 624 : i32
        %dma_start3A_76 = arith.constant 0 : i32
        %dma_start3A_77 = tpu.memref_slice %arg8[%dma_start3A_75, %dma_start3A_76] : memref<640x64xf32, #tpu.memory_space<vmem>> -> memref<16x64xf32, #tpu.memory_space<vmem>>
        tpu.enqueue_dma source(%dma_start3A_77 : memref<16x64xf32, #tpu.memory_space<vmem>>) target(%dma_start3A_74 : memref<16x64xf32, #tpu.memory_space<hbm>>) target_semaphore(%run_scoped3A : memref<!tpu.dma_semaphore, #tpu.memory_space<semaphore_mem>>)
        %dma_wait3A_78 = arith.constant 624 : i32
        %dma_wait3A_79 = arith.constant 0 : i32
        %dma_wait3A_80 = tpu.memref_slice %arg8[%dma_wait3A_78, %dma_wait3A_79] : memref<640x64xf32, #tpu.memory_space<vmem>> -> memref<16x64xf32, #tpu.memory_space<vmem>>
        %dma_wait3A_81 = arith.constant 9984 : i32
        %dma_wait3A_82 = arith.constant 0 : i32
        %dma_wait3A_83 = tpu.memref_slice %arg3[%arg0, %dma_wait3A_81, %dma_wait3A_82] : memref<2x10000x64xf32, #tpu.memory_space<hbm>> -> memref<1x16x64xf32, #tpu.memory_space<hbm>>
        %dma_wait3A_84 = tpu.memref_squeeze %dma_wait3A_83 : memref<1x16x64xf32, #tpu.memory_space<hbm>> -> memref<16x64xf32, #tpu.memory_space<hbm>>
        %dma_wait3A_85 = arith.constant 9984 : i32
        %dma_wait3A_86 = arith.constant 0 : i32
        %dma_wait3A_87 = tpu.memref_slice %arg3[%arg0, %dma_wait3A_85, %dma_wait3A_86] : memref<2x10000x64xf32, #tpu.memory_space<hbm>> -> memref<1x16x64xf32, #tpu.memory_space<hbm>>
        %dma_wait3A_88 = tpu.memref_squeeze %dma_wait3A_87 : memref<1x16x64xf32, #tpu.memory_space<hbm>> -> memref<16x64xf32, #tpu.memory_space<hbm>>
        %dma_wait3A_89 = arith.constant 624 : i32
        %dma_wait3A_90 = arith.constant 0 : i32
        %dma_wait3A_91 = tpu.memref_slice %arg8[%dma_wait3A_89, %dma_wait3A_90] : memref<640x64xf32, #tpu.memory_space<vmem>> -> memref<16x64xf32, #tpu.memory_space<vmem>>
        tpu.wait_dma2 semaphore(%run_scoped3A : memref<!tpu.dma_semaphore, #tpu.memory_space<semaphore_mem>>) src(%dma_wait3A_91 : memref<16x64xf32, #tpu.memory_space<vmem>>) dst(%dma_wait3A_88 : memref<16x64xf32, #tpu.memory_space<hbm>>)
        tpu.yield
      }) : () -> ()
    } else {
    }
    return
  }
}

module attributes {stable_mosaic.version = 14 : i64} {
  func.func @body(%arg0: i32, %arg1: memref<2x1000x128xf32, #tpu.memory_space<vmem>>, %arg2: memref<2x1000x128xf32, #tpu.memory_space<vmem>>, %arg3: memref<2x1000x128xf32, #tpu.memory_space<vmem>>, %arg4: memref<1x128xf32, #tpu.memory_space<vmem>>, %arg5: memref<128x128xf32, #tpu.memory_space<vmem>>, %arg6: memref<2x1000x128xf32, #tpu.memory_space<vmem>>) attributes {dimension_semantics = [#tpu.dimension_semantics<arbitrary>], iteration_bounds = array<i64: 5>, scalar_prefetch = 0 : i64, scratch_operands = 0 : i64, tpu.core_type = #tpu.core_type<tc>, window_params = [{transform_indices = @transform_0, window_bounds = array<i64: 2, 1000, 128>}, {transform_indices = @transform_1, window_bounds = array<i64: 2, 1000, 128>}, {transform_indices = @transform_2, window_bounds = array<i64: 2, 1000, 128>}, {pipeline_mode = #tpu.pipeline_mode<synchronous>, transform_indices = @transform_3, window_bounds = array<i64: 1, 128>}, {pipeline_mode = #tpu.pipeline_mode<synchronous>, transform_indices = @transform_4, window_bounds = array<i64: 128, 128>}, {transform_indices = @transform_5, window_bounds = array<i64: 2, 1000, 128>}]} {
    %get3A = arith.constant 0 : index
    %get3A_0 = arith.constant 0 : index
    %get3A_1 = arith.constant 0 : index
    %get3A_2 = vector.load %arg1[%get3A, %get3A_0, %get3A_1] : memref<2x1000x128xf32, #tpu.memory_space<vmem>>, vector<1x1000x128xf32>
    %get3A_3 = vector.shape_cast %get3A_2 : vector<1x1000x128xf32> to vector<1000x128xf32>
    %add3A = arith.constant 1.000000e+00 : f32
    %add3A_4 = vector.broadcast %add3A : f32 to vector<1000x128xf32>
    %add3A_5 = arith.addf %add3A_4, %get3A_3 : vector<1000x128xf32>
    %get3A_6 = arith.constant 1 : index
    %get3A_7 = arith.constant 0 : index
    %get3A_8 = arith.constant 0 : index
    %get3A_9 = vector.load %arg1[%get3A_6, %get3A_7, %get3A_8] : memref<2x1000x128xf32, #tpu.memory_space<vmem>>, vector<1x1000x128xf32>
    %get3A_10 = vector.shape_cast %get3A_9 : vector<1x1000x128xf32> to vector<1000x128xf32>
    %add3A_11 = arith.addf %add3A_5, %get3A_10 : vector<1000x128xf32>
    %rsqrt3A = math.rsqrt %add3A_11 : vector<1000x128xf32>
    %get3A_12 = arith.constant 0 : index
    %get3A_13 = arith.constant 0 : index
    %get3A_14 = arith.constant 0 : index
    %get3A_15 = vector.load %arg2[%get3A_12, %get3A_13, %get3A_14] : memref<2x1000x128xf32, #tpu.memory_space<vmem>>, vector<1x1000x128xf32>
    %get3A_16 = vector.shape_cast %get3A_15 : vector<1x1000x128xf32> to vector<1000x128xf32>
    %get3A_17 = arith.constant 0 : index
    %get3A_18 = arith.constant 0 : index
    %get3A_19 = arith.constant 0 : index
    %get3A_20 = vector.load %arg3[%get3A_17, %get3A_18, %get3A_19] : memref<2x1000x128xf32, #tpu.memory_space<vmem>>, vector<1x1000x128xf32>
    %get3A_21 = vector.shape_cast %get3A_20 : vector<1x1000x128xf32> to vector<1000x128xf32>
    %add3A_22 = arith.addf %get3A_16, %get3A_21 : vector<1000x128xf32>
    %mul3A = arith.mulf %rsqrt3A, %add3A_22 : vector<1000x128xf32>
    %get3A_23 = arith.constant 0 : index
    %get3A_24 = arith.constant 0 : index
    %get3A_25 = vector.load %arg4[%get3A_23, %get3A_24] : memref<1x128xf32, #tpu.memory_space<vmem>>, vector<1x64xf32>
    %concatenate3A = tpu.concatenate %get3A_25, %get3A_25 in 1 : vector<1x64xf32>, vector<1x64xf32> -> vector<1x128xf32>
    %add3A_26 = vector.broadcast %concatenate3A : vector<1x128xf32> to vector<1000x128xf32>
    %add3A_27 = arith.addf %mul3A, %add3A_26 : vector<1000x128xf32>
    %max3A = arith.constant 0.000000e+00 : f32
    %max3A_28 = vector.broadcast %max3A : f32 to vector<1000x128xf32>
    %max3A_29 = arith.maximumf %add3A_27, %max3A_28 : vector<1000x128xf32>
    %get3A_30 = arith.constant 1 : index
    %get3A_31 = arith.constant 0 : index
    %get3A_32 = arith.constant 0 : index
    %get3A_33 = vector.load %arg2[%get3A_30, %get3A_31, %get3A_32] : memref<2x1000x128xf32, #tpu.memory_space<vmem>>, vector<1x1000x128xf32>
    %get3A_34 = vector.shape_cast %get3A_33 : vector<1x1000x128xf32> to vector<1000x128xf32>
    %get3A_35 = arith.constant 1 : index
    %get3A_36 = arith.constant 0 : index
    %get3A_37 = arith.constant 0 : index
    %get3A_38 = vector.load %arg3[%get3A_35, %get3A_36, %get3A_37] : memref<2x1000x128xf32, #tpu.memory_space<vmem>>, vector<1x1000x128xf32>
    %get3A_39 = vector.shape_cast %get3A_38 : vector<1x1000x128xf32> to vector<1000x128xf32>
    %add3A_40 = arith.addf %get3A_34, %get3A_39 : vector<1000x128xf32>
    %mul3A_41 = arith.mulf %rsqrt3A, %add3A_40 : vector<1000x128xf32>
    %get3A_42 = arith.constant 0 : index
    %get3A_43 = arith.constant 64 : index
    %get3A_44 = vector.load %arg4[%get3A_42, %get3A_43] : memref<1x128xf32, #tpu.memory_space<vmem>>, vector<1x64xf32>
    %concatenate3A_45 = tpu.concatenate %get3A_44, %get3A_44 in 1 : vector<1x64xf32>, vector<1x64xf32> -> vector<1x128xf32>
    %add3A_46 = vector.broadcast %concatenate3A_45 : vector<1x128xf32> to vector<1000x128xf32>
    %add3A_47 = arith.addf %mul3A_41, %add3A_46 : vector<1000x128xf32>
    %max3A_48 = arith.constant 0.000000e+00 : f32
    %max3A_49 = vector.broadcast %max3A_48 : f32 to vector<1000x128xf32>
    %max3A_50 = arith.maximumf %add3A_47, %max3A_49 : vector<1000x128xf32>
    %get3A_51 = arith.constant 0 : index
    %get3A_52 = arith.constant 0 : index
    %get3A_53 = vector.load %arg5[%get3A_51, %get3A_52] : memref<128x128xf32, #tpu.memory_space<vmem>>, vector<128x128xf32>
    %slice3A = vector.extract_strided_slice %get3A_53 {offsets = [0, 0], sizes = [64, 64], strides = [1, 1]} : vector<128x128xf32> to vector<64x64xf32>
    %broadcast_in_dim3A = arith.constant 0.000000e+00 : f32
    %broadcast_in_dim3A_54 = vector.broadcast %broadcast_in_dim3A : f32 to vector<64x64xf32>
    %concatenate3A_55 = tpu.concatenate %slice3A, %broadcast_in_dim3A_54 in 1 : vector<64x64xf32>, vector<64x64xf32> -> vector<64x128xf32>
    %concatenate3A_56 = tpu.concatenate %broadcast_in_dim3A_54, %slice3A in 1 : vector<64x64xf32>, vector<64x64xf32> -> vector<64x128xf32>
    %concatenate3A_57 = tpu.concatenate %concatenate3A_55, %concatenate3A_56 in 0 : vector<64x128xf32>, vector<64x128xf32> -> vector<128x128xf32>
    %dot_general3A = arith.constant dense<0.000000e+00> : vector<1000x128xf32>
    %dot_general3A_58 = tpu.matmul %max3A_29, %concatenate3A_57, %dot_general3A {dimension_numbers = #tpu.dot_dimension_numbers<[1], [0], [0], [1], [0, 0, 1, 1], [], []>, transpose_lhs_hint = false} : vector<1000x128xf32>, vector<128x128xf32>, vector<1000x128xf32> -> vector<1000x128xf32>
    %get3A_59 = arith.constant 0 : index
    %get3A_60 = arith.constant 0 : index
    %get3A_61 = vector.load %arg5[%get3A_59, %get3A_60] : memref<128x128xf32, #tpu.memory_space<vmem>>, vector<128x128xf32>
    %slice3A_62 = vector.extract_strided_slice %get3A_61 {offsets = [64, 0], sizes = [64, 64], strides = [1, 1]} : vector<128x128xf32> to vector<64x64xf32>
    %broadcast_in_dim3A_63 = arith.constant 0.000000e+00 : f32
    %broadcast_in_dim3A_64 = vector.broadcast %broadcast_in_dim3A_63 : f32 to vector<64x64xf32>
    %concatenate3A_65 = tpu.concatenate %slice3A_62, %broadcast_in_dim3A_64 in 1 : vector<64x64xf32>, vector<64x64xf32> -> vector<64x128xf32>
    %concatenate3A_66 = tpu.concatenate %broadcast_in_dim3A_64, %slice3A_62 in 1 : vector<64x64xf32>, vector<64x64xf32> -> vector<64x128xf32>
    %concatenate3A_67 = tpu.concatenate %concatenate3A_65, %concatenate3A_66 in 0 : vector<64x128xf32>, vector<64x128xf32> -> vector<128x128xf32>
    %dot_general3A_68 = arith.constant dense<0.000000e+00> : vector<1000x128xf32>
    %dot_general3A_69 = tpu.matmul %max3A_50, %concatenate3A_67, %dot_general3A_68 {dimension_numbers = #tpu.dot_dimension_numbers<[1], [0], [0], [1], [0, 0, 1, 1], [], []>, transpose_lhs_hint = false} : vector<1000x128xf32>, vector<128x128xf32>, vector<1000x128xf32> -> vector<1000x128xf32>
    %add3A_70 = arith.addf %dot_general3A_58, %dot_general3A_69 : vector<1000x128xf32>
    %mul3A_71 = arith.mulf %add3A_70, %rsqrt3A : vector<1000x128xf32>
    %swap3A = arith.constant 0 : index
    %swap3A_72 = arith.constant 0 : index
    %swap3A_73 = arith.constant 0 : index
    %swap3A_74 = vector.load %arg6[%swap3A, %swap3A_72, %swap3A_73] : memref<2x1000x128xf32, #tpu.memory_space<vmem>>, vector<1x1000x128xf32>
    %swap3A_75 = vector.shape_cast %swap3A_74 : vector<1x1000x128xf32> to vector<1000x128xf32>
    %swap3A_76 = vector.shape_cast %mul3A_71 : vector<1000x128xf32> to vector<1x1000x128xf32>
    tpu.vector_store %arg6[%swap3A, %swap3A_72, %swap3A_73], %swap3A_76 {strides = array<i32>} : memref<2x1000x128xf32, #tpu.memory_space<vmem>>, vector<1x1000x128xf32>,
    %get3A_77 = arith.constant 0 : index
    %get3A_78 = arith.constant 0 : index
    %get3A_79 = vector.load %arg5[%get3A_77, %get3A_78] : memref<128x128xf32, #tpu.memory_space<vmem>>, vector<128x128xf32>
    %slice3A_80 = vector.extract_strided_slice %get3A_79 {offsets = [0, 64], sizes = [64, 64], strides = [1, 1]} : vector<128x128xf32> to vector<64x64xf32>
    %broadcast_in_dim3A_81 = arith.constant 0.000000e+00 : f32
    %broadcast_in_dim3A_82 = vector.broadcast %broadcast_in_dim3A_81 : f32 to vector<64x64xf32>
    %concatenate3A_83 = tpu.concatenate %slice3A_80, %broadcast_in_dim3A_82 in 1 : vector<64x64xf32>, vector<64x64xf32> -> vector<64x128xf32>
    %concatenate3A_84 = tpu.concatenate %broadcast_in_dim3A_82, %slice3A_80 in 1 : vector<64x64xf32>, vector<64x64xf32> -> vector<64x128xf32>
    %concatenate3A_85 = tpu.concatenate %concatenate3A_83, %concatenate3A_84 in 0 : vector<64x128xf32>, vector<64x128xf32> -> vector<128x128xf32>
    %dot_general3A_86 = arith.constant dense<0.000000e+00> : vector<1000x128xf32>
    %dot_general3A_87 = tpu.matmul %max3A_29, %concatenate3A_85, %dot_general3A_86 {dimension_numbers = #tpu.dot_dimension_numbers<[1], [0], [0], [1], [0, 0, 1, 1], [], []>, transpose_lhs_hint = false} : vector<1000x128xf32>, vector<128x128xf32>, vector<1000x128xf32> -> vector<1000x128xf32>
    %get3A_88 = arith.constant 0 : index
    %get3A_89 = arith.constant 0 : index
    %get3A_90 = vector.load %arg5[%get3A_88, %get3A_89] : memref<128x128xf32, #tpu.memory_space<vmem>>, vector<128x128xf32>
    %slice3A_91 = vector.extract_strided_slice %get3A_90 {offsets = [64, 64], sizes = [64, 64], strides = [1, 1]} : vector<128x128xf32> to vector<64x64xf32>
    %broadcast_in_dim3A_92 = arith.constant 0.000000e+00 : f32
    %broadcast_in_dim3A_93 = vector.broadcast %broadcast_in_dim3A_92 : f32 to vector<64x64xf32>
    %concatenate3A_94 = tpu.concatenate %slice3A_91, %broadcast_in_dim3A_93 in 1 : vector<64x64xf32>, vector<64x64xf32> -> vector<64x128xf32>
    %concatenate3A_95 = tpu.concatenate %broadcast_in_dim3A_93, %slice3A_91 in 1 : vector<64x64xf32>, vector<64x64xf32> -> vector<64x128xf32>
    %concatenate3A_96 = tpu.concatenate %concatenate3A_94, %concatenate3A_95 in 0 : vector<64x128xf32>, vector<64x128xf32> -> vector<128x128xf32>
    %dot_general3A_97 = arith.constant dense<0.000000e+00> : vector<1000x128xf32>
    %dot_general3A_98 = tpu.matmul %max3A_50, %concatenate3A_96, %dot_general3A_97 {dimension_numbers = #tpu.dot_dimension_numbers<[1], [0], [0], [1], [0, 0, 1, 1], [], []>, transpose_lhs_hint = false} : vector<1000x128xf32>, vector<128x128xf32>, vector<1000x128xf32> -> vector<1000x128xf32>
    %add3A_99 = arith.addf %dot_general3A_87, %dot_general3A_98 : vector<1000x128xf32>
    %mul3A_100 = arith.mulf %add3A_99, %rsqrt3A : vector<1000x128xf32>
    %swap3A_101 = arith.constant 1 : index
    %swap3A_102 = arith.constant 0 : index
    %swap3A_103 = arith.constant 0 : index
    %swap3A_104 = vector.load %arg6[%swap3A_101, %swap3A_102, %swap3A_103] : memref<2x1000x128xf32, #tpu.memory_space<vmem>>, vector<1x1000x128xf32>
    %swap3A_105 = vector.shape_cast %swap3A_104 : vector<1x1000x128xf32> to vector<1000x128xf32>
    %swap3A_106 = vector.shape_cast %mul3A_100 : vector<1000x128xf32> to vector<1x1000x128xf32>
    tpu.vector_store %arg6[%swap3A_101, %swap3A_102, %swap3A_103], %swap3A_106 {strides = array<i32>} : memref<2x1000x128xf32, #tpu.memory_space<vmem>>, vector<1x1000x128xf32>,
    return
  }
  func.func @transform_0(%arg0: i32) -> (i32, i32, i32) {
    %c0_i32 = arith.constant 0 : i32
    %c0_i32_0 = arith.constant 0 : i32
    %c0_i32_1 = arith.constant 0 : i32
    return %c0_i32, %arg0, %c0_i32_0 : i32, i32, i32
  }
  func.func @transform_1(%arg0: i32) -> (i32, i32, i32) {
    %c0_i32 = arith.constant 0 : i32
    %c0_i32_0 = arith.constant 0 : i32
    %c0_i32_1 = arith.constant 0 : i32
    return %c0_i32, %arg0, %c0_i32_0 : i32, i32, i32
  }
  func.func @transform_2(%arg0: i32) -> (i32, i32, i32) {
    %c0_i32 = arith.constant 0 : i32
    %c0_i32_0 = arith.constant 0 : i32
    %c0_i32_1 = arith.constant 0 : i32
    return %c0_i32, %arg0, %c0_i32_0 : i32, i32, i32
  }
  func.func @transform_3(%arg0: i32) -> (i32, i32) {
    %c0_i32 = arith.constant 0 : i32
    %c0_i32_0 = arith.constant 0 : i32
    %c0_i32_1 = arith.constant 0 : i32
    return %c0_i32, %c0_i32_0 : i32, i32
  }
  func.func @transform_4(%arg0: i32) -> (i32, i32) {
    %c0_i32 = arith.constant 0 : i32
    %c0_i32_0 = arith.constant 0 : i32
    %c0_i32_1 = arith.constant 0 : i32
    return %c0_i32, %c0_i32_0 : i32, i32
  }
  func.func @transform_5(%arg0: i32) -> (i32, i32, i32) {
    %c0_i32 = arith.constant 0 : i32
    %c0_i32_0 = arith.constant 0 : i32
    %c0_i32_1 = arith.constant 0 : i32
    return %c0_i32, %arg0, %c0_i32_0 : i32, i32, i32
  }
}

module attributes {stable_mosaic.version = 14 : i64} {
  func.func @body(%arg0: i32, %arg1: memref<2x1000x128xf32, #tpu.memory_space<vmem>>, %arg2: memref<2000x128xf32, #tpu.memory_space<vmem>>, %arg3: memref<128x128xf32, #tpu.memory_space<vmem>>, %arg4: memref<1x128xf32, #tpu.memory_space<vmem>>, %arg5: memref<128x128xf32, #tpu.memory_space<vmem>>, %arg6: memref<2x1000x128xf32, #tpu.memory_space<vmem>>) attributes {dimension_semantics = [#tpu.dimension_semantics<arbitrary>], iteration_bounds = array<i64: 5>, scalar_prefetch = 0 : i64, scratch_operands = 0 : i64, tpu.core_type = #tpu.core_type<tc>, window_params = [{transform_indices = @transform_0, window_bounds = array<i64: 2, 1000, 128>}, {transform_indices = @transform_1, window_bounds = array<i64: 2000, 128>}, {pipeline_mode = #tpu.pipeline_mode<synchronous>, transform_indices = @transform_2, window_bounds = array<i64: 128, 128>}, {pipeline_mode = #tpu.pipeline_mode<synchronous>, transform_indices = @transform_3, window_bounds = array<i64: 1, 128>}, {pipeline_mode = #tpu.pipeline_mode<synchronous>, transform_indices = @transform_4, window_bounds = array<i64: 128, 128>}, {transform_indices = @transform_5, window_bounds = array<i64: 2, 1000, 128>}]} {
    %get3A = arith.constant 0 : index
    %get3A_0 = arith.constant 0 : index
    %get3A_1 = arith.constant 0 : index
    %get3A_2 = vector.load %arg1[%get3A, %get3A_0, %get3A_1] : memref<2x1000x128xf32, #tpu.memory_space<vmem>>, vector<1x1000x128xf32>
    %get3A_3 = vector.shape_cast %get3A_2 : vector<1x1000x128xf32> to vector<1000x128xf32>
    %add3A = arith.constant 1.000000e+00 : f32
    %add3A_4 = vector.broadcast %add3A : f32 to vector<1000x128xf32>
    %add3A_5 = arith.addf %add3A_4, %get3A_3 : vector<1000x128xf32>
    %get3A_6 = arith.constant 1 : index
    %get3A_7 = arith.constant 0 : index
    %get3A_8 = arith.constant 0 : index
    %get3A_9 = vector.load %arg1[%get3A_6, %get3A_7, %get3A_8] : memref<2x1000x128xf32, #tpu.memory_space<vmem>>, vector<1x1000x128xf32>
    %get3A_10 = vector.shape_cast %get3A_9 : vector<1x1000x128xf32> to vector<1000x128xf32>
    %add3A_11 = arith.addf %add3A_5, %get3A_10 : vector<1000x128xf32>
    %rsqrt3A = math.rsqrt %add3A_11 : vector<1000x128xf32>
    %get3A_12 = arith.constant 0 : index
    %get3A_13 = arith.constant 0 : index
    %get3A_14 = vector.load %arg3[%get3A_12, %get3A_13] : memref<128x128xf32, #tpu.memory_space<vmem>>, vector<128x128xf32>
    %get3A_15 = arith.constant 0 : index
    %get3A_16 = arith.constant 0 : index
    %get3A_17 = vector.load %arg5[%get3A_15, %get3A_16] : memref<128x128xf32, #tpu.memory_space<vmem>>, vector<128x128xf32>
    %dot_general3A = arith.constant dense<0.000000e+00> : vector<128x128xf32>
    %dot_general3A_18 = tpu.matmul %get3A_14, %get3A_17, %dot_general3A {dimension_numbers = #tpu.dot_dimension_numbers<[1], [0], [0], [1], [0, 0, 1, 1], [], []>, transpose_lhs_hint = false} : vector<128x128xf32>, vector<128x128xf32>, vector<128x128xf32> -> vector<128x128xf32>
    %get3A_19 = arith.constant 0 : index
    %get3A_20 = arith.constant 0 : index
    %get3A_21 = vector.load %arg4[%get3A_19, %get3A_20] : memref<1x128xf32, #tpu.memory_space<vmem>>, vector<1x128xf32>
    %get3A_22 = arith.constant 0 : index
    %get3A_23 = arith.constant 0 : index
    %get3A_24 = vector.load %arg5[%get3A_22, %get3A_23] : memref<128x128xf32, #tpu.memory_space<vmem>>, vector<128x128xf32>
    %dot_general3A_25 = arith.constant dense<0.000000e+00> : vector<1x128xf32>
    %dot_general3A_26 = tpu.matmul %get3A_21, %get3A_24, %dot_general3A_25 {dimension_numbers = #tpu.dot_dimension_numbers<[1], [0], [0], [1], [0, 0, 1, 1], [], []>, transpose_lhs_hint = false} : vector<1x128xf32>, vector<128x128xf32>, vector<1x128xf32> -> vector<1x128xf32>
    %get3A_27 = arith.constant 0 : index
    %get3A_28 = arith.constant 0 : index
    %get3A_29 = vector.load %arg2[%get3A_27, %get3A_28] : memref<2000x128xf32, #tpu.memory_space<vmem>>, vector<2000x128xf32>
    %dot_general3A_30 = arith.constant dense<0.000000e+00> : vector<2000x128xf32>
    %dot_general3A_31 = tpu.matmul %get3A_29, %dot_general3A_18, %dot_general3A_30 {dimension_numbers = #tpu.dot_dimension_numbers<[1], [0], [0], [1], [0, 0, 1, 1], [], []>, transpose_lhs_hint = false} : vector<2000x128xf32>, vector<128x128xf32>, vector<2000x128xf32> -> vector<2000x128xf32>
    %add3A_32 = vector.broadcast %dot_general3A_26 : vector<1x128xf32> to vector<2000x128xf32>
    %add3A_33 = arith.addf %dot_general3A_31, %add3A_32 : vector<2000x128xf32>
    %reshape3A = vector.shape_cast %add3A_33 : vector<2000x128xf32> to vector<1000x2x128xf32>
    %slice3A = vector.extract_strided_slice %reshape3A {offsets = [0, 0, 0], sizes = [1000, 1, 128], strides = [1, 1, 1]} : vector<1000x2x128xf32> to vector<1000x1x128xf32>
    %squeeze3A = vector.shape_cast %slice3A : vector<1000x1x128xf32> to vector<1000x128xf32>
    %reshape3A_34 = vector.shape_cast %add3A_33 : vector<2000x128xf32> to vector<1000x2x128xf32>
    %slice3A_35 = vector.extract_strided_slice %reshape3A_34 {offsets = [0, 1, 0], sizes = [1000, 1, 128], strides = [1, 1, 1]} : vector<1000x2x128xf32> to vector<1000x1x128xf32>
    %squeeze3A_36 = vector.shape_cast %slice3A_35 : vector<1000x1x128xf32> to vector<1000x128xf32>
    %slice3A_37 = vector.extract_strided_slice %squeeze3A {offsets = [0, 0], sizes = [1000, 64], strides = [1, 1]} : vector<1000x128xf32> to vector<1000x64xf32>
    %slice3A_38 = vector.extract_strided_slice %squeeze3A_36 {offsets = [0, 0], sizes = [1000, 64], strides = [1, 1]} : vector<1000x128xf32> to vector<1000x64xf32>
    %concatenate3A = tpu.concatenate %slice3A_37, %slice3A_38 in 1 : vector<1000x64xf32>, vector<1000x64xf32> -> vector<1000x128xf32>
    %mul3A = arith.mulf %concatenate3A, %rsqrt3A : vector<1000x128xf32>
    %swap3A = arith.constant 0 : index
    %swap3A_39 = arith.constant 0 : index
    %swap3A_40 = arith.constant 0 : index
    %swap3A_41 = vector.load %arg6[%swap3A, %swap3A_39, %swap3A_40] : memref<2x1000x128xf32, #tpu.memory_space<vmem>>, vector<1x1000x128xf32>
    %swap3A_42 = vector.shape_cast %swap3A_41 : vector<1x1000x128xf32> to vector<1000x128xf32>
    %swap3A_43 = vector.shape_cast %mul3A : vector<1000x128xf32> to vector<1x1000x128xf32>
    tpu.vector_store %arg6[%swap3A, %swap3A_39, %swap3A_40], %swap3A_43 {strides = array<i32>} : memref<2x1000x128xf32, #tpu.memory_space<vmem>>, vector<1x1000x128xf32>,
    %slice3A_44 = vector.extract_strided_slice %squeeze3A {offsets = [0, 64], sizes = [1000, 64], strides = [1, 1]} : vector<1000x128xf32> to vector<1000x64xf32>
    %slice3A_45 = vector.extract_strided_slice %squeeze3A_36 {offsets = [0, 64], sizes = [1000, 64], strides = [1, 1]} : vector<1000x128xf32> to vector<1000x64xf32>
    %concatenate3A_46 = tpu.concatenate %slice3A_44, %slice3A_45 in 1 : vector<1000x64xf32>, vector<1000x64xf32> -> vector<1000x128xf32>
    %mul3A_47 = arith.mulf %concatenate3A_46, %rsqrt3A : vector<1000x128xf32>
    %swap3A_48 = arith.constant 1 : index
    %swap3A_49 = arith.constant 0 : index
    %swap3A_50 = arith.constant 0 : index
    %swap3A_51 = vector.load %arg6[%swap3A_48, %swap3A_49, %swap3A_50] : memref<2x1000x128xf32, #tpu.memory_space<vmem>>, vector<1x1000x128xf32>
    %swap3A_52 = vector.shape_cast %swap3A_51 : vector<1x1000x128xf32> to vector<1000x128xf32>
    %swap3A_53 = vector.shape_cast %mul3A_47 : vector<1000x128xf32> to vector<1x1000x128xf32>
    tpu.vector_store %arg6[%swap3A_48, %swap3A_49, %swap3A_50], %swap3A_53 {strides = array<i32>} : memref<2x1000x128xf32, #tpu.memory_space<vmem>>, vector<1x1000x128xf32>,
    return
  }
  func.func @transform_0(%arg0: i32) -> (i32, i32, i32) {
    %c0_i32 = arith.constant 0 : i32
    %c0_i32_0 = arith.constant 0 : i32
    %c0_i32_1 = arith.constant 0 : i32
    return %c0_i32, %arg0, %c0_i32_0 : i32, i32, i32
  }
  func.func @transform_1(%arg0: i32) -> (i32, i32) {
    %c0_i32 = arith.constant 0 : i32
    %c0_i32_0 = arith.constant 0 : i32
    return %arg0, %c0_i32 : i32, i32
  }
  func.func @transform_2(%arg0: i32) -> (i32, i32) {
    %c0_i32 = arith.constant 0 : i32
    %c0_i32_0 = arith.constant 0 : i32
    %c0_i32_1 = arith.constant 0 : i32
    return %c0_i32, %c0_i32_0 : i32, i32
  }
  func.func @transform_3(%arg0: i32) -> (i32, i32) {
    %c0_i32 = arith.constant 0 : i32
    %c0_i32_0 = arith.constant 0 : i32
    %c0_i32_1 = arith.constant 0 : i32
    return %c0_i32, %c0_i32_0 : i32, i32
  }
  func.func @transform_4(%arg0: i32) -> (i32, i32) {
    %c0_i32 = arith.constant 0 : i32
    %c0_i32_0 = arith.constant 0 : i32
    %c0_i32_1 = arith.constant 0 : i32
    return %c0_i32, %c0_i32_0 : i32, i32
  }
  func.func @transform_5(%arg0: i32) -> (i32, i32, i32) {
    %c0_i32 = arith.constant 0 : i32
    %c0_i32_0 = arith.constant 0 : i32
    %c0_i32_1 = arith.constant 0 : i32
    return %c0_i32, %arg0, %c0_i32_0 : i32, i32, i32
  }
}

module attributes {stable_mosaic.version = 14 : i64} {
  func.func @body(%arg0: i32, %arg1: memref<2x1000x128xf32, #tpu.memory_space<vmem>>, %arg2: memref<2x1000x128xf32, #tpu.memory_space<vmem>>, %arg3: memref<2x1000x128xf32, #tpu.memory_space<vmem>>, %arg4: memref<1x128xf32, #tpu.memory_space<vmem>>, %arg5: memref<2000x128xf32, #tpu.memory_space<vmem>>) attributes {dimension_semantics = [#tpu.dimension_semantics<arbitrary>], iteration_bounds = array<i64: 5>, scalar_prefetch = 0 : i64, scratch_operands = 0 : i64, tpu.core_type = #tpu.core_type<tc>, window_params = [{transform_indices = @transform_0, window_bounds = array<i64: 2, 1000, 128>}, {transform_indices = @transform_1, window_bounds = array<i64: 2, 1000, 128>}, {transform_indices = @transform_2, window_bounds = array<i64: 2, 1000, 128>}, {pipeline_mode = #tpu.pipeline_mode<synchronous>, transform_indices = @transform_3, window_bounds = array<i64: 1, 128>}, {transform_indices = @transform_4, window_bounds = array<i64: 2000, 128>}]} {
    %get3A = arith.constant 0 : index
    %get3A_0 = arith.constant 0 : index
    %get3A_1 = arith.constant 0 : index
    %get3A_2 = vector.load %arg1[%get3A, %get3A_0, %get3A_1] : memref<2x1000x128xf32, #tpu.memory_space<vmem>>, vector<1x1000x128xf32>
    %get3A_3 = vector.shape_cast %get3A_2 : vector<1x1000x128xf32> to vector<1000x128xf32>
    %add3A = arith.constant 1.000000e+00 : f32
    %add3A_4 = vector.broadcast %add3A : f32 to vector<1000x128xf32>
    %add3A_5 = arith.addf %add3A_4, %get3A_3 : vector<1000x128xf32>
    %get3A_6 = arith.constant 1 : index
    %get3A_7 = arith.constant 0 : index
    %get3A_8 = arith.constant 0 : index
    %get3A_9 = vector.load %arg1[%get3A_6, %get3A_7, %get3A_8] : memref<2x1000x128xf32, #tpu.memory_space<vmem>>, vector<1x1000x128xf32>
    %get3A_10 = vector.shape_cast %get3A_9 : vector<1x1000x128xf32> to vector<1000x128xf32>
    %add3A_11 = arith.addf %add3A_5, %get3A_10 : vector<1000x128xf32>
    %rsqrt3A = math.rsqrt %add3A_11 : vector<1000x128xf32>
    %get3A_12 = arith.constant 0 : index
    %get3A_13 = arith.constant 0 : index
    %get3A_14 = arith.constant 0 : index
    %get3A_15 = vector.load %arg2[%get3A_12, %get3A_13, %get3A_14] : memref<2x1000x128xf32, #tpu.memory_space<vmem>>, vector<1x1000x128xf32>
    %get3A_16 = vector.shape_cast %get3A_15 : vector<1x1000x128xf32> to vector<1000x128xf32>
    %get3A_17 = arith.constant 0 : index
    %get3A_18 = arith.constant 0 : index
    %get3A_19 = arith.constant 0 : index
    %get3A_20 = vector.load %arg3[%get3A_17, %get3A_18, %get3A_19] : memref<2x1000x128xf32, #tpu.memory_space<vmem>>, vector<1x1000x128xf32>
    %get3A_21 = vector.shape_cast %get3A_20 : vector<1x1000x128xf32> to vector<1000x128xf32>
    %add3A_22 = arith.addf %get3A_16, %get3A_21 : vector<1000x128xf32>
    %mul3A = arith.mulf %rsqrt3A, %add3A_22 : vector<1000x128xf32>
    %get3A_23 = arith.constant 0 : index
    %get3A_24 = arith.constant 0 : index
    %get3A_25 = vector.load %arg4[%get3A_23, %get3A_24] : memref<1x128xf32, #tpu.memory_space<vmem>>, vector<1x64xf32>
    %concatenate3A = tpu.concatenate %get3A_25, %get3A_25 in 1 : vector<1x64xf32>, vector<1x64xf32> -> vector<1x128xf32>
    %add3A_26 = vector.broadcast %concatenate3A : vector<1x128xf32> to vector<1000x128xf32>
    %add3A_27 = arith.addf %mul3A, %add3A_26 : vector<1000x128xf32>
    %get3A_28 = arith.constant 1 : index
    %get3A_29 = arith.constant 0 : index
    %get3A_30 = arith.constant 0 : index
    %get3A_31 = vector.load %arg2[%get3A_28, %get3A_29, %get3A_30] : memref<2x1000x128xf32, #tpu.memory_space<vmem>>, vector<1x1000x128xf32>
    %get3A_32 = vector.shape_cast %get3A_31 : vector<1x1000x128xf32> to vector<1000x128xf32>
    %get3A_33 = arith.constant 1 : index
    %get3A_34 = arith.constant 0 : index
    %get3A_35 = arith.constant 0 : index
    %get3A_36 = vector.load %arg3[%get3A_33, %get3A_34, %get3A_35] : memref<2x1000x128xf32, #tpu.memory_space<vmem>>, vector<1x1000x128xf32>
    %get3A_37 = vector.shape_cast %get3A_36 : vector<1x1000x128xf32> to vector<1000x128xf32>
    %add3A_38 = arith.addf %get3A_32, %get3A_37 : vector<1000x128xf32>
    %mul3A_39 = arith.mulf %rsqrt3A, %add3A_38 : vector<1000x128xf32>
    %get3A_40 = arith.constant 0 : index
    %get3A_41 = arith.constant 64 : index
    %get3A_42 = vector.load %arg4[%get3A_40, %get3A_41] : memref<1x128xf32, #tpu.memory_space<vmem>>, vector<1x64xf32>
    %concatenate3A_43 = tpu.concatenate %get3A_42, %get3A_42 in 1 : vector<1x64xf32>, vector<1x64xf32> -> vector<1x128xf32>
    %add3A_44 = vector.broadcast %concatenate3A_43 : vector<1x128xf32> to vector<1000x128xf32>
    %add3A_45 = arith.addf %mul3A_39, %add3A_44 : vector<1000x128xf32>
    %slice3A = vector.extract_strided_slice %add3A_27 {offsets = [0, 0], sizes = [1000, 64], strides = [1, 1]} : vector<1000x128xf32> to vector<1000x64xf32>
    %slice3A_46 = vector.extract_strided_slice %add3A_45 {offsets = [0, 0], sizes = [1000, 64], strides = [1, 1]} : vector<1000x128xf32> to vector<1000x64xf32>
    %concatenate3A_47 = tpu.concatenate %slice3A, %slice3A_46 in 1 : vector<1000x64xf32>, vector<1000x64xf32> -> vector<1000x128xf32>
    %slice3A_48 = vector.extract_strided_slice %add3A_27 {offsets = [0, 64], sizes = [1000, 64], strides = [1, 1]} : vector<1000x128xf32> to vector<1000x64xf32>
    %slice3A_49 = vector.extract_strided_slice %add3A_45 {offsets = [0, 64], sizes = [1000, 64], strides = [1, 1]} : vector<1000x128xf32> to vector<1000x64xf32>
    %concatenate3A_50 = tpu.concatenate %slice3A_48, %slice3A_49 in 1 : vector<1000x64xf32>, vector<1000x64xf32> -> vector<1000x128xf32>
    %stack3A = vector.shape_cast %concatenate3A_47 : vector<1000x128xf32> to vector<1000x1x128xf32>
    %stack3A_51 = vector.shape_cast %concatenate3A_50 : vector<1000x128xf32> to vector<1000x1x128xf32>
    %stack3A_52 = tpu.concatenate %stack3A, %stack3A_51 in 1 : vector<1000x1x128xf32>, vector<1000x1x128xf32> -> vector<1000x2x128xf32>
    %reshape3A = vector.shape_cast %stack3A_52 : vector<1000x2x128xf32> to vector<2000x128xf32>
    %swap3A = arith.constant 0 : index
    %swap3A_53 = arith.constant 0 : index
    %swap3A_54 = vector.load %arg5[%swap3A, %swap3A_53] : memref<2000x128xf32, #tpu.memory_space<vmem>>, vector<2000x128xf32>
    tpu.vector_store %arg5[%swap3A, %swap3A_53], %reshape3A {strides = array<i32>} : memref<2000x128xf32, #tpu.memory_space<vmem>>, vector<2000x128xf32>,
    return
  }
  func.func @transform_0(%arg0: i32) -> (i32, i32, i32) {
    %c0_i32 = arith.constant 0 : i32
    %c0_i32_0 = arith.constant 0 : i32
    %c0_i32_1 = arith.constant 0 : i32
    return %c0_i32, %arg0, %c0_i32_0 : i32, i32, i32
  }
  func.func @transform_1(%arg0: i32) -> (i32, i32, i32) {
    %c0_i32 = arith.constant 0 : i32
    %c0_i32_0 = arith.constant 0 : i32
    %c0_i32_1 = arith.constant 0 : i32
    return %c0_i32, %arg0, %c0_i32_0 : i32, i32, i32
  }
  func.func @transform_2(%arg0: i32) -> (i32, i32, i32) {
    %c0_i32 = arith.constant 0 : i32
    %c0_i32_0 = arith.constant 0 : i32
    %c0_i32_1 = arith.constant 0 : i32
    return %c0_i32, %arg0, %c0_i32_0 : i32, i32, i32
  }
  func.func @transform_3(%arg0: i32) -> (i32, i32) {
    %c0_i32 = arith.constant 0 : i32
    %c0_i32_0 = arith.constant 0 : i32
    %c0_i32_1 = arith.constant 0 : i32
    return %c0_i32, %c0_i32_0 : i32, i32
  }
  func.func @transform_4(%arg0: i32) -> (i32, i32) {
    %c0_i32 = arith.constant 0 : i32
    %c0_i32_0 = arith.constant 0 : i32
    return %arg0, %c0_i32 : i32, i32
  }
}

</mosaic_0001>

<sc_bundles>
// kernel: kernel.11.cloned.1.call-start
scs
__scs_entry_jumppad:
0x0: {  	(pc) =	sbr.rel $0x88, $3  }
0x1: {  	(tag) =	ssettag $0x0;
	lr =	simm.s32 $0x1  }
0x2: {  	[smem:$0x3F99] =	sst lr;
	_ =	strace $0xD0000000  }
0x3: {  	_ = 	snop  }
0x4: {  	_ = 	snop  }
0x5: {  	_ = 	snop  }
0x6: {  	_ = 	snop  }
0x7: {  	_ = 	snop  }
__scs_overlays_trampoline_lowered:
0x8: {  	[smem:$0x3FA8] =	sst s0  }
0x9: {  	[smem:$0x3FA9] =	sst s1  }
0xa: {  	[smem:$0x3FAA] =	sst s2  }
0xb: {  	[smem:$0x3FAB] =	sst s3  }
0xc: {  	[smem:$0x3FAC] =	sst s4  }
0xd: {  	[smem:$0x3FAD] =	sst s5  }
0xe: {  	[smem:$0x3FAE] =	sst s6  }
0xf: {  	[smem:$0x3FAF] =	sst s7  }
0x10: {  	[smem:$0x3FB0] =	sst s8  }
0x11: {  	[smem:$0x3FB1] =	sst s9;
	s0 =	simm.s32 @!p0 $0x0  }
0x12: {  	s1 =	sld [smem:$0x3F97];
	s0 =	simm.s32 @p0 $0x1  }
0x13: {  	[smem:$0x3FB2] =	sst s0;
	s0 =	simm.s32 @!p1 $0x0  }
0x14: {  	s2 =	sld [smem:$0x3F96];
	s0 =	simm.s32 @p1 $0x1  }
0x15: {  	[smem:$0x3FB3] =	sst s0;
	s0 =	simm.s32 @!p2 $0x0  }
0x16: {  	s3 =	sld [smem:$0x3FDB];
	s0 =	simm.s32 @p2 $0x1  }
0x17: {  	s4 =	simm.s32 $0x1BF5;
	[smem:$0x3FB5] =	sst s0  }
0x18: {  	s0 =	sld [smem:$0x3F98];
	_ =	swait.ge [sflag:s4], $0x0  }
0x19: {  	s7 =	sld [smem:$0x3F99]  }
0x1a: {  	s8 =	sadd.s32 $0xFFFFE003, lr  }
0x1b: {  	s9 =	sadd.s32 $0xFFFFFEF7, lr;
	s5 =	simm.s32 $0xFFFFFFFF;
	p2 =	slt.u32 s8, $0xFFFFF086  }
0x1c: {  	p1 =	slt.u32 s9, $0xF7A;
	s5 =	simm.s32 @!p2 $0x0  }
0x1d: {  	s5 =	simm.s32 @p1 $0x1;
	p0 =	seq.s32 s7, s2  }
0x1e: {  	s7 =	smul.u32 @!p0 $0xF7A, s2;
	p2 =	seq.s32 @!p0 s5, $0x0  }
0x1f: {  	s9 =	smul.u32 $0xF7A, s1;
	s8 =	simm.s32 @!p0 $0x1BF5;
	p2 =	por !p2, p0  }
0x20: {  	[sflag:s8] =	ssyncset.s32 @!p0 $0xFFFFF086;
	s6 =	sadd.s32 @!p0 s3, s7;
	s7 =	simm.s32 @!p0 $0x108  }
0x21: {  	s3 =	sadd.s32 s3, s9;
	s6 =	sadd.s32 @!p0 $0x88, s6;
	s7 =	simm.s32 @p2 $0x1082  }
0x22: {  	[simem:s7], [sflag:s8] =	dma.local @!p0 [hbm:s6], $0xF7A  }
0x23: {  	s9 =	sor.u32 $0xD0000000, s2;
	s6 =	simm.s32 $0x108;
	_ =	swait.ge @!p0 [sflag:s8], $0x0  }
0x24: {  	s3 =	sadd.s32 $0x88, s3;
	s6 =	simm.s32 @!p1 $0x1082;
	[sflag:s4] =	ssyncset.s32 $0xFFFFF086  }
0x25: {  	[simem:s6], [sflag:s4] =	dma.local [hbm:s3], $0xF7A  }
0x26: {  	[smem:$0x3F99] =	sst s1;
	(tag) =	ssettag s2;
	_ =	strace s9  }
0x27: {  	s1 =	sld [smem:$0x3FA9]  }
0x28: {  	s2 =	sld [smem:$0x3FAA]  }
0x29: {  	s4 =	sld [smem:$0x3FAC]  }
0x2a: {  	p0 =	seq.s32 s5, $0x0;
	s5 =	sld [smem:$0x3FAD]  }
0x2b: {  	s6 =	sld [smem:$0x3FAE]  }
0x2c: {  	s7 =	sld [smem:$0x3FAF]  }
0x2d: {  	s3 =	simm.s32 $0x108;
	s8 =	sld [smem:$0x3FB0]  }
0x2e: {  	s3 =	simm.s32 @!p0 $0x1082;
	s9 =	sld [smem:$0x3FB1]  }
0x2f: {  	lr =	sadd.s32 s0, s3;
	s0 =	sld [smem:$0x3FA8]  }
0x30: {  	s3 =	sld [smem:$0x3FAB]  }
0x31: {  	[smem:$0x3FB4] =	sst s10  }
0x32: {  	s10 =	sld [smem:$0x3FB2];
	_ =	sdelay $0x3  }
0x33: {  	p0 =	seq.s32 s10, $0x1;
	s10 =	sld [smem:$0x3FB4];
	_ =	sdelay $0x3  }
0x34: {  	[smem:$0x3FB4] =	sst s10  }
0x35: {  	s10 =	sld [smem:$0x3FB3];
	_ =	sdelay $0x3  }
0x36: {  	p1 =	seq.s32 s10, $0x1;
	s10 =	sld [smem:$0x3FB4];
	_ =	sdelay $0x3  }
0x37: {  	[smem:$0x3FB4] =	sst s10  }
0x38: {  	s10 =	sld [smem:$0x3FB5]  }
0x39: {  	_ = 	snop;
	(pc) =	sbr.ind lr, $3  }
0x3a: {  	_ = 	snop  }
0x3b: {  	_ = 	snop  }
0x3c: {  	p2 =	seq.s32 s10, $0x1;
	s10 =	sld [smem:$0x3FB4]  }
0x3d: {  	_ =	shalt  }
0x3e: {  	_ =	shalt  }
0x3f: {  	_ =	shalt  }
0x40: {  	_ =	shalt  }
0x41: {  	_ =	shalt  }
0x42: {  	_ =	shalt  }
0x43: {  	_ =	shalt  }
0x44: {  	_ =	shalt  }
0x45: {  	_ =	shalt  }
0x46: {  	_ =	shalt  }
0x47: {  	_ =	shalt  }
0x48: {  	_ =	shalt  }
0x49: {  	_ =	shalt  }
0x4a: {  	_ =	shalt  }
0x4b: {  	_ =	shalt  }
0x4c: {  	_ =	shalt  }
0x4d: {  	_ =	shalt  }
0x4e: {  	_ =	shalt  }
0x4f: {  	_ =	shalt  }
0x50: {  	_ =	shalt  }
0x51: {  	_ =	shalt  }
0x52: {  	_ =	shalt  }
0x53: {  	_ =	shalt  }
0x54: {  	_ =	shalt  }
0x55: {  	_ =	shalt  }
0x56: {  	_ =	shalt  }
0x57: {  	_ =	shalt  }
0x58: {  	_ =	shalt  }
0x59: {  	_ =	shalt  }
0x5a: {  	_ =	shalt  }
0x5b: {  	_ =	shalt  }
0x5c: {  	_ =	shalt  }
0x5d: {  	_ =	shalt  }
0x5e: {  	_ =	shalt  }
0x5f: {  	_ =	shalt  }
0x60: {  	_ =	shalt  }
0x61: {  	_ =	shalt  }
0x62: {  	_ =	shalt  }
0x63: {  	_ =	shalt  }
0x64: {  	_ =	shalt  }
0x65: {  	_ =	shalt  }
0x66: {  	_ =	shalt  }
0x67: {  	_ =	shalt  }
0x68: {  	_ =	shalt  }
0x69: {  	_ =	shalt  }
0x6a: {  	_ =	shalt  }
0x6b: {  	_ =	shalt  }
0x6c: {  	_ =	shalt  }
0x6d: {  	_ =	shalt  }
0x6e: {  	_ =	shalt  }
0x6f: {  	_ =	shalt  }
0x70: {  	_ =	shalt  }
0x71: {  	_ =	shalt  }
0x72: {  	_ =	shalt  }
0x73: {  	_ =	shalt  }
0x74: {  	_ =	shalt  }
0x75: {  	_ =	shalt  }
0x76: {  	_ =	shalt  }
0x77: {  	_ =	shalt  }
0x78: {  	_ =	shalt  }
0x79: {  	_ =	shalt  }
0x7a: {  	_ =	shalt  }
0x7b: {  	_ =	shalt  }
0x7c: {  	_ =	shalt  }
0x7d: {  	_ =	shalt  }
0x7e: {  	_ =	shalt  }
0x7f: {  	_ =	shalt  }
0x80: {  	_ =	shalt  }
0x81: {  	_ =	shalt  }
0x82: {  	_ =	shalt  }
0x83: {  	_ =	shalt  }
0x84: {  	_ =	shalt  }
0x85: {  	_ =	shalt  }
0x86: {  	_ =	shalt  }
0x87: {  	_ =	shalt  }
.Lfunc_end0:
.L_simem_size_0:
called_computation.1_lowered:
.L_overlay_start_0:
0x88: {  	s2 =	sld [smem:$0x3FD9]  }
0x89: {  	s3 =	sld [smem:$0x3FFE];
	_ =	sdelay $0x1  }
0x8a: {  	s1 =	srdreg.scid  }
0x8b: {  	s0 =	sand.u32 $0x1, s1  }
0x8c: {  	s17 =	sshll.u32 s0, $0xA;
	s2 =	sadd.s32 s3, s2  }
0x8d: {  	s2 =	sadd.s32 s2, s17  }
0x8e: {  	[smem:$0x3FC0] =	sst s2  }
0x8f: {  	_ = 	snop  }
0x90: {  	s2 =	sld [smem:$0x3FD0];
	(tm) =	ssettm $0x1  }
0x91: {  	s18 =	sld [smem:$0x3FFB];
	_ =	sdelay $0x3  }
0x92: {  	_ =	strace s18  }
0x93: {  	s3 =	sld [smem:$0x3FFC];
	_ =	sdelay $0x3  }
0x94: {  	_ =	strace s3  }
0x95: {  	s3 =	sld [smem:$0x3FFD];
	_ =	sdelay $0x3  }
0x96: {  	_ =	strace s3  }
0x97: {  	_ =	strace $0x8FFFFFFF  }
0x98: {  	s19 =	sld [smem:$0x3FDB];
	_ =	sdelay $0x1  }
0x99: {  	s4 =	simm.s32 $_scs_section_size  }
0x9a: {  	s5 =	simm.s32 $_size__tile_overlayer_lowered;
	s6 =	simm.s32 $_tile_overlayer_lowered  }
0x9b: {  	s22 =	simm.s32 $0x1BFF;
	s21 =	sshll.u32 s6, $0x1;
	s3 =	sadd.s32 s4, s19  }
0x9c: {  	s7 =	simm.s32 $0x0;
	s20 =	sshll.u32 s5, $0x1;
	s5 =	sadd.s32 s21, s3  }
0x9d: {  	[timem:s7], [sflag:s22] =	dma.local [hbm:s5], s20  }
0x9e: {  	_ =	swait.ge [sflag:s22], s20  }
0x9f: {  	s4 =	ssub.s32 $0x0, s20;
	[sflag:s22] =	ssyncset.done $0x0  }
0xa0: {  	[sflag:s22] =	ssyncadd.s32 s4;
	_ =	sdelay $0x1  }
0xa1: {  	s23 =	simm.s32 $0x1B8B  }
0xa2: {  	_ =	swait.ge [sflag:s23], $0x1  }
0xa3: {  	[sflag:s23] =	ssyncset.done $0x0  }
0xa4: {  	s25 =	simm.s32 $0x1B8E;
	s24 =	sld [smem:$0x3FFE];
	[sflag:s23] =	ssyncadd.s32 $0xFFFFFFFF  }
0xa5: {  	s26 =	simm.s32 $execute0_lowered;
	[smem:$0x3FD2] =	sst s25  }
0xa6: {  	s5 =	sshll.u32 s26, $0x1;
	_ =	strace $0x80000049;
	[dreg:$0x1] =	wrdreg $0xFFFFFFFF  }
0xa7: {  	s28 =	simm.s32 $_size_execute0_lowered;
	s3 =	sadd.s32 s3, s5;
	[dreg:$0x0] =	wrdreg $0x0  }
0xa8: {  	s5 =	sshll.u32 s28, $0x1;
	[dreg:$0x2] =	wrdreg s3  }
0xa9: {  	[dreg:$0x3] =	wrdreg s5  }
0xaa: {  	[dreg:$0x4] =	wrdreg $0xC0  }
0xab: {  	_ =	task [dreg:s7], $0x5FFFF  }
0xac: {  	[dreg:$0x1] =	wrdreg $0xFFFFFFFF  }
0xad: {  	[dreg:$0x0] =	wrdreg $0x60  }
0xae: {  	[dreg:$0x2] =	wrdreg s2  }
0xaf: {  	[dreg:$0x3] =	wrdreg s24  }
0xb0: {  	[dreg:$0x4] =	wrdreg $0x129000  }
0xb1: {  	[dreg:$0x5] =	wrdreg $0x9  }
0xb2: {  	_ =	task.clear_ibuf [dreg:s7], $0x6FFFF;
	_ =	strace $0x90000049  }
0xb3: {  	s29 =	simm.s32 $0x9;
	_ =	strace $0x8000004B  }
0xb4: {  	_ =	swait.ge [sflag:s29], $0x1  }
0xb5: {  	[sflag:s29] =	ssyncadd.s32 $0xFFFFFFFF  }
0xb6: {  	_ =	strace $0x9000004B  }
0xb7: {  	_ =	sfence  }
0xb8: {  	s30 =	sld [smem:$0x0];
	_ =	sdelay $0x2  }
0xb9: {  	s31 =	sshll.u32 s1, $0xD;
	s1 =	sshrl.u32 s1, $0x2  }
0xba: {  	s3 =	sand.u32 $0x4000, s31;
	s1 =	sadd.s32 s1, s30  }
0xbb: {  	s0 =	sor.u32 s3, s0;
	s1 =	sshll.u32 s1, $0x11  }
0xbc: {  	s0 =	sor.u32 s1, s0  }
0xbd: {  	s0 =	sadd.s32 $0x8F2B, s0  }
0xbe: {  	[sflag:s0] =	ssyncadd.remote.s32 $0x1  }
0xbf: {  	_ =	sfence.sel $0xFFFF  }
0xc0: {  	[dreg:$0x0] =	wrdreg $0xFFFFFFFF;
	(pc) =	sbr.abs _section_cstart, $3  }
0xc1: {  	[dreg:$0x1] =	wrdreg $0xFFFFFFFF  }
0xc2: {  	_ =	task.clear_ibuf [dreg:s7], $0x2FFFF;
	_ =	strace $0x9FFFFFFF  }
0xc3: {  	(tm) =	ssettm $0x7FFFFFFF  }
tec
execute0_lowered:
.L_overlay_start_1:
0x0: {  	(tag) =	ssettag $0x1  }
0x1: {  	s0 =	rddreg [dreg:$0x0]  }
0x2: {  	s1 =	rddreg [dreg:$0x1]  }
0x3: {  	s2 =	rddreg [dreg:$0x2];
	s4 =	simm.s32 $0x0;
	s10 =	stileid.u32  }
0x4: {  	s3 =	srdreg.scid;
	s28 =	simm.s32 $0x1;
	s29 =	simm.s32 $0x2  }
0x5: {  	s30 =	simm.s32 $0x7D;
	s31 =	simm.s32 $0xA000;
	s12 =	smul.u32 $0x5000, s10  }
0x6: {  	[smem:$0x7FF] =	sst s4;
	s3 =	sand.u32 $0x1, s3;
	s8 =	smul.u32 $0x9C00, s10  }
0x7: {  	s9 =	smul.u32 $0x27000, s10;
	p0 =	sne.s32 s10, $0xF;
	s10 =	simm.s32 $0x0  }
0x8: {  	_ =	strace $0x8000004A;
	s5 =	ssub.s32 $0x2, s3;
	s3 =	smul.u32 $0x9C400, s3  }
0x9: {  	s4 =	sshrl.u32 s12, $0x3;
	s6 =	sshrl.u32 s5, $0x1;
	s16 =	sadd.s32 s8, s2  }
0xa: {  	s20 =	sshrl.u32 s9, $0x2;
	s9 =	simm.s32 $0x6;
	s4 =	sadd.s32 s4, s1  }
0xb: {  	s1 =	sadd.s32 $0x16E00, s1;
	s5 =	ssub.s32 s5, s6;
	s14 =	sadd.s32 s8, s3  }
0xc: {  	s3 =	sshrl.u32 s3, $0x3;
	s6 =	sadd.s32 $0x9C000, s2;
	s11 =	sadd.s32 s20, s2  }
0xd: {  	s8 =	simm.s32 $0x5;
	s13 =	sadd.s32 $0x2E00, s4;
	s4 =	sadd.s32 $0xCE00, s4  }
0xe: {  	s7 =	sadd.s32 s0, s3;
	s21 =	smax.u32 s5, $0x1;
	[dreg:$0x4] =	wrdreg s13  }
0xf: {  	s22 =	sadd.s32 $0xC00, s11;
	s23 =	sadd.s32 $0x1800, s11;
	[dreg:$0x5] =	wrdreg s4  }
0x10: {  	s24 =	sadd.s32 $0x2400, s11;
	s25 =	sadd.s32 $0x3000, s11;
	[dreg:$0x8] =	wrdreg s21  }
0x11: {  	s26 =	sadd.s32 $0x3C00, s11;
	s17 =	sadd.s32 $0x4800, s11;
	[dreg:$0x9] =	wrdreg s22  }
0x12: {  	s18 =	sadd.s32 $0x5400, s11;
	s19 =	sadd.s32 $0x6000, s11;
	[dreg:$0xa] =	wrdreg s23  }
0x13: {  	s20 =	sadd.s32 $0x6C00, s11;
	s0 =	simm.s32 $0xDE80;
	[dreg:$0xb] =	wrdreg s24  }
0x14: {  	s5 =	simm.s32 $0x4;
	s4 =	sshrl.u32 s14, $0x3;
	[dreg:$0xc] =	wrdreg s25  }
0x15: {  	[dreg:$0xd] =	wrdreg s26;
	s21 =	sadd.s32 $0x7800, s11;
	s22 =	sadd.s32 $0x8400, s11  }
0x16: {  	s23 =	sadd.s32 $0x9000, s11;
	s25 =	sshrl.u32 s16, $0x3;
	s26 =	simm.s32 $0x11D00  }
0x17: {  	s24 =	simm.s32 $0xBF40;
	s15 =	sadd.s32 s1, s4;
	s1 =	sadd.s32 s1, s3  }
0x18: {  	s3 =	simm.s32 $0x3;
	[dreg:$0x6] =	wrdreg s15;
	s1 =	sadd.s32 $0x13800, s1  }
0x19: {  	v0 =	vimm.f32 $0.0e+00;
	s4 =	simm.s32 $0x7;
	[dreg:$0x7] =	wrdreg s1;
	s1 =	simm.s32 $0xFDC0  }
.LBB2_1:
0x1a: {  	s12 =	simm.s32 $0x0;
	s13 =	rddreg [dreg:$0x4]  }
0x1b: {  	[tilespmem:s12], [sflag:$0x2] =	stream.linear.gather [hbm4b:s13+s12], $0x5000, $0x38;
	[tilespmem:$0x1C540] =	vst v63  }
0x1c: {  	s16 =	rddreg [dreg:$0x5];
	s14 =	simm.s32 $0x5000  }
0x1d: {  	[tilespmem:s14], [sflag:$0x2] =	stream.linear.gather [hbm4b:s16+s12], $0x5000, $0x38;
	[tilespmem:$0x1C540] =	vst v63  }
0x1e: {  	s13 =	simm.s32 $0x100;
	s12 =	simm.s32 $0x0  }
.LBB2_2:
0x1f: {  	p1 =	sne.s32 s13, $0x2F00;
	[tilespmem:s12+$0x11D30] =	vst v0;
	s14 =	smov.u32 s13;
	s13 =	sadd.s32 $0x100, s13  }
.Ltmp0:
0x20: {  	[tilespmem:s12+$0x11D20] =	vst v0;
	(pc) =	sbr.rel @p1 .LBB2_2-.Ltmp0, $3  }
0x21: {  	[tilespmem:s12+$0x11D00] =	vst v0  }
0x22: {  	[tilespmem:s12+$0x11D10] =	vst v0;
	_ =	sdelay $0x1  }
0x23: {  	s12 =	sshra.s32 s14, $0x2  }
0x24: {  	[tilespmem:s12+$0x11D30] =	vst v0  }
0x25: {  	[tilespmem:s12+$0x11D20] =	vst v0  }
0x26: {  	[tilespmem:s12+$0x11D00] =	vst v0  }
0x27: {  	[tilespmem:s12+$0x11D10] =	vst v0  }
0x28: {  	[spmem:s11] =	stream.linear.scatter [tilespmem:s26], [sflag:$0x1], $0xC00, $0x38;
	[tilespmem:$0x1C540] =	vst v63  }
0x29: {  	s13 =	rddreg [dreg:$0x9]  }
0x2a: {  	[spmem:s13] =	stream.linear.scatter [tilespmem:s26], [sflag:$0x1], $0xC00, $0x38;
	[tilespmem:$0x1C540] =	vst v63  }
0x2b: {  	s14 =	rddreg [dreg:$0xa]  }
0x2c: {  	[spmem:s14] =	stream.linear.scatter [tilespmem:s26], [sflag:$0x1], $0xC00, $0x38;
	[tilespmem:$0x1C540] =	vst v63  }
0x2d: {  	s15 =	rddreg [dreg:$0xb]  }
0x2e: {  	[spmem:s15] =	stream.linear.scatter [tilespmem:s26], [sflag:$0x1], $0xC00, $0x38;
	[tilespmem:$0x1C540] =	vst v63  }
0x2f: {  	s16 =	rddreg [dreg:$0xc]  }
0x30: {  	[spmem:s16] =	stream.linear.scatter [tilespmem:s26], [sflag:$0x1], $0xC00, $0x38;
	[tilespmem:$0x1C540] =	vst v63  }
0x31: {  	s13 =	rddreg [dreg:$0xd]  }
0x32: {  	[spmem:s13] =	stream.linear.scatter [tilespmem:s26], [sflag:$0x1], $0xC00, $0x38;
	[tilespmem:$0x1C540] =	vst v63  }
0x33: {  	_ = 	snop  }
0x34: {  	[spmem:s17] =	stream.linear.scatter [tilespmem:s26], [sflag:$0x1], $0xC00, $0x38;
	[tilespmem:$0x1C540] =	vst v63  }
0x35: {  	_ = 	snop  }
0x36: {  	[spmem:s18] =	stream.linear.scatter [tilespmem:s26], [sflag:$0x1], $0xC00, $0x38;
	[tilespmem:$0x1C540] =	vst v63  }
0x37: {  	_ = 	snop  }
0x38: {  	[spmem:s19] =	stream.linear.scatter [tilespmem:s26], [sflag:$0x1], $0xC00, $0x38;
	[tilespmem:$0x1C540] =	vst v63  }
0x39: {  	_ = 	snop  }
0x3a: {  	[spmem:s20] =	stream.linear.scatter [tilespmem:s26], [sflag:$0x1], $0xC00, $0x38;
	[tilespmem:$0x1C540] =	vst v63  }
0x3b: {  	_ = 	snop  }
0x3c: {  	[spmem:s21] =	stream.linear.scatter [tilespmem:s26], [sflag:$0x1], $0xC00, $0x38;
	[tilespmem:$0x1C540] =	vst v63  }
0x3d: {  	_ = 	snop  }
0x3e: {  	[spmem:s22] =	stream.linear.scatter [tilespmem:s26], [sflag:$0x1], $0xC00, $0x38;
	[tilespmem:$0x1C540] =	vst v63  }
0x3f: {  	_ = 	snop  }
0x40: {  	[spmem:s23] =	stream.linear.scatter [tilespmem:s26], [sflag:$0x1], $0xC00, $0x38;
	[tilespmem:$0x1C540] =	vst v63  }
0x41: {  	s12 =	simm.s32 @!p0 $0x11D00  }
0x42: {  	[spmem:s6] =	stream.linear.scatter @!p0 [tilespmem:s12], [sflag:$0x1], $0x400, $0x38;
	[tilespmem:$0x1C540] =	vst v63  }
0x43: {  	_ =	swait.ge [sflag:s28], $0xC00  }
0x44: {  	[sflag:s28] =	ssyncset.done $0x0  }
0x45: {  	[sflag:s28] =	ssyncadd.s32 $0xFFFFF400  }
0x46: {  	_ =	swait.ge [sflag:s28], $0xC00  }
0x47: {  	[sflag:s28] =	ssyncset.done $0x0  }
0x48: {  	[sflag:s28] =	ssyncadd.s32 $0xFFFFF400  }
0x49: {  	_ =	swait.ge [sflag:s28], $0xC00  }
0x4a: {  	[sflag:s28] =	ssyncset.done $0x0  }
0x4b: {  	[sflag:s28] =	ssyncadd.s32 $0xFFFFF400  }
0x4c: {  	_ =	swait.ge [sflag:s28], $0xC00  }
0x4d: {  	[sflag:s28] =	ssyncset.done $0x0  }
0x4e: {  	[sflag:s28] =	ssyncadd.s32 $0xFFFFF400  }
0x4f: {  	_ =	swait.ge [sflag:s28], $0xC00  }
0x50: {  	[sflag:s28] =	ssyncset.done $0x0  }
0x51: {  	[sflag:s28] =	ssyncadd.s32 $0xFFFFF400  }
0x52: {  	_ =	swait.ge [sflag:s28], $0xC00  }
0x53: {  	[sflag:s28] =	ssyncset.done $0x0  }
0x54: {  	[sflag:s28] =	ssyncadd.s32 $0xFFFFF400  }
0x55: {  	_ =	swait.ge [sflag:s28], $0xC00  }
0x56: {  	[sflag:s28] =	ssyncset.done $0x0  }
0x57: {  	[sflag:s28] =	ssyncadd.s32 $0xFFFFF400  }
0x58: {  	_ =	swait.ge [sflag:s28], $0xC00  }
0x59: {  	[sflag:s28] =	ssyncset.done $0x0  }
0x5a: {  	[sflag:s28] =	ssyncadd.s32 $0xFFFFF400  }
0x5b: {  	_ =	swait.ge [sflag:s28], $0xC00  }
0x5c: {  	[sflag:s28] =	ssyncset.done $0x0  }
0x5d: {  	[sflag:s28] =	ssyncadd.s32 $0xFFFFF400  }
0x5e: {  	_ =	swait.ge [sflag:s28], $0xC00  }
0x5f: {  	[sflag:s28] =	ssyncset.done $0x0  }
0x60: {  	[sflag:s28] =	ssyncadd.s32 $0xFFFFF400  }
0x61: {  	_ =	swait.ge [sflag:s28], $0xC00  }
0x62: {  	[sflag:s28] =	ssyncset.done $0x0  }
0x63: {  	[sflag:s28] =	ssyncadd.s32 $0xFFFFF400  }
0x64: {  	_ =	swait.ge [sflag:s28], $0xC00  }
0x65: {  	[sflag:s28] =	ssyncset.done $0x0  }
0x66: {  	[sflag:s28] =	ssyncadd.s32 $0xFFFFF400  }
0x67: {  	_ =	swait.ge [sflag:s28], $0xC00  }
0x68: {  	[sflag:s28] =	ssyncset.done $0x0  }
0x69: {  	s12 =	simm.s32 @!p0 $0x1;
	[sflag:s28] =	ssyncadd.s32 $0xFFFFF400  }
0x6a: {  	_ =	swait.ge @!p0 [sflag:s12], $0x400  }
0x6b: {  	[sflag:s12] =	ssyncset.done @!p0 $0x0  }
0x6c: {  	[sflag:s12] =	ssyncadd.s32 @!p0 $0xFFFFFC00  }
0x6d: {  	[bflag:$0x0] =	sbarrier.arrive $0xFFFF  }
0x6e: {  	_ =	swait.ge [sflag:s29], $0x5000  }
0x6f: {  	[sflag:s29] =	ssyncset.done $0x0  }
0x70: {  	[sflag:s29] =	ssyncadd.s32 $0xFFFFB000  }
0x71: {  	_ =	swait.ge [sflag:s29], $0x5000  }
0x72: {  	[sflag:s29] =	ssyncset.done $0x0  }
0x73: {  	s14 =	simm.s32 $0x0;
	[sflag:s29] =	ssyncadd.s32 $0xFFFFB000  }
0x74: {  	[tilespmem:s31], [sflag:$0x3] =	stream.indirect.gather [hbm4b:s7+s30], $0x40, s14, s30, $0xb8;
	[tilespmem:$0x1C540] =	vst v63  }
0x75: {  	s15 =	simm.s32 $0x80  }
0x76: {  	[tilespmem:s24], [sflag:$0x4] =	stream.indirect.gather [hbm4b:s7+s30], $0x40, s15, s30, $0xb8;
	[tilespmem:$0x1C540] =	vst v63  }
0x77: {  	s16 =	simm.s32 $0x100  }
0x78: {  	[tilespmem:s0], [sflag:$0x5] =	stream.indirect.gather [hbm4b:s7+s30], $0x40, s16, s30, $0xb8;
	[tilespmem:$0x1C540] =	vst v63  }
0x79: {  	s13 =	simm.s32 $0x180  }
0x7a: {  	[tilespmem:s1], [sflag:$0x6] =	stream.indirect.gather [hbm4b:s7+s30], $0x40, s13, s30, $0xb8;
	[tilespmem:$0x1C540] =	vst v63  }
0x7b: {  	_ =	swait.ge [sflag:s3], $0x1F40  }
0x7c: {  	[sflag:s3] =	ssyncset.done $0x0  }
0x7d: {  	s14 =	simm.s32 $0x5000;
	[sflag:s3] =	ssyncadd.s32 $0xFFFFE0C0  }
0x7e: {  	[spmem:s2] =	stream.indirect.scatter.add.f32 [tilespmem:s31], [sflag:$0x7], $0x40, s14, s30, $0xb8;
	[tilespmem:$0x1C540] =	vst v63  }
0x7f: {  	_ =	swait.ge [sflag:s4], $0x1F40  }
0x80: {  	[sflag:s4] =	ssyncset.done $0x0  }
0x81: {  	s15 =	simm.s32 $0x200;
	[sflag:s4] =	ssyncadd.s32 $0xFFFFE0C0  }
0x82: {  	[tilespmem:s31], [sflag:$0x3] =	stream.indirect.gather [hbm4b:s7+s30], $0x40, s15, s30, $0xb8;
	[tilespmem:$0x1C540] =	vst v63  }
0x83: {  	_ =	swait.ge [sflag:s5], $0x1F40  }
0x84: {  	[sflag:s5] =	ssyncset.done $0x0  }
0x85: {  	s16 =	simm.s32 $0x5080;
	[sflag:s5] =	ssyncadd.s32 $0xFFFFE0C0  }
0x86: {  	[spmem:s2] =	stream.indirect.scatter.add.f32 [tilespmem:s24], [sflag:$0x7], $0x40, s16, s30, $0xb8;
	[tilespmem:$0x1C540] =	vst v63  }
0x87: {  	_ =	swait.ge [sflag:s4], $0x1F40  }
0x88: {  	[sflag:s4] =	ssyncset.done $0x0  }
0x89: {  	s13 =	simm.s32 $0x280;
	[sflag:s4] =	ssyncadd.s32 $0xFFFFE0C0  }
0x8a: {  	[tilespmem:s24], [sflag:$0x4] =	stream.indirect.gather [hbm4b:s7+s30], $0x40, s13, s30, $0xb8;
	[tilespmem:$0x1C540] =	vst v63  }
0x8b: {  	_ =	swait.ge [sflag:s8], $0x1F40  }
0x8c: {  	[sflag:s8] =	ssyncset.done $0x0  }
0x8d: {  	s14 =	simm.s32 $0x5100;
	[sflag:s8] =	ssyncadd.s32 $0xFFFFE0C0  }
0x8e: {  	[spmem:s2] =	stream.indirect.scatter.add.f32 [tilespmem:s0], [sflag:$0x7], $0x40, s14, s30, $0xb8;
	[tilespmem:$0x1C540] =	vst v63  }
0x8f: {  	_ =	swait.ge [sflag:s4], $0x1F40  }
0x90: {  	[sflag:s4] =	ssyncset.done $0x0  }
0x91: {  	s15 =	simm.s32 $0x300;
	[sflag:s4] =	ssyncadd.s32 $0xFFFFE0C0  }
0x92: {  	[tilespmem:s0], [sflag:$0x5] =	stream.indirect.gather [hbm4b:s7+s30], $0x40, s15, s30, $0xb8;
	[tilespmem:$0x1C540] =	vst v63  }
0x93: {  	_ =	swait.ge [sflag:s9], $0x1F40  }
0x94: {  	[sflag:s9] =	ssyncset.done $0x0  }
0x95: {  	s16 =	simm.s32 $0x5180;
	[sflag:s9] =	ssyncadd.s32 $0xFFFFE0C0  }
0x96: {  	[spmem:s2] =	stream.indirect.scatter.add.f32 [tilespmem:s1], [sflag:$0x7], $0x40, s16, s30, $0xb8;
	[tilespmem:$0x1C540] =	vst v63  }
0x97: {  	_ =	swait.ge [sflag:s4], $0x1F40  }
0x98: {  	s12 =	simm.s32 $0x200;
	s13 =	simm.s32 $0x1000;
	[sflag:s4] =	ssyncset.done $0x0  }
.LBB2_4:
0x99: {  	s16 =	sadd.s32 $0x180, s12  }
0x9a: {  	[sflag:s4] =	ssyncadd.s32 $0xFFFFE0C0;
	s14 =	smov.u32 s13;
	s15 =	sadd.s32 $0x800, s13  }
0x9b: {  	[tilespmem:s1], [sflag:$0x6] =	stream.indirect.gather [hbm4b:s7+s30], $0x40, s16, s30, $0xb8;
	[tilespmem:$0x1C540] =	vst v63  }
0x9c: {  	p1 =	sne.s32 s13, $0x13000;
	_ =	swait.ge [sflag:s3], $0x1F40  }
0x9d: {  	[sflag:s3] =	ssyncset.done $0x0  }
0x9e: {  	s13 =	sadd.s32 $0x5000, s12;
	[sflag:s3] =	ssyncadd.s32 $0xFFFFE0C0  }
0x9f: {  	[spmem:s2] =	stream.indirect.scatter.add.f32 [tilespmem:s31], [sflag:$0x7], $0x40, s13, s30, $0xb8;
	[tilespmem:$0x1C540] =	vst v63  }
0xa0: {  	_ =	swait.ge [sflag:s4], $0x1F40  }
0xa1: {  	[sflag:s4] =	ssyncset.done $0x0  }
0xa2: {  	s13 =	sadd.s32 $0x200, s12;
	[sflag:s4] =	ssyncadd.s32 $0xFFFFE0C0  }
0xa3: {  	[tilespmem:s31], [sflag:$0x3] =	stream.indirect.gather [hbm4b:s7+s30], $0x40, s13, s30, $0xb8;
	[tilespmem:$0x1C540] =	vst v63  }
0xa4: {  	_ =	swait.ge [sflag:s5], $0x1F40  }
0xa5: {  	[sflag:s5] =	ssyncset.done $0x0  }
0xa6: {  	s13 =	sadd.s32 $0x5080, s12;
	[sflag:s5] =	ssyncadd.s32 $0xFFFFE0C0  }
0xa7: {  	[spmem:s2] =	stream.indirect.scatter.add.f32 [tilespmem:s24], [sflag:$0x7], $0x40, s13, s30, $0xb8;
	[tilespmem:$0x1C540] =	vst v63  }
0xa8: {  	_ =	swait.ge [sflag:s4], $0x1F40  }
0xa9: {  	[sflag:s4] =	ssyncset.done $0x0  }
0xaa: {  	s13 =	sadd.s32 $0x280, s12;
	[sflag:s4] =	ssyncadd.s32 $0xFFFFE0C0  }
0xab: {  	[tilespmem:s24], [sflag:$0x4] =	stream.indirect.gather [hbm4b:s7+s30], $0x40, s13, s30, $0xb8;
	[tilespmem:$0x1C540] =	vst v63  }
0xac: {  	_ =	swait.ge [sflag:s8], $0x1F40  }
0xad: {  	[sflag:s8] =	ssyncset.done $0x0  }
0xae: {  	s13 =	sadd.s32 $0x5100, s12;
	[sflag:s8] =	ssyncadd.s32 $0xFFFFE0C0  }
0xaf: {  	[spmem:s2] =	stream.indirect.scatter.add.f32 [tilespmem:s0], [sflag:$0x7], $0x40, s13, s30, $0xb8;
	[tilespmem:$0x1C540] =	vst v63  }
0xb0: {  	_ =	swait.ge [sflag:s4], $0x1F40  }
0xb1: {  	[sflag:s4] =	ssyncset.done $0x0  }
0xb2: {  	s13 =	sadd.s32 $0x300, s12;
	[sflag:s4] =	ssyncadd.s32 $0xFFFFE0C0  }
0xb3: {  	[tilespmem:s0], [sflag:$0x5] =	stream.indirect.gather [hbm4b:s7+s30], $0x40, s13, s30, $0xb8;
	[tilespmem:$0x1C540] =	vst v63  }
0xb4: {  	_ =	swait.ge [sflag:s9], $0x1F40  }
.Ltmp1:
0xb5: {  	[sflag:s9] =	ssyncset.done $0x0;
	(pc) =	sbr.rel @p1 .LBB2_4-.Ltmp1, $4  }
0xb6: {  	s12 =	sadd.s32 $0x5180, s12;
	[sflag:s9] =	ssyncadd.s32 $0xFFFFE0C0  }
0xb7: {  	[spmem:s2] =	stream.indirect.scatter.add.f32 [tilespmem:s1], [sflag:$0x7], $0x40, s12, s30, $0xb8;
	[tilespmem:$0x1C540] =	vst v63  }
0xb8: {  	_ =	swait.ge [sflag:s4], $0x1F40  }
0xb9: {  	s13 =	smov.u32 s15;
	s12 =	sshra.s32 s14, $0x2;
	[sflag:s4] =	ssyncset.done $0x0  }
0xba: {  	s13 =	sadd.s32 $0x180, s12;
	[sflag:s4] =	ssyncadd.s32 $0xFFFFE0C0  }
0xbb: {  	[tilespmem:s1], [sflag:$0x6] =	stream.indirect.gather [hbm4b:s7+s30], $0x40, s13, s30, $0xb8;
	[tilespmem:$0x1C540] =	vst v63  }
0xbc: {  	_ =	swait.ge [sflag:s3], $0x1F40  }
0xbd: {  	[sflag:s3] =	ssyncset.done $0x0  }
0xbe: {  	s16 =	sadd.s32 $0x5000, s12;
	[sflag:s3] =	ssyncadd.s32 $0xFFFFE0C0  }
0xbf: {  	[spmem:s2] =	stream.indirect.scatter.add.f32 [tilespmem:s31], [sflag:$0x7], $0x40, s16, s30, $0xb8;
	[tilespmem:$0x1C540] =	vst v63  }
0xc0: {  	_ =	swait.ge [sflag:s4], $0x1F40  }
0xc1: {  	[sflag:s4] =	ssyncset.done $0x0  }
0xc2: {  	s14 =	sadd.s32 $0x200, s12;
	[sflag:s4] =	ssyncadd.s32 $0xFFFFE0C0  }
0xc3: {  	[tilespmem:s31], [sflag:$0x3] =	stream.indirect.gather [hbm4b:s7+s30], $0x40, s14, s30, $0xb8;
	[tilespmem:$0x1C540] =	vst v63  }
0xc4: {  	_ =	swait.ge [sflag:s5], $0x1F40  }
0xc5: {  	[sflag:s5] =	ssyncset.done $0x0  }
0xc6: {  	s15 =	sadd.s32 $0x5080, s12;
	[sflag:s5] =	ssyncadd.s32 $0xFFFFE0C0  }
0xc7: {  	[spmem:s2] =	stream.indirect.scatter.add.f32 [tilespmem:s24], [sflag:$0x7], $0x40, s15, s30, $0xb8;
	[tilespmem:$0x1C540] =	vst v63  }
0xc8: {  	_ =	swait.ge [sflag:s4], $0x1F40  }
0xc9: {  	[sflag:s4] =	ssyncset.done $0x0  }
0xca: {  	s16 =	sadd.s32 $0x280, s12;
	[sflag:s4] =	ssyncadd.s32 $0xFFFFE0C0  }
0xcb: {  	[tilespmem:s24], [sflag:$0x4] =	stream.indirect.gather [hbm4b:s7+s30], $0x40, s16, s30, $0xb8;
	[tilespmem:$0x1C540] =	vst v63  }
0xcc: {  	_ =	swait.ge [sflag:s8], $0x1F40  }
0xcd: {  	[sflag:s8] =	ssyncset.done $0x0  }
0xce: {  	s14 =	sadd.s32 $0x5100, s12;
	[sflag:s8] =	ssyncadd.s32 $0xFFFFE0C0  }
0xcf: {  	[spmem:s2] =	stream.indirect.scatter.add.f32 [tilespmem:s0], [sflag:$0x7], $0x40, s14, s30, $0xb8;
	[tilespmem:$0x1C540] =	vst v63  }
0xd0: {  	_ =	swait.ge [sflag:s4], $0x1F40  }
0xd1: {  	[sflag:s4] =	ssyncset.done $0x0  }
0xd2: {  	s15 =	sadd.s32 $0x300, s12;
	[sflag:s4] =	ssyncadd.s32 $0xFFFFE0C0  }
0xd3: {  	[tilespmem:s0], [sflag:$0x5] =	stream.indirect.gather [hbm4b:s7+s30], $0x40, s15, s30, $0xb8;
	[tilespmem:$0x1C540] =	vst v63  }
0xd4: {  	_ =	swait.ge [sflag:s9], $0x1F40  }
0xd5: {  	[sflag:s9] =	ssyncset.done $0x0  }
0xd6: {  	s16 =	sadd.s32 $0x5180, s12;
	[sflag:s9] =	ssyncadd.s32 $0xFFFFE0C0  }
0xd7: {  	[spmem:s2] =	stream.indirect.scatter.add.f32 [tilespmem:s1], [sflag:$0x7], $0x40, s16, s30, $0xb8;
	[tilespmem:$0x1C540] =	vst v63  }
0xd8: {  	_ =	swait.ge [sflag:s4], $0x1F40  }
0xd9: {  	[sflag:s4] =	ssyncset.done $0x0  }
0xda: {  	s13 =	simm.s32 $0x4F80;
	[sflag:s4] =	ssyncadd.s32 $0xFFFFE0C0  }
0xdb: {  	[tilespmem:s1], [sflag:$0x6] =	stream.indirect.gather [hbm4b:s7+s30], $0x40, s13, s30, $0xb8;
	[tilespmem:$0x1C540] =	vst v63  }
0xdc: {  	_ =	swait.ge [sflag:s3], $0x1F40  }
0xdd: {  	[sflag:s3] =	ssyncset.done $0x0  }
0xde: {  	s14 =	simm.s32 $0x9E00;
	[sflag:s3] =	ssyncadd.s32 $0xFFFFE0C0  }
0xdf: {  	[spmem:s2] =	stream.indirect.scatter.add.f32 [tilespmem:s31], [sflag:$0x7], $0x40, s14, s30, $0xb8;
	[tilespmem:$0x1C540] =	vst v63  }
0xe0: {  	_ =	swait.ge [sflag:s4], $0x1F40  }
0xe1: {  	[sflag:s4] =	ssyncset.done $0x0  }
0xe2: {  	[sflag:s4] =	ssyncadd.s32 $0xFFFFE0C0  }
0xe3: {  	_ =	swait.ge [sflag:s5], $0x1F40  }
0xe4: {  	[sflag:s5] =	ssyncset.done $0x0  }
0xe5: {  	s15 =	simm.s32 $0x9E80;
	[sflag:s5] =	ssyncadd.s32 $0xFFFFE0C0  }
0xe6: {  	[spmem:s2] =	stream.indirect.scatter.add.f32 [tilespmem:s24], [sflag:$0x7], $0x40, s15, s30, $0xb8;
	[tilespmem:$0x1C540] =	vst v63  }
0xe7: {  	_ =	swait.ge [sflag:s4], $0x1F40  }
0xe8: {  	[sflag:s4] =	ssyncset.done $0x0  }
0xe9: {  	[sflag:s4] =	ssyncadd.s32 $0xFFFFE0C0  }
0xea: {  	_ =	swait.ge [sflag:s8], $0x1F40  }
0xeb: {  	[sflag:s8] =	ssyncset.done $0x0  }
0xec: {  	s16 =	simm.s32 $0x9F00;
	[sflag:s8] =	ssyncadd.s32 $0xFFFFE0C0  }
0xed: {  	[spmem:s2] =	stream.indirect.scatter.add.f32 [tilespmem:s0], [sflag:$0x7], $0x40, s16, s30, $0xb8;
	[tilespmem:$0x1C540] =	vst v63  }
0xee: {  	_ =	swait.ge [sflag:s4], $0x1F40  }
0xef: {  	[sflag:s4] =	ssyncset.done $0x0  }
0xf0: {  	[sflag:s4] =	ssyncadd.s32 $0xFFFFE0C0  }
0xf1: {  	_ =	swait.ge [sflag:s9], $0x1F40  }
0xf2: {  	[sflag:s9] =	ssyncset.done $0x0  }
0xf3: {  	s13 =	simm.s32 $0x9F80;
	[sflag:s9] =	ssyncadd.s32 $0xFFFFE0C0  }
0xf4: {  	[spmem:s2] =	stream.indirect.scatter.add.f32 [tilespmem:s1], [sflag:$0x7], $0x40, s13, s30, $0xb8;
	[tilespmem:$0x1C540] =	vst v63  }
0xf5: {  	_ =	swait.ge [sflag:s4], $0x1F40  }
0xf6: {  	[sflag:s4] =	ssyncset.done $0x0  }
0xf7: {  	s14 =	stileid.u32;
	[sflag:s4] =	ssyncadd.s32 $0xFFFFE0C0  }
0xf8: {  	s12 =	sshll.u32 s14, $0x6;
	[bflag:$0x0] =	sbarrier.arrive $0xFFFF  }
0xf9: {  	s12 =	sor.u32 $0x1C07, s12;
	s15 =	rddreg [dreg:$0x6]  }
0xfa: {  	[hbm:s15], [sflag:s12] =	dma.local [spmem:s25], $0x1380  }
0xfb: {  	_ =	swait.ge [sflag:s4], $0x1380  }
0xfc: {  	[sflag:s4] =	ssyncset.done $0x0  }
0xfd: {  	s13 =	sshrl.u32 @!p0 s6, $0x3;
	s14 =	rddreg [dreg:$0x7];
	[sflag:s4] =	ssyncadd.s32 $0xFFFFEC80  }
0xfe: {  	[hbm:s14], [sflag:s12] =	dma.local @!p0 [spmem:s13], $0x80  }
0xff: {  	s12 =	simm.s32 @!p0 $0x7  }
0x100: {  	_ =	swait.ge @!p0 [sflag:s12], $0x80  }
0x101: {  	s10 =	sadd.s32 $0x1, s10;
	s16 =	rddreg [dreg:$0x8]  }
0x102: {  	p1 =	sne.s32 s10, s16  }
.Ltmp2:
0x103: {  	_ = 	snop;
	(pc) =	sbr.rel @p1 .LBB2_1-.Ltmp2, $3  }
0x104: {  	_ =	sdelay $0x1  }
0x105: {  	[sflag:s12] =	ssyncset.done @!p0 $0x0  }
0x106: {  	[sflag:s12] =	ssyncadd.s32 @!p0 $0xFFFFFF80  }
0x107: {  	_ =	sfence.sel $0x180000  }
0x108: {  	[bflag:$0x0] =	sbarrier.arrive $0xFFFF  }
0x109: {  	_ =	strace $0x9000004A  }
0x10a: {  	s0 =	stileid.u32;
	[bflag:$0x2] =	sbarrier.arrive $0xFFFF  }
0x10b: {  	p0 =	sne.s32 s0, $0x0;
	s0 =	rddreg [dreg:$0x3]  }
0x10c: {  	s0 =	sadd.s32 @!p0 $0x100000, s0  }
0x10d: {  	[sflag:s0] =	ssyncadd.tile.s32 @!p0 $0x1;
	_ =	shalt  }
.Lfunc_end2:
_tile_overlayer_lowered:
.L_overlay_start_2:
0x10e: {  	(tag) =	ssettag $0x2  }
0x10f: {  	s0 =	rddreg [dreg:$0x0];
	s2 =	stileid.u32  }
0x110: {  	s1 =	rddreg [dreg:$0x1];
	p0 =	sne.s32 s2, $0x0  }
0x111: {  	s3 =	rddreg [dreg:$0x2];
	[bflag:$0x3] =	sbarrier.arrive $0xFFFF;
	s2 =	simm.s32 @!p0 $0x1C07  }
0x112: {  	[timem:s3], [sflag:s2] =	dma.local @!p0 [hbm:s0], s1  }
0x113: {  	s0 =	simm.s32 @!p0 $0x7  }
0x114: {  	_ =	swait.ge @!p0 [sflag:s0], s1  }
0x115: {  	s1 =	ssub.s32 @!p0 $0x0, s1;
	[sflag:s0] =	ssyncset.done @!p0 $0x0  }
0x116: {  	[sflag:s0] =	ssyncadd.s32 @!p0 s1  }
0x117: {  	[bflag:$0x3] =	sbarrier.arrive $0xFFFF  }
0x118: {  	_ =	shalt  }

// kernel: kernel.14.cloned.1.call-start
scs
__scs_entry_jumppad:
0x0: {  	(pc) =	sbr.rel $0x88, $3  }
0x1: {  	(tag) =	ssettag $0x0;
	lr =	simm.s32 $0x1  }
0x2: {  	[smem:$0x3F99] =	sst lr;
	_ =	strace $0xD0000000  }
0x3: {  	_ = 	snop  }
0x4: {  	_ = 	snop  }
0x5: {  	_ = 	snop  }
0x6: {  	_ = 	snop  }
0x7: {  	_ = 	snop  }
__scs_overlays_trampoline_lowered:
0x8: {  	[smem:$0x3FA8] =	sst s0  }
0x9: {  	[smem:$0x3FA9] =	sst s1  }
0xa: {  	[smem:$0x3FAA] =	sst s2  }
0xb: {  	[smem:$0x3FAB] =	sst s3  }
0xc: {  	[smem:$0x3FAC] =	sst s4  }
0xd: {  	[smem:$0x3FAD] =	sst s5  }
0xe: {  	[smem:$0x3FAE] =	sst s6  }
0xf: {  	[smem:$0x3FAF] =	sst s7  }
0x10: {  	[smem:$0x3FB0] =	sst s8  }
0x11: {  	[smem:$0x3FB1] =	sst s9;
	s0 =	simm.s32 @!p0 $0x0  }
0x12: {  	s1 =	sld [smem:$0x3F97];
	s0 =	simm.s32 @p0 $0x1  }
0x13: {  	[smem:$0x3FB2] =	sst s0;
	s0 =	simm.s32 @!p1 $0x0  }
0x14: {  	s2 =	sld [smem:$0x3F96];
	s0 =	simm.s32 @p1 $0x1  }
0x15: {  	[smem:$0x3FB3] =	sst s0;
	s0 =	simm.s32 @!p2 $0x0  }
0x16: {  	s3 =	sld [smem:$0x3FDB];
	s0 =	simm.s32 @p2 $0x1  }
0x17: {  	s4 =	simm.s32 $0x1BF5;
	[smem:$0x3FB5] =	sst s0  }
0x18: {  	s0 =	sld [smem:$0x3F98];
	_ =	swait.ge [sflag:s4], $0x0  }
0x19: {  	s7 =	sld [smem:$0x3F99]  }
0x1a: {  	s8 =	sadd.s32 $0xFFFFE003, lr  }
0x1b: {  	s9 =	sadd.s32 $0xFFFFFEF7, lr;
	s5 =	simm.s32 $0xFFFFFFFF;
	p2 =	slt.u32 s8, $0xFFFFF086  }
0x1c: {  	p1 =	slt.u32 s9, $0xF7A;
	s5 =	simm.s32 @!p2 $0x0  }
0x1d: {  	s5 =	simm.s32 @p1 $0x1;
	p0 =	seq.s32 s7, s2  }
0x1e: {  	s7 =	smul.u32 @!p0 $0xF7A, s2;
	p2 =	seq.s32 @!p0 s5, $0x0  }
0x1f: {  	s9 =	smul.u32 $0xF7A, s1;
	s8 =	simm.s32 @!p0 $0x1BF5;
	p2 =	por !p2, p0  }
0x20: {  	[sflag:s8] =	ssyncset.s32 @!p0 $0xFFFFF086;
	s6 =	sadd.s32 @!p0 s3, s7;
	s7 =	simm.s32 @!p0 $0x108  }
0x21: {  	s3 =	sadd.s32 s3, s9;
	s6 =	sadd.s32 @!p0 $0x88, s6;
	s7 =	simm.s32 @p2 $0x1082  }
0x22: {  	[simem:s7], [sflag:s8] =	dma.local @!p0 [hbm:s6], $0xF7A  }
0x23: {  	s9 =	sor.u32 $0xD0000000, s2;
	s6 =	simm.s32 $0x108;
	_ =	swait.ge @!p0 [sflag:s8], $0x0  }
0x24: {  	s3 =	sadd.s32 $0x88, s3;
	s6 =	simm.s32 @!p1 $0x1082;
	[sflag:s4] =	ssyncset.s32 $0xFFFFF086  }
0x25: {  	[simem:s6], [sflag:s4] =	dma.local [hbm:s3], $0xF7A  }
0x26: {  	[smem:$0x3F99] =	sst s1;
	(tag) =	ssettag s2;
	_ =	strace s9  }
0x27: {  	s1 =	sld [smem:$0x3FA9]  }
0x28: {  	s2 =	sld [smem:$0x3FAA]  }
0x29: {  	s4 =	sld [smem:$0x3FAC]  }
0x2a: {  	p0 =	seq.s32 s5, $0x0;
	s5 =	sld [smem:$0x3FAD]  }
0x2b: {  	s6 =	sld [smem:$0x3FAE]  }
0x2c: {  	s7 =	sld [smem:$0x3FAF]  }
0x2d: {  	s3 =	simm.s32 $0x108;
	s8 =	sld [smem:$0x3FB0]  }
0x2e: {  	s3 =	simm.s32 @!p0 $0x1082;
	s9 =	sld [smem:$0x3FB1]  }
0x2f: {  	lr =	sadd.s32 s0, s3;
	s0 =	sld [smem:$0x3FA8]  }
0x30: {  	s3 =	sld [smem:$0x3FAB]  }
0x31: {  	[smem:$0x3FB4] =	sst s10  }
0x32: {  	s10 =	sld [smem:$0x3FB2];
	_ =	sdelay $0x3  }
0x33: {  	p0 =	seq.s32 s10, $0x1;
	s10 =	sld [smem:$0x3FB4];
	_ =	sdelay $0x3  }
0x34: {  	[smem:$0x3FB4] =	sst s10  }
0x35: {  	s10 =	sld [smem:$0x3FB3];
	_ =	sdelay $0x3  }
0x36: {  	p1 =	seq.s32 s10, $0x1;
	s10 =	sld [smem:$0x3FB4];
	_ =	sdelay $0x3  }
0x37: {  	[smem:$0x3FB4] =	sst s10  }
0x38: {  	s10 =	sld [smem:$0x3FB5]  }
0x39: {  	_ = 	snop;
	(pc) =	sbr.ind lr, $3  }
0x3a: {  	_ = 	snop  }
0x3b: {  	_ = 	snop  }
0x3c: {  	p2 =	seq.s32 s10, $0x1;
	s10 =	sld [smem:$0x3FB4]  }
0x3d: {  	_ =	shalt  }
0x3e: {  	_ =	shalt  }
0x3f: {  	_ =	shalt  }
0x40: {  	_ =	shalt  }
0x41: {  	_ =	shalt  }
0x42: {  	_ =	shalt  }
0x43: {  	_ =	shalt  }
0x44: {  	_ =	shalt  }
0x45: {  	_ =	shalt  }
0x46: {  	_ =	shalt  }
0x47: {  	_ =	shalt  }
0x48: {  	_ =	shalt  }
0x49: {  	_ =	shalt  }
0x4a: {  	_ =	shalt  }
0x4b: {  	_ =	shalt  }
0x4c: {  	_ =	shalt  }
0x4d: {  	_ =	shalt  }
0x4e: {  	_ =	shalt  }
0x4f: {  	_ =	shalt  }
0x50: {  	_ =	shalt  }
0x51: {  	_ =	shalt  }
0x52: {  	_ =	shalt  }
0x53: {  	_ =	shalt  }
0x54: {  	_ =	shalt  }
0x55: {  	_ =	shalt  }
0x56: {  	_ =	shalt  }
0x57: {  	_ =	shalt  }
0x58: {  	_ =	shalt  }
0x59: {  	_ =	shalt  }
0x5a: {  	_ =	shalt  }
0x5b: {  	_ =	shalt  }
0x5c: {  	_ =	shalt  }
0x5d: {  	_ =	shalt  }
0x5e: {  	_ =	shalt  }
0x5f: {  	_ =	shalt  }
0x60: {  	_ =	shalt  }
0x61: {  	_ =	shalt  }
0x62: {  	_ =	shalt  }
0x63: {  	_ =	shalt  }
0x64: {  	_ =	shalt  }
0x65: {  	_ =	shalt  }
0x66: {  	_ =	shalt  }
0x67: {  	_ =	shalt  }
0x68: {  	_ =	shalt  }
0x69: {  	_ =	shalt  }
0x6a: {  	_ =	shalt  }
0x6b: {  	_ =	shalt  }
0x6c: {  	_ =	shalt  }
0x6d: {  	_ =	shalt  }
0x6e: {  	_ =	shalt  }
0x6f: {  	_ =	shalt  }
0x70: {  	_ =	shalt  }
0x71: {  	_ =	shalt  }
0x72: {  	_ =	shalt  }
0x73: {  	_ =	shalt  }
0x74: {  	_ =	shalt  }
0x75: {  	_ =	shalt  }
0x76: {  	_ =	shalt  }
0x77: {  	_ =	shalt  }
0x78: {  	_ =	shalt  }
0x79: {  	_ =	shalt  }
0x7a: {  	_ =	shalt  }
0x7b: {  	_ =	shalt  }
0x7c: {  	_ =	shalt  }
0x7d: {  	_ =	shalt  }
0x7e: {  	_ =	shalt  }
0x7f: {  	_ =	shalt  }
0x80: {  	_ =	shalt  }
0x81: {  	_ =	shalt  }
0x82: {  	_ =	shalt  }
0x83: {  	_ =	shalt  }
0x84: {  	_ =	shalt  }
0x85: {  	_ =	shalt  }
0x86: {  	_ =	shalt  }
0x87: {  	_ =	shalt  }
.Lfunc_end0:
.L_simem_size_0:
called_computation.2_lowered:
.L_overlay_start_0:
0x88: {  	s2 =	sld [smem:$0x3FD9]  }
0x89: {  	s3 =	sld [smem:$0x3FFE];
	_ =	sdelay $0x1  }
0x8a: {  	s1 =	srdreg.scid  }
0x8b: {  	s0 =	sand.u32 $0x1, s1  }
0x8c: {  	s17 =	sshll.u32 s0, $0xA;
	s2 =	sadd.s32 s3, s2  }
0x8d: {  	s2 =	sadd.s32 s2, s17  }
0x8e: {  	[smem:$0x3FC0] =	sst s2  }
0x8f: {  	_ = 	snop  }
0x90: {  	s2 =	sld [smem:$0x3FD0];
	(tm) =	ssettm $0x1  }
0x91: {  	s18 =	sld [smem:$0x3FFB];
	_ =	sdelay $0x3  }
0x92: {  	_ =	strace s18  }
0x93: {  	s3 =	sld [smem:$0x3FFC];
	_ =	sdelay $0x3  }
0x94: {  	_ =	strace s3  }
0x95: {  	s3 =	sld [smem:$0x3FFD];
	_ =	sdelay $0x3  }
0x96: {  	_ =	strace s3  }
0x97: {  	_ =	strace $0x8FFFFFFF  }
0x98: {  	s19 =	sld [smem:$0x3FDB];
	_ =	sdelay $0x1  }
0x99: {  	s4 =	simm.s32 $_scs_section_size  }
0x9a: {  	s5 =	simm.s32 $_size__tile_overlayer_lowered;
	s6 =	simm.s32 $_tile_overlayer_lowered  }
0x9b: {  	s22 =	simm.s32 $0x1BFF;
	s21 =	sshll.u32 s6, $0x1;
	s3 =	sadd.s32 s4, s19  }
0x9c: {  	s7 =	simm.s32 $0x0;
	s20 =	sshll.u32 s5, $0x1;
	s5 =	sadd.s32 s21, s3  }
0x9d: {  	[timem:s7], [sflag:s22] =	dma.local [hbm:s5], s20  }
0x9e: {  	_ =	swait.ge [sflag:s22], s20  }
0x9f: {  	s4 =	ssub.s32 $0x0, s20;
	[sflag:s22] =	ssyncset.done $0x0  }
0xa0: {  	[sflag:s22] =	ssyncadd.s32 s4;
	_ =	sdelay $0x1  }
0xa1: {  	s23 =	simm.s32 $0x1B8B  }
0xa2: {  	_ =	swait.ge [sflag:s23], $0x1  }
0xa3: {  	[sflag:s23] =	ssyncset.done $0x0  }
0xa4: {  	s25 =	simm.s32 $0x1B8E;
	s24 =	sld [smem:$0x3FFE];
	[sflag:s23] =	ssyncadd.s32 $0xFFFFFFFF  }
0xa5: {  	s26 =	simm.s32 $execute0_lowered;
	[smem:$0x3FD2] =	sst s25  }
0xa6: {  	s5 =	sshll.u32 s26, $0x1;
	_ =	strace $0x8000004C;
	[dreg:$0x1] =	wrdreg $0xFFFFFFFF  }
0xa7: {  	s28 =	simm.s32 $_size_execute0_lowered;
	s3 =	sadd.s32 s3, s5;
	[dreg:$0x0] =	wrdreg $0x0  }
0xa8: {  	s5 =	sshll.u32 s28, $0x1;
	[dreg:$0x2] =	wrdreg s3  }
0xa9: {  	[dreg:$0x3] =	wrdreg s5  }
0xaa: {  	[dreg:$0x4] =	wrdreg $0xC0  }
0xab: {  	_ =	task [dreg:s7], $0x5FFFF  }
0xac: {  	[dreg:$0x1] =	wrdreg $0xFFFFFFFF  }
0xad: {  	[dreg:$0x0] =	wrdreg $0x60  }
0xae: {  	[dreg:$0x2] =	wrdreg s2  }
0xaf: {  	[dreg:$0x3] =	wrdreg s24  }
0xb0: {  	[dreg:$0x4] =	wrdreg $0x129000  }
0xb1: {  	[dreg:$0x5] =	wrdreg $0x9  }
0xb2: {  	_ =	task.clear_ibuf [dreg:s7], $0x6FFFF;
	_ =	strace $0x9000004C  }
0xb3: {  	s29 =	simm.s32 $0x9;
	_ =	strace $0x8000004E  }
0xb4: {  	_ =	swait.ge [sflag:s29], $0x1  }
0xb5: {  	[sflag:s29] =	ssyncadd.s32 $0xFFFFFFFF  }
0xb6: {  	_ =	strace $0x9000004E  }
0xb7: {  	_ =	sfence  }
0xb8: {  	s30 =	sld [smem:$0x0];
	_ =	sdelay $0x2  }
0xb9: {  	s31 =	sshll.u32 s1, $0xD;
	s1 =	sshrl.u32 s1, $0x2  }
0xba: {  	s3 =	sand.u32 $0x4000, s31;
	s1 =	sadd.s32 s1, s30  }
0xbb: {  	s0 =	sor.u32 s3, s0;
	s1 =	sshll.u32 s1, $0x11  }
0xbc: {  	s0 =	sor.u32 s1, s0  }
0xbd: {  	s0 =	sadd.s32 $0x8F2B, s0  }
0xbe: {  	[sflag:s0] =	ssyncadd.remote.s32 $0x1  }
0xbf: {  	_ =	sfence.sel $0xFFFF  }
0xc0: {  	[dreg:$0x0] =	wrdreg $0xFFFFFFFF;
	(pc) =	sbr.abs _section_cstart, $3  }
0xc1: {  	[dreg:$0x1] =	wrdreg $0xFFFFFFFF  }
0xc2: {  	_ =	task.clear_ibuf [dreg:s7], $0x2FFFF;
	_ =	strace $0x9FFFFFFF  }
0xc3: {  	(tm) =	ssettm $0x7FFFFFFF  }
tec
execute0_lowered:
.L_overlay_start_1:
0x0: {  	(tag) =	ssettag $0x1  }
0x1: {  	s0 =	rddreg [dreg:$0x0]  }
0x2: {  	s1 =	rddreg [dreg:$0x1]  }
0x3: {  	s2 =	rddreg [dreg:$0x2];
	s4 =	simm.s32 $0x0;
	s10 =	stileid.u32  }
0x4: {  	s3 =	srdreg.scid;
	s28 =	simm.s32 $0x1;
	s29 =	simm.s32 $0x2  }
0x5: {  	s30 =	simm.s32 $0x7D;
	s31 =	simm.s32 $0xA000;
	s12 =	smul.u32 $0x5000, s10  }
0x6: {  	[smem:$0x7FF] =	sst s4;
	s3 =	sand.u32 $0x1, s3;
	s8 =	smul.u32 $0x9C00, s10  }
0x7: {  	s9 =	smul.u32 $0x27000, s10;
	p0 =	sne.s32 s10, $0xF;
	s10 =	simm.s32 $0x0  }
0x8: {  	_ =	strace $0x8000004D;
	s5 =	ssub.s32 $0x2, s3;
	s3 =	smul.u32 $0x9C400, s3  }
0x9: {  	s4 =	sshrl.u32 s12, $0x3;
	s6 =	sshrl.u32 s5, $0x1;
	s16 =	sadd.s32 s8, s2  }
0xa: {  	s20 =	sshrl.u32 s9, $0x2;
	s9 =	simm.s32 $0x6;
	s4 =	sadd.s32 s4, s1  }
0xb: {  	s1 =	sadd.s32 $0x16E00, s1;
	s5 =	ssub.s32 s5, s6;
	s14 =	sadd.s32 s8, s3  }
0xc: {  	s3 =	sshrl.u32 s3, $0x3;
	s6 =	sadd.s32 $0x9C000, s2;
	s11 =	sadd.s32 s20, s2  }
0xd: {  	s8 =	simm.s32 $0x5;
	s13 =	sadd.s32 $0x2E00, s4;
	s4 =	sadd.s32 $0xCE00, s4  }
0xe: {  	s7 =	sadd.s32 s0, s3;
	s21 =	smax.u32 s5, $0x1;
	[dreg:$0x4] =	wrdreg s13  }
0xf: {  	s22 =	sadd.s32 $0xC00, s11;
	s23 =	sadd.s32 $0x1800, s11;
	[dreg:$0x5] =	wrdreg s4  }
0x10: {  	s24 =	sadd.s32 $0x2400, s11;
	s25 =	sadd.s32 $0x3000, s11;
	[dreg:$0x8] =	wrdreg s21  }
0x11: {  	s26 =	sadd.s32 $0x3C00, s11;
	s17 =	sadd.s32 $0x4800, s11;
	[dreg:$0x9] =	wrdreg s22  }
0x12: {  	s18 =	sadd.s32 $0x5400, s11;
	s19 =	sadd.s32 $0x6000, s11;
	[dreg:$0xa] =	wrdreg s23  }
0x13: {  	s20 =	sadd.s32 $0x6C00, s11;
	s0 =	simm.s32 $0xDE80;
	[dreg:$0xb] =	wrdreg s24  }
0x14: {  	s5 =	simm.s32 $0x4;
	s4 =	sshrl.u32 s14, $0x3;
	[dreg:$0xc] =	wrdreg s25  }
0x15: {  	[dreg:$0xd] =	wrdreg s26;
	s21 =	sadd.s32 $0x7800, s11;
	s22 =	sadd.s32 $0x8400, s11  }
0x16: {  	s23 =	sadd.s32 $0x9000, s11;
	s25 =	sshrl.u32 s16, $0x3;
	s26 =	simm.s32 $0x11D00  }
0x17: {  	s24 =	simm.s32 $0xBF40;
	s15 =	sadd.s32 s1, s4;
	s1 =	sadd.s32 s1, s3  }
0x18: {  	s3 =	simm.s32 $0x3;
	[dreg:$0x6] =	wrdreg s15;
	s1 =	sadd.s32 $0x13800, s1  }
0x19: {  	v0 =	vimm.f32 $0.0e+00;
	s4 =	simm.s32 $0x7;
	[dreg:$0x7] =	wrdreg s1;
	s1 =	simm.s32 $0xFDC0  }
.LBB2_1:
0x1a: {  	s12 =	simm.s32 $0x0;
	s13 =	rddreg [dreg:$0x4]  }
0x1b: {  	[tilespmem:s12], [sflag:$0x2] =	stream.linear.gather [hbm4b:s13+s12], $0x5000, $0x38;
	[tilespmem:$0x1C540] =	vst v63  }
0x1c: {  	s16 =	rddreg [dreg:$0x5];
	s14 =	simm.s32 $0x5000  }
0x1d: {  	[tilespmem:s14], [sflag:$0x2] =	stream.linear.gather [hbm4b:s16+s12], $0x5000, $0x38;
	[tilespmem:$0x1C540] =	vst v63  }
0x1e: {  	s13 =	simm.s32 $0x100;
	s12 =	simm.s32 $0x0  }
.LBB2_2:
0x1f: {  	p1 =	sne.s32 s13, $0x2F00;
	[tilespmem:s12+$0x11D30] =	vst v0;
	s14 =	smov.u32 s13;
	s13 =	sadd.s32 $0x100, s13  }
.Ltmp0:
0x20: {  	[tilespmem:s12+$0x11D20] =	vst v0;
	(pc) =	sbr.rel @p1 .LBB2_2-.Ltmp0, $3  }
0x21: {  	[tilespmem:s12+$0x11D00] =	vst v0  }
0x22: {  	[tilespmem:s12+$0x11D10] =	vst v0;
	_ =	sdelay $0x1  }
0x23: {  	s12 =	sshra.s32 s14, $0x2  }
0x24: {  	[tilespmem:s12+$0x11D30] =	vst v0  }
0x25: {  	[tilespmem:s12+$0x11D20] =	vst v0  }
0x26: {  	[tilespmem:s12+$0x11D00] =	vst v0  }
0x27: {  	[tilespmem:s12+$0x11D10] =	vst v0  }
0x28: {  	[spmem:s11] =	stream.linear.scatter [tilespmem:s26], [sflag:$0x1], $0xC00, $0x38;
	[tilespmem:$0x1C540] =	vst v63  }
0x29: {  	s13 =	rddreg [dreg:$0x9]  }
0x2a: {  	[spmem:s13] =	stream.linear.scatter [tilespmem:s26], [sflag:$0x1], $0xC00, $0x38;
	[tilespmem:$0x1C540] =	vst v63  }
0x2b: {  	s14 =	rddreg [dreg:$0xa]  }
0x2c: {  	[spmem:s14] =	stream.linear.scatter [tilespmem:s26], [sflag:$0x1], $0xC00, $0x38;
	[tilespmem:$0x1C540] =	vst v63  }
0x2d: {  	s15 =	rddreg [dreg:$0xb]  }
0x2e: {  	[spmem:s15] =	stream.linear.scatter [tilespmem:s26], [sflag:$0x1], $0xC00, $0x38;
	[tilespmem:$0x1C540] =	vst v63  }
0x2f: {  	s16 =	rddreg [dreg:$0xc]  }
0x30: {  	[spmem:s16] =	stream.linear.scatter [tilespmem:s26], [sflag:$0x1], $0xC00, $0x38;
	[tilespmem:$0x1C540] =	vst v63  }
0x31: {  	s13 =	rddreg [dreg:$0xd]  }
0x32: {  	[spmem:s13] =	stream.linear.scatter [tilespmem:s26], [sflag:$0x1], $0xC00, $0x38;
	[tilespmem:$0x1C540] =	vst v63  }
0x33: {  	_ = 	snop  }
0x34: {  	[spmem:s17] =	stream.linear.scatter [tilespmem:s26], [sflag:$0x1], $0xC00, $0x38;
	[tilespmem:$0x1C540] =	vst v63  }
0x35: {  	_ = 	snop  }
0x36: {  	[spmem:s18] =	stream.linear.scatter [tilespmem:s26], [sflag:$0x1], $0xC00, $0x38;
	[tilespmem:$0x1C540] =	vst v63  }
0x37: {  	_ = 	snop  }
0x38: {  	[spmem:s19] =	stream.linear.scatter [tilespmem:s26], [sflag:$0x1], $0xC00, $0x38;
	[tilespmem:$0x1C540] =	vst v63  }
0x39: {  	_ = 	snop  }
0x3a: {  	[spmem:s20] =	stream.linear.scatter [tilespmem:s26], [sflag:$0x1], $0xC00, $0x38;
	[tilespmem:$0x1C540] =	vst v63  }
0x3b: {  	_ = 	snop  }
0x3c: {  	[spmem:s21] =	stream.linear.scatter [tilespmem:s26], [sflag:$0x1], $0xC00, $0x38;
	[tilespmem:$0x1C540] =	vst v63  }
0x3d: {  	_ = 	snop  }
0x3e: {  	[spmem:s22] =	stream.linear.scatter [tilespmem:s26], [sflag:$0x1], $0xC00, $0x38;
	[tilespmem:$0x1C540] =	vst v63  }
0x3f: {  	_ = 	snop  }
0x40: {  	[spmem:s23] =	stream.linear.scatter [tilespmem:s26], [sflag:$0x1], $0xC00, $0x38;
	[tilespmem:$0x1C540] =	vst v63  }
0x41: {  	s12 =	simm.s32 @!p0 $0x11D00  }
0x42: {  	[spmem:s6] =	stream.linear.scatter @!p0 [tilespmem:s12], [sflag:$0x1], $0x400, $0x38;
	[tilespmem:$0x1C540] =	vst v63  }
0x43: {  	_ =	swait.ge [sflag:s28], $0xC00  }
0x44: {  	[sflag:s28] =	ssyncset.done $0x0  }
0x45: {  	[sflag:s28] =	ssyncadd.s32 $0xFFFFF400  }
0x46: {  	_ =	swait.ge [sflag:s28], $0xC00  }
0x47: {  	[sflag:s28] =	ssyncset.done $0x0  }
0x48: {  	[sflag:s28] =	ssyncadd.s32 $0xFFFFF400  }
0x49: {  	_ =	swait.ge [sflag:s28], $0xC00  }
0x4a: {  	[sflag:s28] =	ssyncset.done $0x0  }
0x4b: {  	[sflag:s28] =	ssyncadd.s32 $0xFFFFF400  }
0x4c: {  	_ =	swait.ge [sflag:s28], $0xC00  }
0x4d: {  	[sflag:s28] =	ssyncset.done $0x0  }
0x4e: {  	[sflag:s28] =	ssyncadd.s32 $0xFFFFF400  }
0x4f: {  	_ =	swait.ge [sflag:s28], $0xC00  }
0x50: {  	[sflag:s28] =	ssyncset.done $0x0  }
0x51: {  	[sflag:s28] =	ssyncadd.s32 $0xFFFFF400  }
0x52: {  	_ =	swait.ge [sflag:s28], $0xC00  }
0x53: {  	[sflag:s28] =	ssyncset.done $0x0  }
0x54: {  	[sflag:s28] =	ssyncadd.s32 $0xFFFFF400  }
0x55: {  	_ =	swait.ge [sflag:s28], $0xC00  }
0x56: {  	[sflag:s28] =	ssyncset.done $0x0  }
0x57: {  	[sflag:s28] =	ssyncadd.s32 $0xFFFFF400  }
0x58: {  	_ =	swait.ge [sflag:s28], $0xC00  }
0x59: {  	[sflag:s28] =	ssyncset.done $0x0  }
0x5a: {  	[sflag:s28] =	ssyncadd.s32 $0xFFFFF400  }
0x5b: {  	_ =	swait.ge [sflag:s28], $0xC00  }
0x5c: {  	[sflag:s28] =	ssyncset.done $0x0  }
0x5d: {  	[sflag:s28] =	ssyncadd.s32 $0xFFFFF400  }
0x5e: {  	_ =	swait.ge [sflag:s28], $0xC00  }
0x5f: {  	[sflag:s28] =	ssyncset.done $0x0  }
0x60: {  	[sflag:s28] =	ssyncadd.s32 $0xFFFFF400  }
0x61: {  	_ =	swait.ge [sflag:s28], $0xC00  }
0x62: {  	[sflag:s28] =	ssyncset.done $0x0  }
0x63: {  	[sflag:s28] =	ssyncadd.s32 $0xFFFFF400  }
0x64: {  	_ =	swait.ge [sflag:s28], $0xC00  }
0x65: {  	[sflag:s28] =	ssyncset.done $0x0  }
0x66: {  	[sflag:s28] =	ssyncadd.s32 $0xFFFFF400  }
0x67: {  	_ =	swait.ge [sflag:s28], $0xC00  }
0x68: {  	[sflag:s28] =	ssyncset.done $0x0  }
0x69: {  	s12 =	simm.s32 @!p0 $0x1;
	[sflag:s28] =	ssyncadd.s32 $0xFFFFF400  }
0x6a: {  	_ =	swait.ge @!p0 [sflag:s12], $0x400  }
0x6b: {  	[sflag:s12] =	ssyncset.done @!p0 $0x0  }
0x6c: {  	[sflag:s12] =	ssyncadd.s32 @!p0 $0xFFFFFC00  }
0x6d: {  	[bflag:$0x0] =	sbarrier.arrive $0xFFFF  }
0x6e: {  	_ =	swait.ge [sflag:s29], $0x5000  }
0x6f: {  	[sflag:s29] =	ssyncset.done $0x0  }
0x70: {  	[sflag:s29] =	ssyncadd.s32 $0xFFFFB000  }
0x71: {  	_ =	swait.ge [sflag:s29], $0x5000  }
0x72: {  	[sflag:s29] =	ssyncset.done $0x0  }
0x73: {  	s14 =	simm.s32 $0x0;
	[sflag:s29] =	ssyncadd.s32 $0xFFFFB000  }
0x74: {  	[tilespmem:s31], [sflag:$0x3] =	stream.indirect.gather [hbm4b:s7+s30], $0x40, s14, s30, $0xb8;
	[tilespmem:$0x1C540] =	vst v63  }
0x75: {  	s15 =	simm.s32 $0x80  }
0x76: {  	[tilespmem:s24], [sflag:$0x4] =	stream.indirect.gather [hbm4b:s7+s30], $0x40, s15, s30, $0xb8;
	[tilespmem:$0x1C540] =	vst v63  }
0x77: {  	s16 =	simm.s32 $0x100  }
0x78: {  	[tilespmem:s0], [sflag:$0x5] =	stream.indirect.gather [hbm4b:s7+s30], $0x40, s16, s30, $0xb8;
	[tilespmem:$0x1C540] =	vst v63  }
0x79: {  	s13 =	simm.s32 $0x180  }
0x7a: {  	[tilespmem:s1], [sflag:$0x6] =	stream.indirect.gather [hbm4b:s7+s30], $0x40, s13, s30, $0xb8;
	[tilespmem:$0x1C540] =	vst v63  }
0x7b: {  	_ =	swait.ge [sflag:s3], $0x1F40  }
0x7c: {  	[sflag:s3] =	ssyncset.done $0x0  }
0x7d: {  	s14 =	simm.s32 $0x5000;
	[sflag:s3] =	ssyncadd.s32 $0xFFFFE0C0  }
0x7e: {  	[spmem:s2] =	stream.indirect.scatter.add.f32 [tilespmem:s31], [sflag:$0x7], $0x40, s14, s30, $0xb8;
	[tilespmem:$0x1C540] =	vst v63  }
0x7f: {  	_ =	swait.ge [sflag:s4], $0x1F40  }
0x80: {  	[sflag:s4] =	ssyncset.done $0x0  }
0x81: {  	s15 =	simm.s32 $0x200;
	[sflag:s4] =	ssyncadd.s32 $0xFFFFE0C0  }
0x82: {  	[tilespmem:s31], [sflag:$0x3] =	stream.indirect.gather [hbm4b:s7+s30], $0x40, s15, s30, $0xb8;
	[tilespmem:$0x1C540] =	vst v63  }
0x83: {  	_ =	swait.ge [sflag:s5], $0x1F40  }
0x84: {  	[sflag:s5] =	ssyncset.done $0x0  }
0x85: {  	s16 =	simm.s32 $0x5080;
	[sflag:s5] =	ssyncadd.s32 $0xFFFFE0C0  }
0x86: {  	[spmem:s2] =	stream.indirect.scatter.add.f32 [tilespmem:s24], [sflag:$0x7], $0x40, s16, s30, $0xb8;
	[tilespmem:$0x1C540] =	vst v63  }
0x87: {  	_ =	swait.ge [sflag:s4], $0x1F40  }
0x88: {  	[sflag:s4] =	ssyncset.done $0x0  }
0x89: {  	s13 =	simm.s32 $0x280;
	[sflag:s4] =	ssyncadd.s32 $0xFFFFE0C0  }
0x8a: {  	[tilespmem:s24], [sflag:$0x4] =	stream.indirect.gather [hbm4b:s7+s30], $0x40, s13, s30, $0xb8;
	[tilespmem:$0x1C540] =	vst v63  }
0x8b: {  	_ =	swait.ge [sflag:s8], $0x1F40  }
0x8c: {  	[sflag:s8] =	ssyncset.done $0x0  }
0x8d: {  	s14 =	simm.s32 $0x5100;
	[sflag:s8] =	ssyncadd.s32 $0xFFFFE0C0  }
0x8e: {  	[spmem:s2] =	stream.indirect.scatter.add.f32 [tilespmem:s0], [sflag:$0x7], $0x40, s14, s30, $0xb8;
	[tilespmem:$0x1C540] =	vst v63  }
0x8f: {  	_ =	swait.ge [sflag:s4], $0x1F40  }
0x90: {  	[sflag:s4] =	ssyncset.done $0x0  }
0x91: {  	s15 =	simm.s32 $0x300;
	[sflag:s4] =	ssyncadd.s32 $0xFFFFE0C0  }
0x92: {  	[tilespmem:s0], [sflag:$0x5] =	stream.indirect.gather [hbm4b:s7+s30], $0x40, s15, s30, $0xb8;
	[tilespmem:$0x1C540] =	vst v63  }
0x93: {  	_ =	swait.ge [sflag:s9], $0x1F40  }
0x94: {  	[sflag:s9] =	ssyncset.done $0x0  }
0x95: {  	s16 =	simm.s32 $0x5180;
	[sflag:s9] =	ssyncadd.s32 $0xFFFFE0C0  }
0x96: {  	[spmem:s2] =	stream.indirect.scatter.add.f32 [tilespmem:s1], [sflag:$0x7], $0x40, s16, s30, $0xb8;
	[tilespmem:$0x1C540] =	vst v63  }
0x97: {  	_ =	swait.ge [sflag:s4], $0x1F40  }
0x98: {  	s12 =	simm.s32 $0x200;
	s13 =	simm.s32 $0x1000;
	[sflag:s4] =	ssyncset.done $0x0  }
.LBB2_4:
0x99: {  	s16 =	sadd.s32 $0x180, s12  }
0x9a: {  	[sflag:s4] =	ssyncadd.s32 $0xFFFFE0C0;
	s14 =	smov.u32 s13;
	s15 =	sadd.s32 $0x800, s13  }
0x9b: {  	[tilespmem:s1], [sflag:$0x6] =	stream.indirect.gather [hbm4b:s7+s30], $0x40, s16, s30, $0xb8;
	[tilespmem:$0x1C540] =	vst v63  }
0x9c: {  	p1 =	sne.s32 s13, $0x13000;
	_ =	swait.ge [sflag:s3], $0x1F40  }
0x9d: {  	[sflag:s3] =	ssyncset.done $0x0  }
0x9e: {  	s13 =	sadd.s32 $0x5000, s12;
	[sflag:s3] =	ssyncadd.s32 $0xFFFFE0C0  }
0x9f: {  	[spmem:s2] =	stream.indirect.scatter.add.f32 [tilespmem:s31], [sflag:$0x7], $0x40, s13, s30, $0xb8;
	[tilespmem:$0x1C540] =	vst v63  }
0xa0: {  	_ =	swait.ge [sflag:s4], $0x1F40  }
0xa1: {  	[sflag:s4] =	ssyncset.done $0x0  }
0xa2: {  	s13 =	sadd.s32 $0x200, s12;
	[sflag:s4] =	ssyncadd.s32 $0xFFFFE0C0  }
0xa3: {  	[tilespmem:s31], [sflag:$0x3] =	stream.indirect.gather [hbm4b:s7+s30], $0x40, s13, s30, $0xb8;
	[tilespmem:$0x1C540] =	vst v63  }
0xa4: {  	_ =	swait.ge [sflag:s5], $0x1F40  }
0xa5: {  	[sflag:s5] =	ssyncset.done $0x0  }
0xa6: {  	s13 =	sadd.s32 $0x5080, s12;
	[sflag:s5] =	ssyncadd.s32 $0xFFFFE0C0  }
0xa7: {  	[spmem:s2] =	stream.indirect.scatter.add.f32 [tilespmem:s24], [sflag:$0x7], $0x40, s13, s30, $0xb8;
	[tilespmem:$0x1C540] =	vst v63  }
0xa8: {  	_ =	swait.ge [sflag:s4], $0x1F40  }
0xa9: {  	[sflag:s4] =	ssyncset.done $0x0  }
0xaa: {  	s13 =	sadd.s32 $0x280, s12;
	[sflag:s4] =	ssyncadd.s32 $0xFFFFE0C0  }
0xab: {  	[tilespmem:s24], [sflag:$0x4] =	stream.indirect.gather [hbm4b:s7+s30], $0x40, s13, s30, $0xb8;
	[tilespmem:$0x1C540] =	vst v63  }
0xac: {  	_ =	swait.ge [sflag:s8], $0x1F40  }
0xad: {  	[sflag:s8] =	ssyncset.done $0x0  }
0xae: {  	s13 =	sadd.s32 $0x5100, s12;
	[sflag:s8] =	ssyncadd.s32 $0xFFFFE0C0  }
0xaf: {  	[spmem:s2] =	stream.indirect.scatter.add.f32 [tilespmem:s0], [sflag:$0x7], $0x40, s13, s30, $0xb8;
	[tilespmem:$0x1C540] =	vst v63  }
0xb0: {  	_ =	swait.ge [sflag:s4], $0x1F40  }
0xb1: {  	[sflag:s4] =	ssyncset.done $0x0  }
0xb2: {  	s13 =	sadd.s32 $0x300, s12;
	[sflag:s4] =	ssyncadd.s32 $0xFFFFE0C0  }
0xb3: {  	[tilespmem:s0], [sflag:$0x5] =	stream.indirect.gather [hbm4b:s7+s30], $0x40, s13, s30, $0xb8;
	[tilespmem:$0x1C540] =	vst v63  }
0xb4: {  	_ =	swait.ge [sflag:s9], $0x1F40  }
.Ltmp1:
0xb5: {  	[sflag:s9] =	ssyncset.done $0x0;
	(pc) =	sbr.rel @p1 .LBB2_4-.Ltmp1, $4  }
0xb6: {  	s12 =	sadd.s32 $0x5180, s12;
	[sflag:s9] =	ssyncadd.s32 $0xFFFFE0C0  }
0xb7: {  	[spmem:s2] =	stream.indirect.scatter.add.f32 [tilespmem:s1], [sflag:$0x7], $0x40, s12, s30, $0xb8;
	[tilespmem:$0x1C540] =	vst v63  }
0xb8: {  	_ =	swait.ge [sflag:s4], $0x1F40  }
0xb9: {  	s13 =	smov.u32 s15;
	s12 =	sshra.s32 s14, $0x2;
	[sflag:s4] =	ssyncset.done $0x0  }
0xba: {  	s13 =	sadd.s32 $0x180, s12;
	[sflag:s4] =	ssyncadd.s32 $0xFFFFE0C0  }
0xbb: {  	[tilespmem:s1], [sflag:$0x6] =	stream.indirect.gather [hbm4b:s7+s30], $0x40, s13, s30, $0xb8;
	[tilespmem:$0x1C540] =	vst v63  }
0xbc: {  	_ =	swait.ge [sflag:s3], $0x1F40  }
0xbd: {  	[sflag:s3] =	ssyncset.done $0x0  }
0xbe: {  	s16 =	sadd.s32 $0x5000, s12;
	[sflag:s3] =	ssyncadd.s32 $0xFFFFE0C0  }
0xbf: {  	[spmem:s2] =	stream.indirect.scatter.add.f32 [tilespmem:s31], [sflag:$0x7], $0x40, s16, s30, $0xb8;
	[tilespmem:$0x1C540] =	vst v63  }
0xc0: {  	_ =	swait.ge [sflag:s4], $0x1F40  }
0xc1: {  	[sflag:s4] =	ssyncset.done $0x0  }
0xc2: {  	s14 =	sadd.s32 $0x200, s12;
	[sflag:s4] =	ssyncadd.s32 $0xFFFFE0C0  }
0xc3: {  	[tilespmem:s31], [sflag:$0x3] =	stream.indirect.gather [hbm4b:s7+s30], $0x40, s14, s30, $0xb8;
	[tilespmem:$0x1C540] =	vst v63  }
0xc4: {  	_ =	swait.ge [sflag:s5], $0x1F40  }
0xc5: {  	[sflag:s5] =	ssyncset.done $0x0  }
0xc6: {  	s15 =	sadd.s32 $0x5080, s12;
	[sflag:s5] =	ssyncadd.s32 $0xFFFFE0C0  }
0xc7: {  	[spmem:s2] =	stream.indirect.scatter.add.f32 [tilespmem:s24], [sflag:$0x7], $0x40, s15, s30, $0xb8;
	[tilespmem:$0x1C540] =	vst v63  }
0xc8: {  	_ =	swait.ge [sflag:s4], $0x1F40  }
0xc9: {  	[sflag:s4] =	ssyncset.done $0x0  }
0xca: {  	s16 =	sadd.s32 $0x280, s12;
	[sflag:s4] =	ssyncadd.s32 $0xFFFFE0C0  }
0xcb: {  	[tilespmem:s24], [sflag:$0x4] =	stream.indirect.gather [hbm4b:s7+s30], $0x40, s16, s30, $0xb8;
	[tilespmem:$0x1C540] =	vst v63  }
0xcc: {  	_ =	swait.ge [sflag:s8], $0x1F40  }
0xcd: {  	[sflag:s8] =	ssyncset.done $0x0  }
0xce: {  	s14 =	sadd.s32 $0x5100, s12;
	[sflag:s8] =	ssyncadd.s32 $0xFFFFE0C0  }
0xcf: {  	[spmem:s2] =	stream.indirect.scatter.add.f32 [tilespmem:s0], [sflag:$0x7], $0x40, s14, s30, $0xb8;
	[tilespmem:$0x1C540] =	vst v63  }
0xd0: {  	_ =	swait.ge [sflag:s4], $0x1F40  }
0xd1: {  	[sflag:s4] =	ssyncset.done $0x0  }
0xd2: {  	s15 =	sadd.s32 $0x300, s12;
	[sflag:s4] =	ssyncadd.s32 $0xFFFFE0C0  }
0xd3: {  	[tilespmem:s0], [sflag:$0x5] =	stream.indirect.gather [hbm4b:s7+s30], $0x40, s15, s30, $0xb8;
	[tilespmem:$0x1C540] =	vst v63  }
0xd4: {  	_ =	swait.ge [sflag:s9], $0x1F40  }
0xd5: {  	[sflag:s9] =	ssyncset.done $0x0  }
0xd6: {  	s16 =	sadd.s32 $0x5180, s12;
	[sflag:s9] =	ssyncadd.s32 $0xFFFFE0C0  }
0xd7: {  	[spmem:s2] =	stream.indirect.scatter.add.f32 [tilespmem:s1], [sflag:$0x7], $0x40, s16, s30, $0xb8;
	[tilespmem:$0x1C540] =	vst v63  }
0xd8: {  	_ =	swait.ge [sflag:s4], $0x1F40  }
0xd9: {  	[sflag:s4] =	ssyncset.done $0x0  }
0xda: {  	s13 =	simm.s32 $0x4F80;
	[sflag:s4] =	ssyncadd.s32 $0xFFFFE0C0  }
0xdb: {  	[tilespmem:s1], [sflag:$0x6] =	stream.indirect.gather [hbm4b:s7+s30], $0x40, s13, s30, $0xb8;
	[tilespmem:$0x1C540] =	vst v63  }
0xdc: {  	_ =	swait.ge [sflag:s3], $0x1F40  }
0xdd: {  	[sflag:s3] =	ssyncset.done $0x0  }
0xde: {  	s14 =	simm.s32 $0x9E00;
	[sflag:s3] =	ssyncadd.s32 $0xFFFFE0C0  }
0xdf: {  	[spmem:s2] =	stream.indirect.scatter.add.f32 [tilespmem:s31], [sflag:$0x7], $0x40, s14, s30, $0xb8;
	[tilespmem:$0x1C540] =	vst v63  }
0xe0: {  	_ =	swait.ge [sflag:s4], $0x1F40  }
0xe1: {  	[sflag:s4] =	ssyncset.done $0x0  }
0xe2: {  	[sflag:s4] =	ssyncadd.s32 $0xFFFFE0C0  }
0xe3: {  	_ =	swait.ge [sflag:s5], $0x1F40  }
0xe4: {  	[sflag:s5] =	ssyncset.done $0x0  }
0xe5: {  	s15 =	simm.s32 $0x9E80;
	[sflag:s5] =	ssyncadd.s32 $0xFFFFE0C0  }
0xe6: {  	[spmem:s2] =	stream.indirect.scatter.add.f32 [tilespmem:s24], [sflag:$0x7], $0x40, s15, s30, $0xb8;
	[tilespmem:$0x1C540] =	vst v63  }
0xe7: {  	_ =	swait.ge [sflag:s4], $0x1F40  }
0xe8: {  	[sflag:s4] =	ssyncset.done $0x0  }
0xe9: {  	[sflag:s4] =	ssyncadd.s32 $0xFFFFE0C0  }
0xea: {  	_ =	swait.ge [sflag:s8], $0x1F40  }
0xeb: {  	[sflag:s8] =	ssyncset.done $0x0  }
0xec: {  	s16 =	simm.s32 $0x9F00;
	[sflag:s8] =	ssyncadd.s32 $0xFFFFE0C0  }
0xed: {  	[spmem:s2] =	stream.indirect.scatter.add.f32 [tilespmem:s0], [sflag:$0x7], $0x40, s16, s30, $0xb8;
	[tilespmem:$0x1C540] =	vst v63  }
0xee: {  	_ =	swait.ge [sflag:s4], $0x1F40  }
0xef: {  	[sflag:s4] =	ssyncset.done $0x0  }
0xf0: {  	[sflag:s4] =	ssyncadd.s32 $0xFFFFE0C0  }
0xf1: {  	_ =	swait.ge [sflag:s9], $0x1F40  }
0xf2: {  	[sflag:s9] =	ssyncset.done $0x0  }
0xf3: {  	s13 =	simm.s32 $0x9F80;
	[sflag:s9] =	ssyncadd.s32 $0xFFFFE0C0  }
0xf4: {  	[spmem:s2] =	stream.indirect.scatter.add.f32 [tilespmem:s1], [sflag:$0x7], $0x40, s13, s30, $0xb8;
	[tilespmem:$0x1C540] =	vst v63  }
0xf5: {  	_ =	swait.ge [sflag:s4], $0x1F40  }
0xf6: {  	[sflag:s4] =	ssyncset.done $0x0  }
0xf7: {  	s14 =	stileid.u32;
	[sflag:s4] =	ssyncadd.s32 $0xFFFFE0C0  }
0xf8: {  	s12 =	sshll.u32 s14, $0x6;
	[bflag:$0x0] =	sbarrier.arrive $0xFFFF  }
0xf9: {  	s12 =	sor.u32 $0x1C07, s12;
	s15 =	rddreg [dreg:$0x6]  }
0xfa: {  	[hbm:s15], [sflag:s12] =	dma.local [spmem:s25], $0x1380  }
0xfb: {  	_ =	swait.ge [sflag:s4], $0x1380  }
0xfc: {  	[sflag:s4] =	ssyncset.done $0x0  }
0xfd: {  	s13 =	sshrl.u32 @!p0 s6, $0x3;
	s14 =	rddreg [dreg:$0x7];
	[sflag:s4] =	ssyncadd.s32 $0xFFFFEC80  }
0xfe: {  	[hbm:s14], [sflag:s12] =	dma.local @!p0 [spmem:s13], $0x80  }
0xff: {  	s12 =	simm.s32 @!p0 $0x7  }
0x100: {  	_ =	swait.ge @!p0 [sflag:s12], $0x80  }
0x101: {  	s10 =	sadd.s32 $0x1, s10;
	s16 =	rddreg [dreg:$0x8]  }
0x102: {  	p1 =	sne.s32 s10, s16  }
.Ltmp2:
0x103: {  	_ = 	snop;
	(pc) =	sbr.rel @p1 .LBB2_1-.Ltmp2, $3  }
0x104: {  	_ =	sdelay $0x1  }
0x105: {  	[sflag:s12] =	ssyncset.done @!p0 $0x0  }
0x106: {  	[sflag:s12] =	ssyncadd.s32 @!p0 $0xFFFFFF80  }
0x107: {  	_ =	sfence.sel $0x180000  }
0x108: {  	[bflag:$0x0] =	sbarrier.arrive $0xFFFF  }
0x109: {  	_ =	strace $0x9000004D  }
0x10a: {  	s0 =	stileid.u32;
	[bflag:$0x2] =	sbarrier.arrive $0xFFFF  }
0x10b: {  	p0 =	sne.s32 s0, $0x0;
	s0 =	rddreg [dreg:$0x3]  }
0x10c: {  	s0 =	sadd.s32 @!p0 $0x100000, s0  }
0x10d: {  	[sflag:s0] =	ssyncadd.tile.s32 @!p0 $0x1;
	_ =	shalt  }
.Lfunc_end2:
_tile_overlayer_lowered:
.L_overlay_start_2:
0x10e: {  	(tag) =	ssettag $0x2  }
0x10f: {  	s0 =	rddreg [dreg:$0x0];
	s2 =	stileid.u32  }
0x110: {  	s1 =	rddreg [dreg:$0x1];
	p0 =	sne.s32 s2, $0x0  }
0x111: {  	s3 =	rddreg [dreg:$0x2];
	[bflag:$0x3] =	sbarrier.arrive $0xFFFF;
	s2 =	simm.s32 @!p0 $0x1C07  }
0x112: {  	[timem:s3], [sflag:s2] =	dma.local @!p0 [hbm:s0], s1  }
0x113: {  	s0 =	simm.s32 @!p0 $0x7  }
0x114: {  	_ =	swait.ge @!p0 [sflag:s0], s1  }
0x115: {  	s1 =	ssub.s32 @!p0 $0x0, s1;
	[sflag:s0] =	ssyncset.done @!p0 $0x0  }
0x116: {  	[sflag:s0] =	ssyncadd.s32 @!p0 s1  }
0x117: {  	[bflag:$0x3] =	sbarrier.arrive $0xFFFF  }
0x118: {  	_ =	shalt  }

// kernel: kernel.8.cloned.1.call-start
scs
__scs_entry_jumppad:
0x0: {  	(pc) =	sbr.rel $0x88, $3  }
0x1: {  	(tag) =	ssettag $0x0;
	lr =	simm.s32 $0x1  }
0x2: {  	[smem:$0x3F99] =	sst lr;
	_ =	strace $0xD0000000  }
0x3: {  	_ = 	snop  }
0x4: {  	_ = 	snop  }
0x5: {  	_ = 	snop  }
0x6: {  	_ = 	snop  }
0x7: {  	_ = 	snop  }
__scs_overlays_trampoline_lowered:
0x8: {  	[smem:$0x3FA8] =	sst s0  }
0x9: {  	[smem:$0x3FA9] =	sst s1  }
0xa: {  	[smem:$0x3FAA] =	sst s2  }
0xb: {  	[smem:$0x3FAB] =	sst s3  }
0xc: {  	[smem:$0x3FAC] =	sst s4  }
0xd: {  	[smem:$0x3FAD] =	sst s5  }
0xe: {  	[smem:$0x3FAE] =	sst s6  }
0xf: {  	[smem:$0x3FAF] =	sst s7  }
0x10: {  	[smem:$0x3FB0] =	sst s8  }
0x11: {  	[smem:$0x3FB1] =	sst s9;
	s0 =	simm.s32 @!p0 $0x0  }
0x12: {  	s1 =	sld [smem:$0x3F97];
	s0 =	simm.s32 @p0 $0x1  }
0x13: {  	[smem:$0x3FB2] =	sst s0;
	s0 =	simm.s32 @!p1 $0x0  }
0x14: {  	s2 =	sld [smem:$0x3F96];
	s0 =	simm.s32 @p1 $0x1  }
0x15: {  	[smem:$0x3FB3] =	sst s0;
	s0 =	simm.s32 @!p2 $0x0  }
0x16: {  	s3 =	sld [smem:$0x3FDB];
	s0 =	simm.s32 @p2 $0x1  }
0x17: {  	s4 =	simm.s32 $0x1BF5;
	[smem:$0x3FB5] =	sst s0  }
0x18: {  	s0 =	sld [smem:$0x3F98];
	_ =	swait.ge [sflag:s4], $0x0  }
0x19: {  	s7 =	sld [smem:$0x3F99]  }
0x1a: {  	s8 =	sadd.s32 $0xFFFFE003, lr  }
0x1b: {  	s9 =	sadd.s32 $0xFFFFFEF7, lr;
	s5 =	simm.s32 $0xFFFFFFFF;
	p2 =	slt.u32 s8, $0xFFFFF086  }
0x1c: {  	p1 =	slt.u32 s9, $0xF7A;
	s5 =	simm.s32 @!p2 $0x0  }
0x1d: {  	s5 =	simm.s32 @p1 $0x1;
	p0 =	seq.s32 s7, s2  }
0x1e: {  	s7 =	smul.u32 @!p0 $0xF7A, s2;
	p2 =	seq.s32 @!p0 s5, $0x0  }
0x1f: {  	s9 =	smul.u32 $0xF7A, s1;
	s8 =	simm.s32 @!p0 $0x1BF5;
	p2 =	por !p2, p0  }
0x20: {  	[sflag:s8] =	ssyncset.s32 @!p0 $0xFFFFF086;
	s6 =	sadd.s32 @!p0 s3, s7;
	s7 =	simm.s32 @!p0 $0x108  }
0x21: {  	s3 =	sadd.s32 s3, s9;
	s6 =	sadd.s32 @!p0 $0x88, s6;
	s7 =	simm.s32 @p2 $0x1082  }
0x22: {  	[simem:s7], [sflag:s8] =	dma.local @!p0 [hbm:s6], $0xF7A  }
0x23: {  	s9 =	sor.u32 $0xD0000000, s2;
	s6 =	simm.s32 $0x108;
	_ =	swait.ge @!p0 [sflag:s8], $0x0  }
0x24: {  	s3 =	sadd.s32 $0x88, s3;
	s6 =	simm.s32 @!p1 $0x1082;
	[sflag:s4] =	ssyncset.s32 $0xFFFFF086  }
0x25: {  	[simem:s6], [sflag:s4] =	dma.local [hbm:s3], $0xF7A  }
0x26: {  	[smem:$0x3F99] =	sst s1;
	(tag) =	ssettag s2;
	_ =	strace s9  }
0x27: {  	s1 =	sld [smem:$0x3FA9]  }
0x28: {  	s2 =	sld [smem:$0x3FAA]  }
0x29: {  	s4 =	sld [smem:$0x3FAC]  }
0x2a: {  	p0 =	seq.s32 s5, $0x0;
	s5 =	sld [smem:$0x3FAD]  }
0x2b: {  	s6 =	sld [smem:$0x3FAE]  }
0x2c: {  	s7 =	sld [smem:$0x3FAF]  }
0x2d: {  	s3 =	simm.s32 $0x108;
	s8 =	sld [smem:$0x3FB0]  }
0x2e: {  	s3 =	simm.s32 @!p0 $0x1082;
	s9 =	sld [smem:$0x3FB1]  }
0x2f: {  	lr =	sadd.s32 s0, s3;
	s0 =	sld [smem:$0x3FA8]  }
0x30: {  	s3 =	sld [smem:$0x3FAB]  }
0x31: {  	[smem:$0x3FB4] =	sst s10  }
0x32: {  	s10 =	sld [smem:$0x3FB2];
	_ =	sdelay $0x3  }
0x33: {  	p0 =	seq.s32 s10, $0x1;
	s10 =	sld [smem:$0x3FB4];
	_ =	sdelay $0x3  }
0x34: {  	[smem:$0x3FB4] =	sst s10  }
0x35: {  	s10 =	sld [smem:$0x3FB3];
	_ =	sdelay $0x3  }
0x36: {  	p1 =	seq.s32 s10, $0x1;
	s10 =	sld [smem:$0x3FB4];
	_ =	sdelay $0x3  }
0x37: {  	[smem:$0x3FB4] =	sst s10  }
0x38: {  	s10 =	sld [smem:$0x3FB5]  }
0x39: {  	_ = 	snop;
	(pc) =	sbr.ind lr, $3  }
0x3a: {  	_ = 	snop  }
0x3b: {  	_ = 	snop  }
0x3c: {  	p2 =	seq.s32 s10, $0x1;
	s10 =	sld [smem:$0x3FB4]  }
0x3d: {  	_ =	shalt  }
0x3e: {  	_ =	shalt  }
0x3f: {  	_ =	shalt  }
0x40: {  	_ =	shalt  }
0x41: {  	_ =	shalt  }
0x42: {  	_ =	shalt  }
0x43: {  	_ =	shalt  }
0x44: {  	_ =	shalt  }
0x45: {  	_ =	shalt  }
0x46: {  	_ =	shalt  }
0x47: {  	_ =	shalt  }
0x48: {  	_ =	shalt  }
0x49: {  	_ =	shalt  }
0x4a: {  	_ =	shalt  }
0x4b: {  	_ =	shalt  }
0x4c: {  	_ =	shalt  }
0x4d: {  	_ =	shalt  }
0x4e: {  	_ =	shalt  }
0x4f: {  	_ =	shalt  }
0x50: {  	_ =	shalt  }
0x51: {  	_ =	shalt  }
0x52: {  	_ =	shalt  }
0x53: {  	_ =	shalt  }
0x54: {  	_ =	shalt  }
0x55: {  	_ =	shalt  }
0x56: {  	_ =	shalt  }
0x57: {  	_ =	shalt  }
0x58: {  	_ =	shalt  }
0x59: {  	_ =	shalt  }
0x5a: {  	_ =	shalt  }
0x5b: {  	_ =	shalt  }
0x5c: {  	_ =	shalt  }
0x5d: {  	_ =	shalt  }
0x5e: {  	_ =	shalt  }
0x5f: {  	_ =	shalt  }
0x60: {  	_ =	shalt  }
0x61: {  	_ =	shalt  }
0x62: {  	_ =	shalt  }
0x63: {  	_ =	shalt  }
0x64: {  	_ =	shalt  }
0x65: {  	_ =	shalt  }
0x66: {  	_ =	shalt  }
0x67: {  	_ =	shalt  }
0x68: {  	_ =	shalt  }
0x69: {  	_ =	shalt  }
0x6a: {  	_ =	shalt  }
0x6b: {  	_ =	shalt  }
0x6c: {  	_ =	shalt  }
0x6d: {  	_ =	shalt  }
0x6e: {  	_ =	shalt  }
0x6f: {  	_ =	shalt  }
0x70: {  	_ =	shalt  }
0x71: {  	_ =	shalt  }
0x72: {  	_ =	shalt  }
0x73: {  	_ =	shalt  }
0x74: {  	_ =	shalt  }
0x75: {  	_ =	shalt  }
0x76: {  	_ =	shalt  }
0x77: {  	_ =	shalt  }
0x78: {  	_ =	shalt  }
0x79: {  	_ =	shalt  }
0x7a: {  	_ =	shalt  }
0x7b: {  	_ =	shalt  }
0x7c: {  	_ =	shalt  }
0x7d: {  	_ =	shalt  }
0x7e: {  	_ =	shalt  }
0x7f: {  	_ =	shalt  }
0x80: {  	_ =	shalt  }
0x81: {  	_ =	shalt  }
0x82: {  	_ =	shalt  }
0x83: {  	_ =	shalt  }
0x84: {  	_ =	shalt  }
0x85: {  	_ =	shalt  }
0x86: {  	_ =	shalt  }
0x87: {  	_ =	shalt  }
.Lfunc_end0:
.L_simem_size_0:
called_computation_lowered:
.L_overlay_start_0:
0x88: {  	s2 =	sld [smem:$0x3FD9]  }
0x89: {  	s3 =	sld [smem:$0x3FFE];
	_ =	sdelay $0x1  }
0x8a: {  	s1 =	srdreg.scid  }
0x8b: {  	s0 =	sand.u32 $0x1, s1  }
0x8c: {  	s17 =	sshll.u32 s0, $0xA;
	s2 =	sadd.s32 s3, s2  }
0x8d: {  	s2 =	sadd.s32 s2, s17  }
0x8e: {  	[smem:$0x3FC0] =	sst s2  }
0x8f: {  	_ = 	snop  }
0x90: {  	s2 =	sld [smem:$0x3FD0];
	(tm) =	ssettm $0x1  }
0x91: {  	s18 =	sld [smem:$0x3FFB];
	_ =	sdelay $0x3  }
0x92: {  	_ =	strace s18  }
0x93: {  	s3 =	sld [smem:$0x3FFC];
	_ =	sdelay $0x3  }
0x94: {  	_ =	strace s3  }
0x95: {  	s3 =	sld [smem:$0x3FFD];
	_ =	sdelay $0x3  }
0x96: {  	_ =	strace s3  }
0x97: {  	_ =	strace $0x8FFFFFFF  }
0x98: {  	s19 =	sld [smem:$0x3FDB];
	_ =	sdelay $0x1  }
0x99: {  	s4 =	simm.s32 $_scs_section_size  }
0x9a: {  	s5 =	simm.s32 $_size__tile_overlayer_lowered;
	s6 =	simm.s32 $_tile_overlayer_lowered  }
0x9b: {  	s22 =	simm.s32 $0x1BFF;
	s21 =	sshll.u32 s6, $0x1;
	s3 =	sadd.s32 s4, s19  }
0x9c: {  	s7 =	simm.s32 $0x0;
	s20 =	sshll.u32 s5, $0x1;
	s5 =	sadd.s32 s21, s3  }
0x9d: {  	[timem:s7], [sflag:s22] =	dma.local [hbm:s5], s20  }
0x9e: {  	_ =	swait.ge [sflag:s22], s20  }
0x9f: {  	s4 =	ssub.s32 $0x0, s20;
	[sflag:s22] =	ssyncset.done $0x0  }
0xa0: {  	[sflag:s22] =	ssyncadd.s32 s4;
	_ =	sdelay $0x1  }
0xa1: {  	s23 =	simm.s32 $0x1B8B  }
0xa2: {  	_ =	swait.ge [sflag:s23], $0x1  }
0xa3: {  	[sflag:s23] =	ssyncset.done $0x0  }
0xa4: {  	s25 =	simm.s32 $0x1B8E;
	s24 =	sld [smem:$0x3FFE];
	[sflag:s23] =	ssyncadd.s32 $0xFFFFFFFF  }
0xa5: {  	s26 =	simm.s32 $execute0_lowered;
	[smem:$0x3FD2] =	sst s25  }
0xa6: {  	s5 =	sshll.u32 s26, $0x1;
	_ =	strace $0x80000046;
	[dreg:$0x1] =	wrdreg $0xFFFFFFFF  }
0xa7: {  	s28 =	simm.s32 $_size_execute0_lowered;
	s3 =	sadd.s32 s3, s5;
	[dreg:$0x0] =	wrdreg $0x0  }
0xa8: {  	s5 =	sshll.u32 s28, $0x1;
	[dreg:$0x2] =	wrdreg s3  }
0xa9: {  	[dreg:$0x3] =	wrdreg s5  }
0xaa: {  	[dreg:$0x4] =	wrdreg $0xC0  }
0xab: {  	_ =	task [dreg:s7], $0x5FFFF  }
0xac: {  	[dreg:$0x1] =	wrdreg $0xFFFFFFFF  }
0xad: {  	[dreg:$0x0] =	wrdreg $0x60  }
0xae: {  	[dreg:$0x2] =	wrdreg s24  }
0xaf: {  	[dreg:$0x3] =	wrdreg s2  }
0xb0: {  	[dreg:$0x4] =	wrdreg $0xFAD00  }
0xb1: {  	[dreg:$0x5] =	wrdreg $0x9  }
0xb2: {  	_ =	task.clear_ibuf [dreg:s7], $0x6FFFF;
	_ =	strace $0x90000046  }
0xb3: {  	s29 =	simm.s32 $0x9;
	_ =	strace $0x80000048  }
0xb4: {  	_ =	swait.ge [sflag:s29], $0x1  }
0xb5: {  	[sflag:s29] =	ssyncadd.s32 $0xFFFFFFFF  }
0xb6: {  	_ =	strace $0x90000048  }
0xb7: {  	_ =	sfence  }
0xb8: {  	s30 =	sld [smem:$0x0];
	_ =	sdelay $0x2  }
0xb9: {  	s31 =	sshll.u32 s1, $0xD;
	s1 =	sshrl.u32 s1, $0x2  }
0xba: {  	s3 =	sand.u32 $0x4000, s31;
	s1 =	sadd.s32 s1, s30  }
0xbb: {  	s0 =	sor.u32 s3, s0;
	s1 =	sshll.u32 s1, $0x11  }
0xbc: {  	s0 =	sor.u32 s1, s0  }
0xbd: {  	s0 =	sadd.s32 $0x8F2B, s0  }
0xbe: {  	[sflag:s0] =	ssyncadd.remote.s32 $0x1  }
0xbf: {  	_ =	sfence.sel $0xFFFF  }
0xc0: {  	[dreg:$0x0] =	wrdreg $0xFFFFFFFF;
	(pc) =	sbr.abs _section_cstart, $3  }
0xc1: {  	[dreg:$0x1] =	wrdreg $0xFFFFFFFF  }
0xc2: {  	_ =	task.clear_ibuf [dreg:s7], $0x2FFFF;
	_ =	strace $0x9FFFFFFF  }
0xc3: {  	(tm) =	ssettm $0x7FFFFFFF  }
tec
execute0_lowered:
.L_overlay_start_1:
0x0: {  	(tag) =	ssettag $0x1  }
0x1: {  	s0 =	srdreg.scid;
	s1 =	rddreg [dreg:$0x0]  }
0x2: {  	s22 =	stileid.u32;
	s7 =	rddreg [dreg:$0x1]  }
0x3: {  	s2 =	rddreg [dreg:$0x2];
	s29 =	simm.s32 $0x0;
	s23 =	simm.s32 $0x1  }
0x4: {  	s24 =	simm.s32 $0x2;
	s28 =	simm.s32 $0x3;
	s3 =	smul.u32 $0x5000, s22  }
0x5: {  	s30 =	simm.s32 $0x4;
	s0 =	sand.u32 $0x1, s0;
	s6 =	smul.u32 $0x9C00, s22  }
0x6: {  	[smem:$0x7FF] =	sst s29;
	s5 =	sadd.s32 $0x27000, s2;
	s4 =	smul.u32 $0x2800, s0  }
0x7: {  	p0 =	sne.s32 s22, $0xF;
	s25 =	ssub.s32 $0x2, s0;
	s0 =	smul.u32 $0x9C400, s0  }
0x8: {  	s22 =	simm.s32 $0x2FD0;
	_ =	strace $0x80000047;
	s26 =	sshrl.u32 s25, $0x1  }
0x9: {  	s3 =	sadd.s32 s4, s3;
	s31 =	sadd.s32 s6, s0;
	s0 =	sshrl.u32 s0, $0x3  }
0xa: {  	s6 =	sshrl.u32 s6, $0x2;
	s3 =	sadd.s32 $0x50000, s3;
	s0 =	sadd.s32 s7, s0  }
0xb: {  	s6 =	sadd.s32 s6, s2;
	s3 =	sshrl.u32 s3, $0x3;
	s8 =	sadd.s32 $0x13800, s0  }
0xc: {  	s10 =	sadd.s32 $0x300, s6;
	s11 =	sadd.s32 $0x600, s6;
	s12 =	sadd.s32 $0x900, s6  }
0xd: {  	s13 =	sadd.s32 $0xC00, s6;
	s14 =	sadd.s32 $0xF00, s6;
	s15 =	sadd.s32 $0x1200, s6  }
0xe: {  	s16 =	sadd.s32 $0x1500, s6;
	s17 =	sadd.s32 $0x1800, s6;
	s18 =	sadd.s32 $0x1B00, s6  }
0xf: {  	s19 =	sadd.s32 $0x1E00, s6;
	s20 =	sadd.s32 $0x2100, s6;
	s21 =	sadd.s32 $0x2400, s6  }
0x10: {  	s1 =	sadd.s32 s3, s1;
	s3 =	ssub.s32 s25, s26;
	s25 =	simm.s32 $0x7D  }
0x11: {  	s26 =	simm.s32 $0x2800;
	s4 =	sadd.s32 $0x2E00, s1;
	s1 =	sshrl.u32 s31, $0x3  }
0x12: {  	v0 =	vimm.f32 $0.0e+00;
	v1 =	vimm.f32 $1.000000000e+00;
	s9 =	smax.u32 s3, $0x1;
	s7 =	sadd.s32 s7, s1;
	s1 =	simm.s32 $0x0  }
.LBB2_1:
0x13: {  	[tilespmem:s29], [sflag:$0x2] =	stream.linear.gather [hbm4b:s4+s29], $0x2800, $0x38;
	[tilespmem:$0x121E0] =	vst v63  }
0x14: {  	[tilespmem:$0x2FD0] =	vst v0  }
0x15: {  	[tilespmem:$0x2FE0] =	vst v0  }
0x16: {  	[tilespmem:$0x2FF0] =	vst v0  }
0x17: {  	[tilespmem:$0x3000] =	vst v0  }
0x18: {  	[tilespmem:$0x3010] =	vst v0  }
0x19: {  	[tilespmem:$0x3020] =	vst v0  }
0x1a: {  	[tilespmem:$0x3030] =	vst v0  }
0x1b: {  	[tilespmem:$0x3040] =	vst v0  }
0x1c: {  	[tilespmem:$0x3050] =	vst v0  }
0x1d: {  	[tilespmem:$0x3060] =	vst v0  }
0x1e: {  	[tilespmem:$0x3070] =	vst v0  }
0x1f: {  	[tilespmem:$0x3080] =	vst v0  }
0x20: {  	[tilespmem:$0x3090] =	vst v0  }
0x21: {  	[tilespmem:$0x30A0] =	vst v0  }
0x22: {  	[tilespmem:$0x30B0] =	vst v0  }
0x23: {  	[tilespmem:$0x30C0] =	vst v0  }
0x24: {  	[tilespmem:$0x30D0] =	vst v0  }
0x25: {  	[tilespmem:$0x30E0] =	vst v0  }
0x26: {  	[tilespmem:$0x30F0] =	vst v0  }
0x27: {  	[tilespmem:$0x3100] =	vst v0  }
0x28: {  	[tilespmem:$0x3110] =	vst v0  }
0x29: {  	[tilespmem:$0x3120] =	vst v0  }
0x2a: {  	[tilespmem:$0x3130] =	vst v0  }
0x2b: {  	[tilespmem:$0x3140] =	vst v0  }
0x2c: {  	[tilespmem:$0x3150] =	vst v0  }
0x2d: {  	[tilespmem:$0x3160] =	vst v0  }
0x2e: {  	[tilespmem:$0x3170] =	vst v0  }
0x2f: {  	[tilespmem:$0x3180] =	vst v0  }
0x30: {  	[tilespmem:$0x3190] =	vst v0  }
0x31: {  	[tilespmem:$0x31A0] =	vst v0  }
0x32: {  	[tilespmem:$0x31B0] =	vst v0  }
0x33: {  	[tilespmem:$0x31C0] =	vst v0  }
0x34: {  	[tilespmem:$0x31D0] =	vst v0  }
0x35: {  	[tilespmem:$0x31E0] =	vst v0  }
0x36: {  	[tilespmem:$0x31F0] =	vst v0  }
0x37: {  	[tilespmem:$0x3200] =	vst v0  }
0x38: {  	[tilespmem:$0x3210] =	vst v0  }
0x39: {  	[tilespmem:$0x3220] =	vst v0  }
0x3a: {  	[tilespmem:$0x3230] =	vst v0  }
0x3b: {  	[tilespmem:$0x3240] =	vst v0  }
0x3c: {  	[tilespmem:$0x3250] =	vst v0  }
0x3d: {  	[tilespmem:$0x3260] =	vst v0  }
0x3e: {  	[tilespmem:$0x3270] =	vst v0  }
0x3f: {  	[tilespmem:$0x3280] =	vst v0  }
0x40: {  	[tilespmem:$0x3290] =	vst v0  }
0x41: {  	[tilespmem:$0x32A0] =	vst v0  }
0x42: {  	[tilespmem:$0x32B0] =	vst v0  }
0x43: {  	s0 =	simm.s32 $0x40;
	s3 =	simm.s32 $0x0;
	[tilespmem:$0x32C0] =	vst v0  }
.LBB2_2:
0x44: {  	p1 =	sne.s32 s0, $0x1F00;
	[tilespmem:s3+$0x2800] =	vst v1;
	s3 =	smov.u32 s0;
	s0 =	sadd.s32 $0x40, s0  }
.Ltmp0:
0x45: {  	(pc) =	sbr.rel @p1 .LBB2_2-.Ltmp0, $2  }
0x46: {  	_ =	sdelay $0x2  }
0x47: {  	s3 =	sshra.s32 s3, $0x2  }
0x48: {  	[tilespmem:s3+$0x2800] =	vst v1  }
0x49: {  	[spmem:s6] =	stream.linear.scatter [tilespmem:s22], [sflag:$0x1], $0x300, $0x38;
	[tilespmem:$0x121E0] =	vst v63  }
0x4a: {  	_ = 	snop  }
0x4b: {  	[spmem:s10] =	stream.linear.scatter [tilespmem:s22], [sflag:$0x1], $0x300, $0x38;
	[tilespmem:$0x121E0] =	vst v63  }
0x4c: {  	_ = 	snop  }
0x4d: {  	[spmem:s11] =	stream.linear.scatter [tilespmem:s22], [sflag:$0x1], $0x300, $0x38;
	[tilespmem:$0x121E0] =	vst v63  }
0x4e: {  	_ = 	snop  }
0x4f: {  	[spmem:s12] =	stream.linear.scatter [tilespmem:s22], [sflag:$0x1], $0x300, $0x38;
	[tilespmem:$0x121E0] =	vst v63  }
0x50: {  	_ = 	snop  }
0x51: {  	[spmem:s13] =	stream.linear.scatter [tilespmem:s22], [sflag:$0x1], $0x300, $0x38;
	[tilespmem:$0x121E0] =	vst v63  }
0x52: {  	_ = 	snop  }
0x53: {  	[spmem:s14] =	stream.linear.scatter [tilespmem:s22], [sflag:$0x1], $0x300, $0x38;
	[tilespmem:$0x121E0] =	vst v63  }
0x54: {  	_ = 	snop  }
0x55: {  	[spmem:s15] =	stream.linear.scatter [tilespmem:s22], [sflag:$0x1], $0x300, $0x38;
	[tilespmem:$0x121E0] =	vst v63  }
0x56: {  	_ = 	snop  }
0x57: {  	[spmem:s16] =	stream.linear.scatter [tilespmem:s22], [sflag:$0x1], $0x300, $0x38;
	[tilespmem:$0x121E0] =	vst v63  }
0x58: {  	_ = 	snop  }
0x59: {  	[spmem:s17] =	stream.linear.scatter [tilespmem:s22], [sflag:$0x1], $0x300, $0x38;
	[tilespmem:$0x121E0] =	vst v63  }
0x5a: {  	_ = 	snop  }
0x5b: {  	[spmem:s18] =	stream.linear.scatter [tilespmem:s22], [sflag:$0x1], $0x300, $0x38;
	[tilespmem:$0x121E0] =	vst v63  }
0x5c: {  	_ = 	snop  }
0x5d: {  	[spmem:s19] =	stream.linear.scatter [tilespmem:s22], [sflag:$0x1], $0x300, $0x38;
	[tilespmem:$0x121E0] =	vst v63  }
0x5e: {  	_ = 	snop  }
0x5f: {  	[spmem:s20] =	stream.linear.scatter [tilespmem:s22], [sflag:$0x1], $0x300, $0x38;
	[tilespmem:$0x121E0] =	vst v63  }
0x60: {  	_ = 	snop  }
0x61: {  	[spmem:s21] =	stream.linear.scatter [tilespmem:s22], [sflag:$0x1], $0x300, $0x38;
	[tilespmem:$0x121E0] =	vst v63  }
0x62: {  	s0 =	simm.s32 @!p0 $0x2FD0  }
0x63: {  	[spmem:s5] =	stream.linear.scatter @!p0 [tilespmem:s0], [sflag:$0x1], $0x100, $0x38;
	[tilespmem:$0x121E0] =	vst v63  }
0x64: {  	_ =	swait.ge [sflag:s23], $0x300  }
0x65: {  	[sflag:s23] =	ssyncset.done $0x0  }
0x66: {  	[sflag:s23] =	ssyncadd.s32 $0xFFFFFD00  }
0x67: {  	_ =	swait.ge [sflag:s23], $0x300  }
0x68: {  	[sflag:s23] =	ssyncset.done $0x0  }
0x69: {  	[sflag:s23] =	ssyncadd.s32 $0xFFFFFD00  }
0x6a: {  	_ =	swait.ge [sflag:s23], $0x300  }
0x6b: {  	[sflag:s23] =	ssyncset.done $0x0  }
0x6c: {  	[sflag:s23] =	ssyncadd.s32 $0xFFFFFD00  }
0x6d: {  	_ =	swait.ge [sflag:s23], $0x300  }
0x6e: {  	[sflag:s23] =	ssyncset.done $0x0  }
0x6f: {  	[sflag:s23] =	ssyncadd.s32 $0xFFFFFD00  }
0x70: {  	_ =	swait.ge [sflag:s23], $0x300  }
0x71: {  	[sflag:s23] =	ssyncset.done $0x0  }
0x72: {  	[sflag:s23] =	ssyncadd.s32 $0xFFFFFD00  }
0x73: {  	_ =	swait.ge [sflag:s23], $0x300  }
0x74: {  	[sflag:s23] =	ssyncset.done $0x0  }
0x75: {  	[sflag:s23] =	ssyncadd.s32 $0xFFFFFD00  }
0x76: {  	_ =	swait.ge [sflag:s23], $0x300  }
0x77: {  	[sflag:s23] =	ssyncset.done $0x0  }
0x78: {  	[sflag:s23] =	ssyncadd.s32 $0xFFFFFD00  }
0x79: {  	_ =	swait.ge [sflag:s23], $0x300  }
0x7a: {  	[sflag:s23] =	ssyncset.done $0x0  }
0x7b: {  	[sflag:s23] =	ssyncadd.s32 $0xFFFFFD00  }
0x7c: {  	_ =	swait.ge [sflag:s23], $0x300  }
0x7d: {  	[sflag:s23] =	ssyncset.done $0x0  }
0x7e: {  	[sflag:s23] =	ssyncadd.s32 $0xFFFFFD00  }
0x7f: {  	_ =	swait.ge [sflag:s23], $0x300  }
0x80: {  	[sflag:s23] =	ssyncset.done $0x0  }
0x81: {  	[sflag:s23] =	ssyncadd.s32 $0xFFFFFD00  }
0x82: {  	_ =	swait.ge [sflag:s23], $0x300  }
0x83: {  	[sflag:s23] =	ssyncset.done $0x0  }
0x84: {  	[sflag:s23] =	ssyncadd.s32 $0xFFFFFD00  }
0x85: {  	_ =	swait.ge [sflag:s23], $0x300  }
0x86: {  	[sflag:s23] =	ssyncset.done $0x0  }
0x87: {  	[sflag:s23] =	ssyncadd.s32 $0xFFFFFD00  }
0x88: {  	_ =	swait.ge [sflag:s23], $0x300  }
0x89: {  	[sflag:s23] =	ssyncset.done $0x0  }
0x8a: {  	s0 =	simm.s32 @!p0 $0x1;
	[sflag:s23] =	ssyncadd.s32 $0xFFFFFD00  }
0x8b: {  	_ =	swait.ge @!p0 [sflag:s0], $0x100  }
0x8c: {  	[sflag:s0] =	ssyncset.done @!p0 $0x0  }
0x8d: {  	[sflag:s0] =	ssyncadd.s32 @!p0 $0xFFFFFF00  }
0x8e: {  	[bflag:$0x0] =	sbarrier.arrive $0xFFFF  }
0x8f: {  	_ =	swait.ge [sflag:s24], $0x2800  }
0x90: {  	[sflag:s24] =	ssyncset.done $0x0  }
0x91: {  	s3 =	simm.s32 $0x0;
	[sflag:s24] =	ssyncadd.s32 $0xFFFFD800  }
0x92: {  	[spmem:s2] =	stream.indirect.scatter.add.f32 [tilespmem:s26], [sflag:$0x3], $0x10, s3, s25, $0xb8;
	[tilespmem:$0x121E0] =	vst v63  }
0x93: {  	s31 =	simm.s32 $0x80  }
0x94: {  	[spmem:s2] =	stream.indirect.scatter.add.f32 [tilespmem:s26], [sflag:$0x3], $0x10, s31, s25, $0xb8;
	[tilespmem:$0x121E0] =	vst v63  }
0x95: {  	s3 =	simm.s32 $0x100  }
0x96: {  	[spmem:s2] =	stream.indirect.scatter.add.f32 [tilespmem:s26], [sflag:$0x3], $0x10, s3, s25, $0xb8;
	[tilespmem:$0x121E0] =	vst v63  }
0x97: {  	s31 =	simm.s32 $0x180  }
0x98: {  	[spmem:s2] =	stream.indirect.scatter.add.f32 [tilespmem:s26], [sflag:$0x3], $0x10, s31, s25, $0xb8;
	[tilespmem:$0x121E0] =	vst v63  }
0x99: {  	s3 =	simm.s32 $0x200  }
0x9a: {  	[spmem:s2] =	stream.indirect.scatter.add.f32 [tilespmem:s26], [sflag:$0x3], $0x10, s3, s25, $0xb8;
	[tilespmem:$0x121E0] =	vst v63  }
0x9b: {  	s31 =	simm.s32 $0x280  }
0x9c: {  	[spmem:s2] =	stream.indirect.scatter.add.f32 [tilespmem:s26], [sflag:$0x3], $0x10, s31, s25, $0xb8;
	[tilespmem:$0x121E0] =	vst v63  }
0x9d: {  	s3 =	simm.s32 $0x300  }
0x9e: {  	[spmem:s2] =	stream.indirect.scatter.add.f32 [tilespmem:s26], [sflag:$0x3], $0x10, s3, s25, $0xb8;
	[tilespmem:$0x121E0] =	vst v63  }
0x9f: {  	s31 =	simm.s32 $0x380  }
0xa0: {  	[spmem:s2] =	stream.indirect.scatter.add.f32 [tilespmem:s26], [sflag:$0x3], $0x10, s31, s25, $0xb8;
	[tilespmem:$0x121E0] =	vst v63  }
0xa1: {  	s3 =	simm.s32 $0x400  }
0xa2: {  	[spmem:s2] =	stream.indirect.scatter.add.f32 [tilespmem:s26], [sflag:$0x3], $0x10, s3, s25, $0xb8;
	[tilespmem:$0x121E0] =	vst v63  }
0xa3: {  	s31 =	simm.s32 $0x480  }
0xa4: {  	[spmem:s2] =	stream.indirect.scatter.add.f32 [tilespmem:s26], [sflag:$0x3], $0x10, s31, s25, $0xb8;
	[tilespmem:$0x121E0] =	vst v63  }
0xa5: {  	s3 =	simm.s32 $0x500  }
0xa6: {  	[spmem:s2] =	stream.indirect.scatter.add.f32 [tilespmem:s26], [sflag:$0x3], $0x10, s3, s25, $0xb8;
	[tilespmem:$0x121E0] =	vst v63  }
0xa7: {  	s31 =	simm.s32 $0x580  }
0xa8: {  	[spmem:s2] =	stream.indirect.scatter.add.f32 [tilespmem:s26], [sflag:$0x3], $0x10, s31, s25, $0xb8;
	[tilespmem:$0x121E0] =	vst v63  }
0xa9: {  	s3 =	simm.s32 $0x600  }
0xaa: {  	[spmem:s2] =	stream.indirect.scatter.add.f32 [tilespmem:s26], [sflag:$0x3], $0x10, s3, s25, $0xb8;
	[tilespmem:$0x121E0] =	vst v63  }
0xab: {  	s31 =	simm.s32 $0x680  }
0xac: {  	[spmem:s2] =	stream.indirect.scatter.add.f32 [tilespmem:s26], [sflag:$0x3], $0x10, s31, s25, $0xb8;
	[tilespmem:$0x121E0] =	vst v63  }
0xad: {  	s3 =	simm.s32 $0x700  }
0xae: {  	[spmem:s2] =	stream.indirect.scatter.add.f32 [tilespmem:s26], [sflag:$0x3], $0x10, s3, s25, $0xb8;
	[tilespmem:$0x121E0] =	vst v63  }
0xaf: {  	s31 =	simm.s32 $0x780  }
0xb0: {  	[spmem:s2] =	stream.indirect.scatter.add.f32 [tilespmem:s26], [sflag:$0x3], $0x10, s31, s25, $0xb8;
	[tilespmem:$0x121E0] =	vst v63  }
0xb1: {  	_ =	swait.ge [sflag:s28], $0x7D0  }
0xb2: {  	[sflag:s28] =	ssyncset.done $0x0  }
0xb3: {  	[sflag:s28] =	ssyncadd.s32 $0xFFFFF830  }
0xb4: {  	_ =	swait.ge [sflag:s28], $0x7D0  }
0xb5: {  	[sflag:s28] =	ssyncset.done $0x0  }
0xb6: {  	[sflag:s28] =	ssyncadd.s32 $0xFFFFF830  }
0xb7: {  	_ =	swait.ge [sflag:s28], $0x7D0  }
0xb8: {  	[sflag:s28] =	ssyncset.done $0x0  }
0xb9: {  	[sflag:s28] =	ssyncadd.s32 $0xFFFFF830  }
0xba: {  	_ =	swait.ge [sflag:s28], $0x7D0  }
0xbb: {  	[sflag:s28] =	ssyncset.done $0x0  }
0xbc: {  	[sflag:s28] =	ssyncadd.s32 $0xFFFFF830  }
0xbd: {  	_ =	swait.ge [sflag:s28], $0x7D0  }
0xbe: {  	[sflag:s28] =	ssyncset.done $0x0  }
0xbf: {  	[sflag:s28] =	ssyncadd.s32 $0xFFFFF830  }
0xc0: {  	_ =	swait.ge [sflag:s28], $0x7D0  }
0xc1: {  	[sflag:s28] =	ssyncset.done $0x0  }
0xc2: {  	[sflag:s28] =	ssyncadd.s32 $0xFFFFF830  }
0xc3: {  	_ =	swait.ge [sflag:s28], $0x7D0  }
0xc4: {  	[sflag:s28] =	ssyncset.done $0x0  }
0xc5: {  	[sflag:s28] =	ssyncadd.s32 $0xFFFFF830  }
0xc6: {  	_ =	swait.ge [sflag:s28], $0x7D0  }
0xc7: {  	[sflag:s28] =	ssyncset.done $0x0  }
0xc8: {  	[sflag:s28] =	ssyncadd.s32 $0xFFFFF830  }
0xc9: {  	_ =	swait.ge [sflag:s28], $0x7D0  }
0xca: {  	[sflag:s28] =	ssyncset.done $0x0  }
0xcb: {  	[sflag:s28] =	ssyncadd.s32 $0xFFFFF830  }
0xcc: {  	_ =	swait.ge [sflag:s28], $0x7D0  }
0xcd: {  	[sflag:s28] =	ssyncset.done $0x0  }
0xce: {  	[sflag:s28] =	ssyncadd.s32 $0xFFFFF830  }
0xcf: {  	_ =	swait.ge [sflag:s28], $0x7D0  }
0xd0: {  	[sflag:s28] =	ssyncset.done $0x0  }
0xd1: {  	[sflag:s28] =	ssyncadd.s32 $0xFFFFF830  }
0xd2: {  	_ =	swait.ge [sflag:s28], $0x7D0  }
0xd3: {  	[sflag:s28] =	ssyncset.done $0x0  }
0xd4: {  	[sflag:s28] =	ssyncadd.s32 $0xFFFFF830  }
0xd5: {  	_ =	swait.ge [sflag:s28], $0x7D0  }
0xd6: {  	[sflag:s28] =	ssyncset.done $0x0  }
0xd7: {  	[sflag:s28] =	ssyncadd.s32 $0xFFFFF830  }
0xd8: {  	_ =	swait.ge [sflag:s28], $0x7D0  }
0xd9: {  	[sflag:s28] =	ssyncset.done $0x0  }
0xda: {  	[sflag:s28] =	ssyncadd.s32 $0xFFFFF830  }
0xdb: {  	_ =	swait.ge [sflag:s28], $0x7D0  }
0xdc: {  	[sflag:s28] =	ssyncset.done $0x0  }
0xdd: {  	[sflag:s28] =	ssyncadd.s32 $0xFFFFF830  }
0xde: {  	_ =	swait.ge [sflag:s28], $0x7D0  }
0xdf: {  	s29 =	simm.s32 $0x4000;
	s0 =	simm.s32 $0x2000;
	[sflag:s28] =	ssyncset.done $0x0  }
.LBB2_4:
0xe0: {  	s31 =	sshra.s32 s0, $0x2  }
0xe1: {  	[sflag:s28] =	ssyncadd.s32 $0xFFFFF830;
	s0 =	smov.u32 s29;
	s3 =	sadd.s32 $0x2000, s29  }
0xe2: {  	[spmem:s2] =	stream.indirect.scatter.add.f32 [tilespmem:s26], [sflag:$0x3], $0x10, s31, s25, $0xb8;
	[tilespmem:$0x121E0] =	vst v63  }
0xe3: {  	p1 =	sne.s32 s29, $0x8000;
	s29 =	sadd.s32 $0x80, s31  }
0xe4: {  	[spmem:s2] =	stream.indirect.scatter.add.f32 [tilespmem:s26], [sflag:$0x3], $0x10, s29, s25, $0xb8;
	[tilespmem:$0x121E0] =	vst v63  }
0xe5: {  	s29 =	sadd.s32 $0x100, s31  }
0xe6: {  	[spmem:s2] =	stream.indirect.scatter.add.f32 [tilespmem:s26], [sflag:$0x3], $0x10, s29, s25, $0xb8;
	[tilespmem:$0x121E0] =	vst v63  }
0xe7: {  	s29 =	sadd.s32 $0x180, s31  }
0xe8: {  	[spmem:s2] =	stream.indirect.scatter.add.f32 [tilespmem:s26], [sflag:$0x3], $0x10, s29, s25, $0xb8;
	[tilespmem:$0x121E0] =	vst v63  }
0xe9: {  	s29 =	sadd.s32 $0x200, s31  }
0xea: {  	[spmem:s2] =	stream.indirect.scatter.add.f32 [tilespmem:s26], [sflag:$0x3], $0x10, s29, s25, $0xb8;
	[tilespmem:$0x121E0] =	vst v63  }
0xeb: {  	s29 =	sadd.s32 $0x280, s31  }
0xec: {  	[spmem:s2] =	stream.indirect.scatter.add.f32 [tilespmem:s26], [sflag:$0x3], $0x10, s29, s25, $0xb8;
	[tilespmem:$0x121E0] =	vst v63  }
0xed: {  	s29 =	sadd.s32 $0x300, s31  }
0xee: {  	[spmem:s2] =	stream.indirect.scatter.add.f32 [tilespmem:s26], [sflag:$0x3], $0x10, s29, s25, $0xb8;
	[tilespmem:$0x121E0] =	vst v63  }
0xef: {  	s29 =	sadd.s32 $0x380, s31  }
0xf0: {  	[spmem:s2] =	stream.indirect.scatter.add.f32 [tilespmem:s26], [sflag:$0x3], $0x10, s29, s25, $0xb8;
	[tilespmem:$0x121E0] =	vst v63  }
0xf1: {  	s29 =	sadd.s32 $0x400, s31  }
0xf2: {  	[spmem:s2] =	stream.indirect.scatter.add.f32 [tilespmem:s26], [sflag:$0x3], $0x10, s29, s25, $0xb8;
	[tilespmem:$0x121E0] =	vst v63  }
0xf3: {  	s29 =	sadd.s32 $0x480, s31  }
0xf4: {  	[spmem:s2] =	stream.indirect.scatter.add.f32 [tilespmem:s26], [sflag:$0x3], $0x10, s29, s25, $0xb8;
	[tilespmem:$0x121E0] =	vst v63  }
0xf5: {  	s29 =	sadd.s32 $0x500, s31  }
0xf6: {  	[spmem:s2] =	stream.indirect.scatter.add.f32 [tilespmem:s26], [sflag:$0x3], $0x10, s29, s25, $0xb8;
	[tilespmem:$0x121E0] =	vst v63  }
0xf7: {  	s29 =	sadd.s32 $0x580, s31  }
0xf8: {  	[spmem:s2] =	stream.indirect.scatter.add.f32 [tilespmem:s26], [sflag:$0x3], $0x10, s29, s25, $0xb8;
	[tilespmem:$0x121E0] =	vst v63  }
0xf9: {  	s29 =	sadd.s32 $0x600, s31  }
0xfa: {  	[spmem:s2] =	stream.indirect.scatter.add.f32 [tilespmem:s26], [sflag:$0x3], $0x10, s29, s25, $0xb8;
	[tilespmem:$0x121E0] =	vst v63  }
0xfb: {  	s29 =	sadd.s32 $0x680, s31  }
0xfc: {  	[spmem:s2] =	stream.indirect.scatter.add.f32 [tilespmem:s26], [sflag:$0x3], $0x10, s29, s25, $0xb8;
	[tilespmem:$0x121E0] =	vst v63  }
0xfd: {  	s29 =	sadd.s32 $0x700, s31  }
0xfe: {  	[spmem:s2] =	stream.indirect.scatter.add.f32 [tilespmem:s26], [sflag:$0x3], $0x10, s29, s25, $0xb8;
	[tilespmem:$0x121E0] =	vst v63  }
0xff: {  	s29 =	sadd.s32 $0x780, s31  }
0x100: {  	[spmem:s2] =	stream.indirect.scatter.add.f32 [tilespmem:s26], [sflag:$0x3], $0x10, s29, s25, $0xb8;
	[tilespmem:$0x121E0] =	vst v63  }
0x101: {  	_ =	swait.ge [sflag:s28], $0x7D0  }
0x102: {  	[sflag:s28] =	ssyncset.done $0x0  }
0x103: {  	[sflag:s28] =	ssyncadd.s32 $0xFFFFF830  }
0x104: {  	_ =	swait.ge [sflag:s28], $0x7D0  }
0x105: {  	[sflag:s28] =	ssyncset.done $0x0  }
0x106: {  	[sflag:s28] =	ssyncadd.s32 $0xFFFFF830  }
0x107: {  	_ =	swait.ge [sflag:s28], $0x7D0  }
0x108: {  	[sflag:s28] =	ssyncset.done $0x0  }
0x109: {  	[sflag:s28] =	ssyncadd.s32 $0xFFFFF830  }
0x10a: {  	_ =	swait.ge [sflag:s28], $0x7D0  }
0x10b: {  	[sflag:s28] =	ssyncset.done $0x0  }
0x10c: {  	[sflag:s28] =	ssyncadd.s32 $0xFFFFF830  }
0x10d: {  	_ =	swait.ge [sflag:s28], $0x7D0  }
0x10e: {  	[sflag:s28] =	ssyncset.done $0x0  }
0x10f: {  	[sflag:s28] =	ssyncadd.s32 $0xFFFFF830  }
0x110: {  	_ =	swait.ge [sflag:s28], $0x7D0  }
0x111: {  	[sflag:s28] =	ssyncset.done $0x0  }
0x112: {  	[sflag:s28] =	ssyncadd.s32 $0xFFFFF830  }
0x113: {  	_ =	swait.ge [sflag:s28], $0x7D0  }
0x114: {  	[sflag:s28] =	ssyncset.done $0x0  }
0x115: {  	[sflag:s28] =	ssyncadd.s32 $0xFFFFF830  }
0x116: {  	_ =	swait.ge [sflag:s28], $0x7D0  }
0x117: {  	[sflag:s28] =	ssyncset.done $0x0  }
0x118: {  	[sflag:s28] =	ssyncadd.s32 $0xFFFFF830  }
0x119: {  	_ =	swait.ge [sflag:s28], $0x7D0  }
0x11a: {  	[sflag:s28] =	ssyncset.done $0x0  }
0x11b: {  	[sflag:s28] =	ssyncadd.s32 $0xFFFFF830  }
0x11c: {  	_ =	swait.ge [sflag:s28], $0x7D0  }
0x11d: {  	[sflag:s28] =	ssyncset.done $0x0  }
0x11e: {  	[sflag:s28] =	ssyncadd.s32 $0xFFFFF830  }
0x11f: {  	_ =	swait.ge [sflag:s28], $0x7D0  }
0x120: {  	[sflag:s28] =	ssyncset.done $0x0  }
0x121: {  	[sflag:s28] =	ssyncadd.s32 $0xFFFFF830  }
0x122: {  	_ =	swait.ge [sflag:s28], $0x7D0  }
0x123: {  	[sflag:s28] =	ssyncset.done $0x0  }
0x124: {  	[sflag:s28] =	ssyncadd.s32 $0xFFFFF830  }
0x125: {  	_ =	swait.ge [sflag:s28], $0x7D0  }
0x126: {  	[sflag:s28] =	ssyncset.done $0x0  }
0x127: {  	[sflag:s28] =	ssyncadd.s32 $0xFFFFF830  }
0x128: {  	_ =	swait.ge [sflag:s28], $0x7D0  }
0x129: {  	[sflag:s28] =	ssyncset.done $0x0  }
0x12a: {  	[sflag:s28] =	ssyncadd.s32 $0xFFFFF830  }
.Ltmp1:
0x12b: {  	_ =	swait.ge [sflag:s28], $0x7D0;
	(pc) =	sbr.rel @p1 .LBB2_4-.Ltmp1, $4  }
0x12c: {  	[sflag:s28] =	ssyncset.done $0x0  }
0x12d: {  	[sflag:s28] =	ssyncadd.s32 $0xFFFFF830  }
0x12e: {  	_ =	swait.ge [sflag:s28], $0x7D0  }
0x12f: {  	s29 =	smov.u32 s3;
	[sflag:s28] =	ssyncset.done $0x0  }
0x130: {  	s0 =	sshra.s32 s0, $0x2;
	[sflag:s28] =	ssyncadd.s32 $0xFFFFF830  }
0x131: {  	[spmem:s2] =	stream.indirect.scatter.add.f32 [tilespmem:s26], [sflag:$0x3], $0x10, s0, s25, $0xb8;
	[tilespmem:$0x121E0] =	vst v63  }
0x132: {  	s3 =	sadd.s32 $0x80, s0  }
0x133: {  	[spmem:s2] =	stream.indirect.scatter.add.f32 [tilespmem:s26], [sflag:$0x3], $0x10, s3, s25, $0xb8;
	[tilespmem:$0x121E0] =	vst v63  }
0x134: {  	s31 =	sadd.s32 $0x100, s0  }
0x135: {  	[spmem:s2] =	stream.indirect.scatter.add.f32 [tilespmem:s26], [sflag:$0x3], $0x10, s31, s25, $0xb8;
	[tilespmem:$0x121E0] =	vst v63  }
0x136: {  	s31 =	sadd.s32 $0x180, s0  }
0x137: {  	[spmem:s2] =	stream.indirect.scatter.add.f32 [tilespmem:s26], [sflag:$0x3], $0x10, s31, s25, $0xb8;
	[tilespmem:$0x121E0] =	vst v63  }
0x138: {  	s31 =	sadd.s32 $0x200, s0  }
0x139: {  	[spmem:s2] =	stream.indirect.scatter.add.f32 [tilespmem:s26], [sflag:$0x3], $0x10, s31, s25, $0xb8;
	[tilespmem:$0x121E0] =	vst v63  }
0x13a: {  	s31 =	sadd.s32 $0x280, s0  }
0x13b: {  	[spmem:s2] =	stream.indirect.scatter.add.f32 [tilespmem:s26], [sflag:$0x3], $0x10, s31, s25, $0xb8;
	[tilespmem:$0x121E0] =	vst v63  }
0x13c: {  	s31 =	sadd.s32 $0x300, s0  }
0x13d: {  	[spmem:s2] =	stream.indirect.scatter.add.f32 [tilespmem:s26], [sflag:$0x3], $0x10, s31, s25, $0xb8;
	[tilespmem:$0x121E0] =	vst v63  }
0x13e: {  	s31 =	sadd.s32 $0x380, s0  }
0x13f: {  	[spmem:s2] =	stream.indirect.scatter.add.f32 [tilespmem:s26], [sflag:$0x3], $0x10, s31, s25, $0xb8;
	[tilespmem:$0x121E0] =	vst v63  }
0x140: {  	s31 =	sadd.s32 $0x400, s0  }
0x141: {  	[spmem:s2] =	stream.indirect.scatter.add.f32 [tilespmem:s26], [sflag:$0x3], $0x10, s31, s25, $0xb8;
	[tilespmem:$0x121E0] =	vst v63  }
0x142: {  	s31 =	sadd.s32 $0x480, s0  }
0x143: {  	[spmem:s2] =	stream.indirect.scatter.add.f32 [tilespmem:s26], [sflag:$0x3], $0x10, s31, s25, $0xb8;
	[tilespmem:$0x121E0] =	vst v63  }
0x144: {  	s31 =	sadd.s32 $0x500, s0  }
0x145: {  	[spmem:s2] =	stream.indirect.scatter.add.f32 [tilespmem:s26], [sflag:$0x3], $0x10, s31, s25, $0xb8;
	[tilespmem:$0x121E0] =	vst v63  }
0x146: {  	s31 =	sadd.s32 $0x580, s0  }
0x147: {  	[spmem:s2] =	stream.indirect.scatter.add.f32 [tilespmem:s26], [sflag:$0x3], $0x10, s31, s25, $0xb8;
	[tilespmem:$0x121E0] =	vst v63  }
0x148: {  	s31 =	sadd.s32 $0x600, s0  }
0x149: {  	[spmem:s2] =	stream.indirect.scatter.add.f32 [tilespmem:s26], [sflag:$0x3], $0x10, s31, s25, $0xb8;
	[tilespmem:$0x121E0] =	vst v63  }
0x14a: {  	s31 =	sadd.s32 $0x680, s0  }
0x14b: {  	[spmem:s2] =	stream.indirect.scatter.add.f32 [tilespmem:s26], [sflag:$0x3], $0x10, s31, s25, $0xb8;
	[tilespmem:$0x121E0] =	vst v63  }
0x14c: {  	s31 =	sadd.s32 $0x700, s0  }
0x14d: {  	[spmem:s2] =	stream.indirect.scatter.add.f32 [tilespmem:s26], [sflag:$0x3], $0x10, s31, s25, $0xb8;
	[tilespmem:$0x121E0] =	vst v63  }
0x14e: {  	s0 =	sadd.s32 $0x780, s0  }
0x14f: {  	[spmem:s2] =	stream.indirect.scatter.add.f32 [tilespmem:s26], [sflag:$0x3], $0x10, s0, s25, $0xb8;
	[tilespmem:$0x121E0] =	vst v63  }
0x150: {  	_ =	swait.ge [sflag:s28], $0x7D0  }
0x151: {  	[sflag:s28] =	ssyncset.done $0x0  }
0x152: {  	[sflag:s28] =	ssyncadd.s32 $0xFFFFF830  }
0x153: {  	_ =	swait.ge [sflag:s28], $0x7D0  }
0x154: {  	[sflag:s28] =	ssyncset.done $0x0  }
0x155: {  	[sflag:s28] =	ssyncadd.s32 $0xFFFFF830  }
0x156: {  	_ =	swait.ge [sflag:s28], $0x7D0  }
0x157: {  	[sflag:s28] =	ssyncset.done $0x0  }
0x158: {  	[sflag:s28] =	ssyncadd.s32 $0xFFFFF830  }
0x159: {  	_ =	swait.ge [sflag:s28], $0x7D0  }
0x15a: {  	[sflag:s28] =	ssyncset.done $0x0  }
0x15b: {  	[sflag:s28] =	ssyncadd.s32 $0xFFFFF830  }
0x15c: {  	_ =	swait.ge [sflag:s28], $0x7D0  }
0x15d: {  	[sflag:s28] =	ssyncset.done $0x0  }
0x15e: {  	[sflag:s28] =	ssyncadd.s32 $0xFFFFF830  }
0x15f: {  	_ =	swait.ge [sflag:s28], $0x7D0  }
0x160: {  	[sflag:s28] =	ssyncset.done $0x0  }
0x161: {  	[sflag:s28] =	ssyncadd.s32 $0xFFFFF830  }
0x162: {  	_ =	swait.ge [sflag:s28], $0x7D0  }
0x163: {  	[sflag:s28] =	ssyncset.done $0x0  }
0x164: {  	[sflag:s28] =	ssyncadd.s32 $0xFFFFF830  }
0x165: {  	_ =	swait.ge [sflag:s28], $0x7D0  }
0x166: {  	[sflag:s28] =	ssyncset.done $0x0  }
0x167: {  	[sflag:s28] =	ssyncadd.s32 $0xFFFFF830  }
0x168: {  	_ =	swait.ge [sflag:s28], $0x7D0  }
0x169: {  	[sflag:s28] =	ssyncset.done $0x0  }
0x16a: {  	[sflag:s28] =	ssyncadd.s32 $0xFFFFF830  }
0x16b: {  	_ =	swait.ge [sflag:s28], $0x7D0  }
0x16c: {  	[sflag:s28] =	ssyncset.done $0x0  }
0x16d: {  	[sflag:s28] =	ssyncadd.s32 $0xFFFFF830  }
0x16e: {  	_ =	swait.ge [sflag:s28], $0x7D0  }
0x16f: {  	[sflag:s28] =	ssyncset.done $0x0  }
0x170: {  	[sflag:s28] =	ssyncadd.s32 $0xFFFFF830  }
0x171: {  	_ =	swait.ge [sflag:s28], $0x7D0  }
0x172: {  	[sflag:s28] =	ssyncset.done $0x0  }
0x173: {  	[sflag:s28] =	ssyncadd.s32 $0xFFFFF830  }
0x174: {  	_ =	swait.ge [sflag:s28], $0x7D0  }
0x175: {  	[sflag:s28] =	ssyncset.done $0x0  }
0x176: {  	[sflag:s28] =	ssyncadd.s32 $0xFFFFF830  }
0x177: {  	_ =	swait.ge [sflag:s28], $0x7D0  }
0x178: {  	[sflag:s28] =	ssyncset.done $0x0  }
0x179: {  	[sflag:s28] =	ssyncadd.s32 $0xFFFFF830  }
0x17a: {  	_ =	swait.ge [sflag:s28], $0x7D0  }
0x17b: {  	[sflag:s28] =	ssyncset.done $0x0  }
0x17c: {  	[sflag:s28] =	ssyncadd.s32 $0xFFFFF830  }
0x17d: {  	_ =	swait.ge [sflag:s28], $0x7D0  }
0x17e: {  	[sflag:s28] =	ssyncset.done $0x0  }
0x17f: {  	[sflag:s28] =	ssyncadd.s32 $0xFFFFF830  }
0x180: {  	s3 =	simm.s32 $0x32D0;
	[bflag:$0x0] =	sbarrier.arrive $0xFFFF  }
0x181: {  	[tilespmem:s3], [sflag:$0x4] =	stream.linear.gather [spmem:s6], $0x2700, $0x38;
	[tilespmem:$0x121E0] =	vst v63  }
0x182: {  	_ =	swait.ge [sflag:s30], $0x2700  }
0x183: {  	[sflag:s30] =	ssyncset.done $0x0  }
0x184: {  	s0 =	simm.s32 @!p0 $0x59D0;
	[sflag:s30] =	ssyncadd.s32 $0xFFFFD900  }
0x185: {  	[tilespmem:s0], [sflag:$0x4] =	stream.linear.gather @!p0 [spmem:s5], $0x100, $0x38;
	[tilespmem:$0x121E0] =	vst v63  }
0x186: {  	s0 =	simm.s32 @!p0 $0x4  }
0x187: {  	_ =	swait.ge @!p0 [sflag:s0], $0x100  }
0x188: {  	[sflag:s0] =	ssyncset.done @!p0 $0x0  }
0x189: {  	s31 =	simm.s32 $0x0;
	[sflag:s0] =	ssyncadd.s32 @!p0 $0xFFFFFF00  }
0x18a: {  	v2 =	vld [tilespmem:s31+$0x32D0];
	_ =	sdelay $0x3  }
0x18b: {  	s0 =	simm.s32 $0x5AF0  }
0x18c: {  	[tilespmem:s0+$0xFFFFFFE0] =	vst v2  }
0x18d: {  	[tilespmem:s0+$0xFFFFFFF0] =	vst v2  }
0x18e: {  	[tilespmem:s0+$0x0] =	vst v2  }
0x18f: {  	s29 =	simm.s32 $0x80;
	s3 =	simm.s32 $0x10;
	[tilespmem:s0+$0x10] =	vst v2  }
.LBB2_6:
0x190: {  	p1 =	sne.s32 s29, $0x9FC0;
	v2 =	vld [tilespmem:s3+$0x32D0];
	_ =	sdelay $0x3  }
.Ltmp2:
0x191: {  	s0 =	sadd.s32 $0x40, s0;
	(pc) =	sbr.rel @p1 .LBB2_6-.Ltmp2, $4  }
0x192: {  	[tilespmem:s0+$0xFFFFFFE0] =	vst v2  }
0x193: {  	[tilespmem:s0+$0xFFFFFFF0] =	vst v2  }
0x194: {  	[tilespmem:s0+$0x0] =	vst v2  }
0x195: {  	s3 =	sshra.s32 s29, $0x2;
	s29 =	sadd.s32 $0x40, s29;
	[tilespmem:s0+$0x10] =	vst v2  }
0x196: {  	v2 =	vld [tilespmem:s3+$0x32D0];
	_ =	sdelay $0x3  }
0x197: {  	s0 =	sadd.s32 $0x40, s0  }
0x198: {  	[tilespmem:s0+$0xFFFFFFE0] =	vst v2  }
0x199: {  	[tilespmem:s0+$0xFFFFFFF0] =	vst v2  }
0x19a: {  	[tilespmem:s0+$0x0] =	vst v2  }
0x19b: {  	s29 =	simm.s32 $0x0;
	s31 =	simm.s32 $0x5AD0;
	[tilespmem:s0+$0x10] =	vst v2  }
0x19c: {  	[hbm4b:s7+s29] =	stream.linear.scatter [tilespmem:s31], [sflag:$0x4], $0x9C00, $0x38;
	[tilespmem:$0x121E0] =	vst v63  }
0x19d: {  	_ =	swait.ge [sflag:s30], $0x9C00  }
0x19e: {  	s3 =	simm.s32 @!p0 $0xF6D0;
	s1 =	sadd.s32 $0x1, s1;
	[sflag:s30] =	ssyncset.done $0x0  }
0x19f: {  	p1 =	sne.s32 s1, s9;
	s0 =	simm.s32 @!p0 $0x0;
	[sflag:s30] =	ssyncadd.s32 $0xFFFF6400  }
0x1a0: {  	[hbm4b:s8+s0] =	stream.linear.scatter @!p0 [tilespmem:s3], [sflag:$0x4], $0x400, $0x38;
	[tilespmem:$0x121E0] =	vst v63  }
.Ltmp3:
0x1a1: {  	_ = 	snop;
	(pc) =	sbr.rel @p1 .LBB2_1-.Ltmp3, $4  }
0x1a2: {  	s0 =	simm.s32 @!p0 $0x4  }
0x1a3: {  	_ =	swait.ge @!p0 [sflag:s0], $0x400  }
0x1a4: {  	[sflag:s0] =	ssyncset.done @!p0 $0x0  }
0x1a5: {  	[sflag:s0] =	ssyncadd.s32 @!p0 $0xFFFFFC00  }
0x1a6: {  	_ =	sfence.sel $0x180000  }
0x1a7: {  	[bflag:$0x0] =	sbarrier.arrive $0xFFFF  }
0x1a8: {  	_ =	strace $0x90000047  }
0x1a9: {  	s0 =	stileid.u32;
	[bflag:$0x2] =	sbarrier.arrive $0xFFFF  }
0x1aa: {  	p0 =	sne.s32 s0, $0x0;
	s0 =	rddreg [dreg:$0x3]  }
0x1ab: {  	s0 =	sadd.s32 @!p0 $0x100000, s0  }
0x1ac: {  	[sflag:s0] =	ssyncadd.tile.s32 @!p0 $0x1;
	_ =	shalt  }
.Lfunc_end2:
_tile_overlayer_lowered:
.L_overlay_start_2:
0x1ad: {  	(tag) =	ssettag $0x2  }
0x1ae: {  	s0 =	rddreg [dreg:$0x0];
	s2 =	stileid.u32  }
0x1af: {  	s1 =	rddreg [dreg:$0x1];
	p0 =	sne.s32 s2, $0x0  }
0x1b0: {  	s3 =	rddreg [dreg:$0x2];
	[bflag:$0x3] =	sbarrier.arrive $0xFFFF;
	s2 =	simm.s32 @!p0 $0x1C04  }
0x1b1: {  	[timem:s3], [sflag:s2] =	dma.local @!p0 [hbm:s0], s1  }
0x1b2: {  	s0 =	simm.s32 @!p0 $0x4  }
0x1b3: {  	_ =	swait.ge @!p0 [sflag:s0], s1  }
0x1b4: {  	s1 =	ssub.s32 @!p0 $0x0, s1;
	[sflag:s0] =	ssyncset.done @!p0 $0x0  }
0x1b5: {  	[sflag:s0] =	ssyncadd.s32 @!p0 s1  }
0x1b6: {  	[bflag:$0x3] =	sbarrier.arrive $0xFFFF  }
0x1b7: {  	_ =	shalt  }

</sc_bundles>
